<compile_context>
chip_gen: v7x
topology: tpu7x:2x2x1
jax: 0.10.2.dev20260603
libtpu: 0.0.44.dev20260713+nightly
codegen_flags: <defaults>
</compile_context>

<pallas_src>
import functools

import jax
import jax.numpy as jnp
from jax import lax
from jax.experimental import pallas as pl
from jax.experimental.pallas import tpu as pltpu
from jax.experimental.pallas import tpu_sc as plsc

B = 4
D = 256
N = 16384
S = 320
NC = 5
TK = 2048
NT = N // TK
UC = 8
CHUNK = N // 8
NSTEP = CHUNK // 16


def _sc_mx_body(idx_hbm, mx_hbm, idx_v, maxs_v, mxs_v, shared):
    c = lax.axis_index("c")
    s = lax.axis_index("s")
    g = c * 16 + s
    n_local = s // 8
    j = s % 8
    base = g * CHUNK

    pltpu.sync_copy(idx_hbm.at[pl.ds(base, CHUNK)], idx_v)

    def maxbody(i, acc):
        return jnp.maximum(acc, idx_v[pl.ds(i * 16, 16)])

    local_max = lax.fori_loop(0, NSTEP, maxbody, jnp.zeros((16,), jnp.int32))
    mxs_v[...] = local_max
    pltpu.sync_copy(mxs_v, shared.at[s])
    plsc.subcore_barrier()
    pltpu.sync_copy(shared.at[pl.ds(n_local * 8, 8)], maxs_v)
    acc = maxs_v[0]
    for r in range(1, 8):
        acc = jnp.maximum(acc, maxs_v[r])
    gdn = lax.GatherDimensionNumbers(
        offset_dims=(), collapsed_slice_dims=(0,), start_index_map=(0,)
    )
    for shift in (8, 4, 2, 1):
        perm = jnp.bitwise_xor(lax.iota(jnp.int32, 16), shift)
        shuf = lax.gather(
            acc, perm[:, None], dimension_numbers=gdn, slice_sizes=(1,),
            mode=lax.GatherScatterMode.PROMISE_IN_BOUNDS,
        )
        acc = jnp.maximum(acc, shuf)

    @pl.when(j == 0)
    def _write_mx():
        mxs_v[...] = acc
        pltpu.sync_copy(mxs_v, mx_hbm.at[c * 2 + n_local])


@functools.cache
def _sc_mx():
    mesh = plsc.VectorSubcoreMesh(core_axis_name="c", subcore_axis_name="s")
    return pl.kernel(
        _sc_mx_body,
        mesh=mesh,
        out_type=jax.ShapeDtypeStruct((B, 16), jnp.int32),
        scratch_types=[
            pltpu.VMEM((CHUNK,), jnp.int32),
            pltpu.VMEM((8, 16), jnp.int32),
            pltpu.VMEM((16,), jnp.int32),
            pltpu.VMEM_SHARED((16, 16), jnp.int32),
        ],
    )


def _sums_kernel(lab_ref, idx_ref, feat_ref, sums_ref, counts_ref):
    tt = pl.program_id(1)
    u = 64 * lab_ref[0] + idx_ref[0]
    sidx = lax.broadcasted_iota(jnp.int32, (S, TK), 0)
    onehot = (sidx == u).astype(jnp.float32)
    feat = feat_ref[0]
    part = lax.dot_general(
        onehot, feat,
        dimension_numbers=(((1,), (1,)), ((), ())),
        preferred_element_type=jnp.float32,
    )
    cnt = jnp.sum(onehot, axis=1, keepdims=True)

    @pl.when(tt == 0)
    def _init():
        sums_ref[0] = part
        counts_ref[0] = cnt

    @pl.when(tt != 0)
    def _acc():
        sums_ref[0] += part
        counts_ref[0] += cnt


def _epilogue_kernel(sums_ref, counts_ref, mx_ref, out_ref, mean_s, m_s):
    blockones = (
        lax.broadcasted_iota(jnp.int32, (UC * D, UC), 0) // D
        == lax.broadcasted_iota(jnp.int32, (UC * D, UC), 1)
    ).astype(jnp.float32)
    uidx = lax.broadcasted_iota(jnp.int32, (S, S), 0)
    vidx = lax.broadcasted_iota(jnp.int32, (S, S), 1)
    total = jnp.float32(0.0)
    acc = jnp.float32(0.0)
    for n in range(B):
        mxi = mx_ref[n, 0]
        perm = (vidx == mxi * (uidx // 64) + uidx % 64).astype(jnp.float32)
        sums = lax.dot_general(
            perm, sums_ref[n],
            dimension_numbers=(((0,), (0,)), ((), ())),
            preferred_element_type=jnp.float32,
        )
        cnt = lax.dot_general(
            perm, counts_ref[n],
            dimension_numbers=(((0,), (0,)), ((), ())),
            preferred_element_type=jnp.float32,
        )
        mean_s[...] = sums / jnp.maximum(cnt, 1.0)
        nonempty = cnt > 0.0
        nseg = jnp.sum(nonempty.astype(jnp.float32))
        vv = lax.broadcasted_iota(jnp.int32, (S, 1), 0).astype(jnp.float32)
        vmax = jnp.max(jnp.where(nonempty, vv, -1.0))
        v2 = jnp.max(jnp.where(nonempty & (vv != vmax), vv, -1.0))
        prev_val = jnp.where(nseg >= 2.0, v2, vmax)
        mxf = mxi.astype(jnp.float32)
        cls = jnp.ceil(vv / mxf - 1.0)
        last_cls = jnp.ceil(prev_val / mxf - 1.0)
        cls = jnp.where(vv == vmax, last_cls, cls)
        valid = (cnt >= 2.0) & (vv != 0.0) & (nseg > 1.0)
        cidx = lax.broadcasted_iota(jnp.int32, (S, NC), 1).astype(jnp.float32)
        m = (valid & (cls == cidx)).astype(jnp.float32)
        m_s[...] = m
        ks = jnp.sum(m, axis=0, keepdims=True)

        def body(uc, ss):
            chunk = mean_s[pl.ds(uc * UC, UC), :]
            mean = mean_s[...]
            cat = jnp.concatenate(
                [jnp.abs(mean - chunk[s : s + 1, :]) for s in range(UC)],
                axis=1,
            )
            pd_t = lax.dot_general(
                cat, blockones,
                dimension_numbers=(((1,), (0,)), ((), ())),
                preferred_element_type=jnp.float32,
            )
            r = lax.dot_general(
                pd_t, m_s[...],
                dimension_numbers=(((0,), (0,)), ((), ())),
                preferred_element_type=jnp.float32,
            )
            mu = m_s[pl.ds(uc * UC, UC), :]
            return ss + lax.dot_general(
                mu, r,
                dimension_numbers=(((0,), (0,)), ((), ())),
                preferred_element_type=jnp.float32,
            )

        ss = lax.fori_loop(0, S // UC, body, jnp.zeros((NC, NC), jnp.float32))

        for i in range(NC - 1):
            for j in range(i + 1, NC):
                npairs = ks[0, i] * ks[0, j]
                denom = jnp.maximum(npairs, 1.0) * jnp.float32(D)
                ret = ss[i, j] / denom
                ret = jnp.where(ret < 1.0, 0.5 * ret * ret, ret - 0.5)
                flag = (npairs > 0.0).astype(jnp.float32)
                total += flag
                acc += ret * flag

    mean_loss = acc / jnp.maximum(total, 1.0)
    loss = jnp.where(total > 0.0, -mean_loss, 0.0)
    loss = jnp.where(loss == 0.0, -jnp.float32(B), loss)
    out_ref[0, 0] = -jnp.log(-loss / jnp.float32(B))


def kernel(feature_out, labels, indexes):
    feat = feature_out.reshape(B, D, N)
    lab3 = labels.reshape(B, 1, N).astype(jnp.int32)
    idx3 = indexes.reshape(B, 1, N).astype(jnp.int32)
    idx_flat = indexes.reshape(B * N).astype(jnp.int32)

    mx = _sc_mx()(idx_flat)

    sums, counts = pl.pallas_call(
        _sums_kernel,
        grid=(B, NT),
        in_specs=[
            pl.BlockSpec((1, 1, TK), lambda n, t: (n, 0, t)),
            pl.BlockSpec((1, 1, TK), lambda n, t: (n, 0, t)),
            pl.BlockSpec((1, D, TK), lambda n, t: (n, 0, t)),
        ],
        out_specs=[
            pl.BlockSpec((1, S, D), lambda n, t: (n, 0, 0)),
            pl.BlockSpec((1, S, 1), lambda n, t: (n, 0, 0)),
        ],
        out_shape=[
            jax.ShapeDtypeStruct((B, S, D), jnp.float32),
            jax.ShapeDtypeStruct((B, S, 1), jnp.float32),
        ],
    )(lab3, idx3, feat)

    out = pl.pallas_call(
        _epilogue_kernel,
        in_specs=[
            pl.BlockSpec(memory_space=pltpu.VMEM),
            pl.BlockSpec(memory_space=pltpu.VMEM),
            pl.BlockSpec(memory_space=pltpu.SMEM),
        ],
        out_specs=pl.BlockSpec(memory_space=pltpu.SMEM),
        out_shape=jax.ShapeDtypeStruct((1, 1), jnp.float32),
        scratch_shapes=[
            pltpu.VMEM((S, D), jnp.float32),
            pltpu.VMEM((S, NC), jnp.float32),
        ],
    )(sums, counts, mx)
    return out.reshape(1)

# --- scband reference (transcript-rebuilt; emitter-appended) ---
"""Pipeline reference for scband-linter-89000312307760 (READ-ONLY COPY).

The authoritative reference and input builder live on the scoring server;
editing this copy changes nothing except your own understanding.
"""

import jax, jax.numpy as jnp
import numpy as np

IGNORE_LB = 255

_MAX_SEGMENTS = 5 * 64  # bound on distinct index_new values from setup_inputs ranges
_NUM_CLASSES = 5  # labels drawn in [0, 5)


def _forward(feature_out, labels_np, indexes_np, ignore_lb=IGNORE_LB):
    fo = jnp.transpose(feature_out, (0, 2, 3, 1))
    B = fo.shape[0]
    D = fo.shape[3]
    N = fo.shape[1] * fo.shape[2]
    S = _MAX_SEGMENTS
    loss_vals = []
    loss_flags = []
    for n in range(B):
        label_t = labels_np[n].reshape(-1).astype(jnp.int32)
        index_t = indexes_np[n].reshape(-1).astype(jnp.int32)
        mx = jnp.max(index_t)
        keep = label_t != ignore_lb
        index_t = jnp.where(keep, index_t, 0)
        label_t = jnp.where(keep, label_t, 0)
        index_new = mx * label_t + index_t
        order = jnp.argsort(index_new, stable=True)
        srt = index_new[order]
        change = jnp.concatenate(
            [jnp.zeros((1,), jnp.int32), (srt[1:] != srt[:-1]).astype(jnp.int32)]
        )
        seg = jnp.cumsum(change)
        nseg = seg[-1] + 1
        feat_single = fo[n].reshape(-1, D)
        feat_sorted = jnp.take(feat_single, order, axis=0)
        seg_sum = jax.ops.segment_sum(feat_sorted, seg, num_segments=S)
        counts = jax.ops.segment_sum(jnp.ones((N,), jnp.int32), seg, num_segments=S)
        values = jax.ops.segment_max(srt, seg, num_segments=S)
        seg_mean = seg_sum / jnp.maximum(counts, 1).astype(jnp.float32)[:, None]
        mx_f = mx.astype(jnp.float32)
        cls = jnp.ceil(values.astype(jnp.float32) / mx_f - 1.0)
        prev_val = jnp.take(values, jnp.maximum(nseg - 2, 0))
        last_cls = jnp.ceil(prev_val.astype(jnp.float32) / mx_f - 1.0)
        sidx = jnp.arange(S, dtype=jnp.int32)
        cls = jnp.where(sidx == nseg - 1, last_cls, cls)
        valid = (counts >= 2) & (values != 0) & (nseg > 1) & (sidx < nseg)
        pd = jnp.sum(jnp.abs(seg_mean[:, None, :] - seg_mean[None, :, :]), axis=-1)
        masks = [valid & (cls == float(c)) for c in range(_NUM_CLASSES)]
        ks = [m.sum() for m in masks]
        for i in range(_NUM_CLASSES - 1):
            for j in range(i + 1, _NUM_CLASSES):
                pm = masks[i][:, None] & masks[j][None, :]
                npairs = ks[i] * ks[j]
                denom = (jnp.maximum(npairs, 1) * D).astype(jnp.float32)
                ret = jnp.sum(jnp.where(pm, pd, 0.0)) / denom
                ret = jnp.where(ret < 1.0, 0.5 * ret ** 2, ret - 0.5)
                loss_vals.append(ret)
                loss_flags.append((npairs > 0).astype(jnp.float32))
    vals = jnp.stack(loss_vals)
    flags = jnp.stack(loss_flags)
    total = jnp.sum(flags)
    mean_loss = jnp.sum(vals * flags) / jnp.maximum(total, 1.0)
    loss = jnp.where(
        total > 0.0,
        jnp.zeros(1, dtype=jnp.float32) - mean_loss,
        jnp.zeros(1, dtype=jnp.float32),
    )
    loss = jnp.where(loss == 0.0, -jnp.ones(1, dtype=jnp.float32) * B, loss)
    return -jnp.log(-loss / B)


def setup_inputs(seed: int = 0) -> dict:
    key = jax.random.key(seed)
    k1, k2, k3 = jax.random.split(key, 3)
    feature_out = jax.random.normal(k1, (4, 256, 128, 128), dtype=jnp.float32)
    labels = jax.random.randint(k2, (4, 128, 128), 0, 5, dtype=jnp.int32)
    indexes = jax.random.randint(k3, (4, 128, 128), 0, 64, dtype=jnp.int32)
    return {"feature_out": feature_out, "labels": labels, "indexes": indexes}


def reference(feature_out, labels, indexes):
    return _forward(feature_out, labels, indexes)

if __name__ == "__main__":
    import jax
    _d = setup_inputs()
    print(jax.jit(kernel)(*tuple(_d.values())))

</pallas_src>

<mosaic_0001>
#map = affine_map<(d0, d1) -> (0)>
#map1 = affine_map<(d0, d1) -> (0, 0)>
module attributes {stable_mosaic.version = 14 : i64} {
  func.func @_sc_mx_body(%arg0: i32, %arg1: i32, %arg2: memref<65536xi32, #tpu.memory_space<hbm>>, %arg3: memref<4x16xi32, #tpu.memory_space<hbm>>, %arg4: memref<2048xi32, #tpu.memory_space<vmem>>, %arg5: memref<8x16xi32, #tpu.memory_space<vmem>>, %arg6: memref<16xi32, #tpu.memory_space<vmem>>, %arg7: memref<16x16xi32, #tpu.memory_space<vmem_shared>>) attributes {dimension_semantics = [#tpu.dimension_semantics<core_parallel>, #tpu.dimension_semantics<subcore_parallel>], iteration_bounds = array<i64: 2, 16>, scalar_prefetch = 0 : i64, scratch_operands = 4 : i64, tpu.core_type = #tpu.core_type<sc_vector_subcore>, window_params = [{transform_indices = #map}, {transform_indices = #map1}]} {
    %mul3A = arith.constant 16 : i32
    %mul3A_0 = arith.muli %arg0, %mul3A : i32
    %add3A = arith.addi %mul3A_0, %arg1 : i32
    %jit3A = arith.constant 8 : i32
    %div3A = arith.divsi %arg1, %jit3A : i32
    %sign3A = arith.constant 0 : i32
    %sign3A_1 = arith.cmpi sgt, %arg1, %sign3A : i32
    %sign3A_2 = arith.extui %sign3A_1 : i1 to i32
    %sign3A_3 = arith.constant 0 : i32
    %sign3A_4 = arith.cmpi slt, %arg1, %sign3A_3 : i32
    %sign3A_5 = arith.extui %sign3A_4 : i1 to i32
    %sign3A_6 = arith.subi %sign3A_2, %sign3A_5 : i32
    %sign3A_7 = arith.constant 0 : i32
    %sign3A_8 = arith.cmpi sgt, %jit3A, %sign3A_7 : i32
    %sign3A_9 = arith.extui %sign3A_8 : i1 to i32
    %sign3A_10 = arith.constant 0 : i32
    %sign3A_11 = arith.cmpi slt, %jit3A, %sign3A_10 : i32
    %sign3A_12 = arith.extui %sign3A_11 : i1 to i32
    %sign3A_13 = arith.subi %sign3A_9, %sign3A_12 : i32
    %ne3A = arith.cmpi ne, %sign3A_6, %sign3A_13 : i32
    %rem3A = arith.remsi %arg1, %jit3A : i32
    %ne3A_14 = arith.constant 0 : i32
    %ne3A_15 = arith.cmpi ne, %rem3A, %ne3A_14 : i32
    %and3A = arith.andi %ne3A, %ne3A_15 : i1
    %sub3A = arith.constant 1 : i32
    %sub3A_16 = arith.subi %div3A, %sub3A : i32
    %select_n3A = arith.select %and3A, %sub3A_16, %div3A : i32
    %jit3A_17 = arith.constant 8 : i32
    %eq3A = arith.constant 0 : i32
    %eq3A_18 = arith.cmpi eq, %jit3A_17, %eq3A : i32
    %jit3A_19 = arith.constant 1 : i32
    %select_n3A_20 = arith.select %eq3A_18, %jit3A_19, %jit3A_17 : i32
    %rem3A_21 = arith.remsi %arg1, %select_n3A_20 : i32
    %ne3A_22 = arith.constant 0 : i32
    %ne3A_23 = arith.cmpi ne, %rem3A_21, %ne3A_22 : i32
    %lt3A = arith.constant 0 : i32
    %lt3A_24 = arith.cmpi slt, %rem3A_21, %lt3A : i32
    %lt3A_25 = arith.constant 0 : i32
    %lt3A_26 = arith.cmpi slt, %select_n3A_20, %lt3A_25 : i32
    %ne3A_27 = arith.xori %lt3A_24, %lt3A_26 : i1
    %and3A_28 = arith.andi %ne3A_27, %ne3A_23 : i1
    %add3A_29 = arith.addi %rem3A_21, %select_n3A_20 : i32
    %select_n3A_30 = arith.select %and3A_28, %add3A_29, %rem3A_21 : i32
    %mul3A_31 = arith.constant 2048 : i32
    %mul3A_32 = arith.muli %add3A, %mul3A_31 : i32
    "tpu.region"() ({
      %run_scoped3A = tpu.sem_alloc : memref<!tpu.dma_semaphore, #tpu.memory_space<semaphore_mem>>
      %dma_start3A = tpu.memref_slice %arg2[%mul3A_32] : memref<65536xi32, #tpu.memory_space<hbm>> -> memref<2048xi32, #tpu.memory_space<hbm>>
      %dma_start3A_121 = tpu.memref_slice %arg2[%mul3A_32] : memref<65536xi32, #tpu.memory_space<hbm>> -> memref<2048xi32, #tpu.memory_space<hbm>>
      tpu.enqueue_dma source(%dma_start3A_121 : memref<2048xi32, #tpu.memory_space<hbm>>) target(%arg4 : memref<2048xi32, #tpu.memory_space<vmem>>) target_semaphore(%run_scoped3A : memref<!tpu.dma_semaphore, #tpu.memory_space<semaphore_mem>>)
      %dma_wait3A = tpu.memref_slice %arg2[%mul3A_32] : memref<65536xi32, #tpu.memory_space<hbm>> -> memref<2048xi32, #tpu.memory_space<hbm>>
      %dma_wait3A_122 = tpu.memref_slice %arg2[%mul3A_32] : memref<65536xi32, #tpu.memory_space<hbm>> -> memref<2048xi32, #tpu.memory_space<hbm>>
      tpu.wait_dma2 semaphore(%run_scoped3A : memref<!tpu.dma_semaphore, #tpu.memory_space<semaphore_mem>>) src(%dma_wait3A_122 : memref<2048xi32, #tpu.memory_space<hbm>>) dst(%arg4 : memref<2048xi32, #tpu.memory_space<vmem>>)
      tpu.yield
    }) : () -> ()
    %broadcast_in_dim3A = arith.constant 0 : i32
    %broadcast_in_dim3A_33 = vector.broadcast %broadcast_in_dim3A : i32 to vector<16xi32>
    %scan3A = arith.constant 0 : i32
    %scan3A_34 = arith.constant 128 : i32
    %scan3A_35 = arith.addi %scan3A, %scan3A_34 : i32
    %scan3A_36 = arith.constant 1 : i32
    %scan3A_37 = scf.for %scan3A_121 = %scan3A to %scan3A_35 step %scan3A_36 iter_args(%scan3A_122 = %broadcast_in_dim3A_33) -> (vector<16xi32>)  : i32 {
      %mul3A_123 = arith.constant 16 : i32
      %mul3A_124 = arith.muli %scan3A_121, %mul3A_123 : i32
      %get3A_125 = arith.index_cast %mul3A_124 : i32 to index
      %get3A_126 = tpu.vector_load %arg4[%get3A_125] {strides = array<i32>} : memref<2048xi32, #tpu.memory_space<vmem>>, vector<16xi32>,
      %get3A_127 = vector.shape_cast %get3A_126 : vector<16xi32> to vector<16xi32>
      %max3A_128 = arith.maxsi %scan3A_122, %get3A_127 : vector<16xi32>
      scf.yield %max3A_128 : vector<16xi32>
    }
    %scan3A_38 = arith.constant 128 : i32
    %swap3A = arith.constant 0 : index
    %swap3A_39 = tpu.vector_load %arg6[%swap3A] {strides = array<i32>} : memref<16xi32, #tpu.memory_space<vmem>>, vector<16xi32>,
    %swap3A_40 = vector.shape_cast %swap3A_39 : vector<16xi32> to vector<16xi32>
    %swap3A_41 = vector.shape_cast %scan3A_37 : vector<16xi32> to vector<16xi32>
    tpu.vector_store %arg6[%swap3A], %swap3A_41 {strides = array<i32>} : memref<16xi32, #tpu.memory_space<vmem>>, vector<16xi32>,
    "tpu.region"() ({
      %run_scoped3A = tpu.sem_alloc : memref<!tpu.dma_semaphore, #tpu.memory_space<semaphore_mem>>
      %dma_start3A = arith.constant 0 : i32
      %dma_start3A_121 = tpu.memref_slice %arg7[%arg1, %dma_start3A] : memref<16x16xi32, #tpu.memory_space<vmem_shared>> -> memref<1x16xi32, #tpu.memory_space<vmem_shared>>
      %dma_start3A_122 = tpu.memref_squeeze %dma_start3A_121 : memref<1x16xi32, #tpu.memory_space<vmem_shared>> -> memref<16xi32, #tpu.memory_space<vmem_shared>>
      %dma_start3A_123 = arith.constant 0 : i32
      %dma_start3A_124 = tpu.memref_slice %arg7[%arg1, %dma_start3A_123] : memref<16x16xi32, #tpu.memory_space<vmem_shared>> -> memref<1x16xi32, #tpu.memory_space<vmem_shared>>
      %dma_start3A_125 = tpu.memref_squeeze %dma_start3A_124 : memref<1x16xi32, #tpu.memory_space<vmem_shared>> -> memref<16xi32, #tpu.memory_space<vmem_shared>>
      tpu.enqueue_dma source(%arg6 : memref<16xi32, #tpu.memory_space<vmem>>) target(%dma_start3A_125 : memref<16xi32, #tpu.memory_space<vmem_shared>>) target_semaphore(%run_scoped3A : memref<!tpu.dma_semaphore, #tpu.memory_space<semaphore_mem>>)
      %dma_wait3A = arith.constant 0 : i32
      %dma_wait3A_126 = tpu.memref_slice %arg7[%arg1, %dma_wait3A] : memref<16x16xi32, #tpu.memory_space<vmem_shared>> -> memref<1x16xi32, #tpu.memory_space<vmem_shared>>
      %dma_wait3A_127 = tpu.memref_squeeze %dma_wait3A_126 : memref<1x16xi32, #tpu.memory_space<vmem_shared>> -> memref<16xi32, #tpu.memory_space<vmem_shared>>
      %dma_wait3A_128 = arith.constant 0 : i32
      %dma_wait3A_129 = tpu.memref_slice %arg7[%arg1, %dma_wait3A_128] : memref<16x16xi32, #tpu.memory_space<vmem_shared>> -> memref<1x16xi32, #tpu.memory_space<vmem_shared>>
      %dma_wait3A_130 = tpu.memref_squeeze %dma_wait3A_129 : memref<1x16xi32, #tpu.memory_space<vmem_shared>> -> memref<16xi32, #tpu.memory_space<vmem_shared>>
      tpu.wait_dma2 semaphore(%run_scoped3A : memref<!tpu.dma_semaphore, #tpu.memory_space<semaphore_mem>>) src(%arg6 : memref<16xi32, #tpu.memory_space<vmem>>) dst(%dma_wait3A_130 : memref<16xi32, #tpu.memory_space<vmem_shared>>)
      tpu.yield
    }) : () -> ()
    %barrier3A = arith.constant 0 : index
    tpu.barrier barrier_id(%barrier3A)
    %mul3A_42 = arith.constant 8 : i32
    %mul3A_43 = arith.muli %select_n3A, %mul3A_42 : i32
    "tpu.region"() ({
      %run_scoped3A = tpu.sem_alloc : memref<!tpu.dma_semaphore, #tpu.memory_space<semaphore_mem>>
      %dma_start3A = arith.constant 0 : i32
      %dma_start3A_121 = tpu.memref_slice %arg7[%mul3A_43, %dma_start3A] : memref<16x16xi32, #tpu.memory_space<vmem_shared>> -> memref<8x16xi32, #tpu.memory_space<vmem_shared>>
      %dma_start3A_122 = arith.constant 0 : i32
      %dma_start3A_123 = tpu.memref_slice %arg7[%mul3A_43, %dma_start3A_122] : memref<16x16xi32, #tpu.memory_space<vmem_shared>> -> memref<8x16xi32, #tpu.memory_space<vmem_shared>>
      tpu.enqueue_dma source(%dma_start3A_123 : memref<8x16xi32, #tpu.memory_space<vmem_shared>>) target(%arg5 : memref<8x16xi32, #tpu.memory_space<vmem>>) target_semaphore(%run_scoped3A : memref<!tpu.dma_semaphore, #tpu.memory_space<semaphore_mem>>)
      %dma_wait3A = arith.constant 0 : i32
      %dma_wait3A_124 = tpu.memref_slice %arg7[%mul3A_43, %dma_wait3A] : memref<16x16xi32, #tpu.memory_space<vmem_shared>> -> memref<8x16xi32, #tpu.memory_space<vmem_shared>>
      %dma_wait3A_125 = arith.constant 0 : i32
      %dma_wait3A_126 = tpu.memref_slice %arg7[%mul3A_43, %dma_wait3A_125] : memref<16x16xi32, #tpu.memory_space<vmem_shared>> -> memref<8x16xi32, #tpu.memory_space<vmem_shared>>
      tpu.wait_dma2 semaphore(%run_scoped3A : memref<!tpu.dma_semaphore, #tpu.memory_space<semaphore_mem>>) src(%dma_wait3A_126 : memref<8x16xi32, #tpu.memory_space<vmem_shared>>) dst(%arg5 : memref<8x16xi32, #tpu.memory_space<vmem>>)
      tpu.yield
    }) : () -> ()
    %get3A = arith.constant 0 : i32
    %get3A_44 = arith.index_cast %get3A : i32 to index
    %get3A_45 = arith.constant 0 : index
    %get3A_46 = tpu.vector_load %arg5[%get3A_44, %get3A_45] {strides = array<i32>} : memref<8x16xi32, #tpu.memory_space<vmem>>, vector<1x16xi32>,
    %get3A_47 = vector.shape_cast %get3A_46 : vector<1x16xi32> to vector<16xi32>
    %get3A_48 = arith.constant 1 : i32
    %get3A_49 = arith.index_cast %get3A_48 : i32 to index
    %get3A_50 = arith.constant 0 : index
    %get3A_51 = tpu.vector_load %arg5[%get3A_49, %get3A_50] {strides = array<i32>} : memref<8x16xi32, #tpu.memory_space<vmem>>, vector<1x16xi32>,
    %get3A_52 = vector.shape_cast %get3A_51 : vector<1x16xi32> to vector<16xi32>
    %max3A = arith.maxsi %get3A_47, %get3A_52 : vector<16xi32>
    %get3A_53 = arith.constant 2 : i32
    %get3A_54 = arith.index_cast %get3A_53 : i32 to index
    %get3A_55 = arith.constant 0 : index
    %get3A_56 = tpu.vector_load %arg5[%get3A_54, %get3A_55] {strides = array<i32>} : memref<8x16xi32, #tpu.memory_space<vmem>>, vector<1x16xi32>,
    %get3A_57 = vector.shape_cast %get3A_56 : vector<1x16xi32> to vector<16xi32>
    %max3A_58 = arith.maxsi %max3A, %get3A_57 : vector<16xi32>
    %get3A_59 = arith.constant 3 : i32
    %get3A_60 = arith.index_cast %get3A_59 : i32 to index
    %get3A_61 = arith.constant 0 : index
    %get3A_62 = tpu.vector_load %arg5[%get3A_60, %get3A_61] {strides = array<i32>} : memref<8x16xi32, #tpu.memory_space<vmem>>, vector<1x16xi32>,
    %get3A_63 = vector.shape_cast %get3A_62 : vector<1x16xi32> to vector<16xi32>
    %max3A_64 = arith.maxsi %max3A_58, %get3A_63 : vector<16xi32>
    %get3A_65 = arith.constant 4 : i32
    %get3A_66 = arith.index_cast %get3A_65 : i32 to index
    %get3A_67 = arith.constant 0 : index
    %get3A_68 = tpu.vector_load %arg5[%get3A_66, %get3A_67] {strides = array<i32>} : memref<8x16xi32, #tpu.memory_space<vmem>>, vector<1x16xi32>,
    %get3A_69 = vector.shape_cast %get3A_68 : vector<1x16xi32> to vector<16xi32>
    %max3A_70 = arith.maxsi %max3A_64, %get3A_69 : vector<16xi32>
    %get3A_71 = arith.constant 5 : i32
    %get3A_72 = arith.index_cast %get3A_71 : i32 to index
    %get3A_73 = arith.constant 0 : index
    %get3A_74 = tpu.vector_load %arg5[%get3A_72, %get3A_73] {strides = array<i32>} : memref<8x16xi32, #tpu.memory_space<vmem>>, vector<1x16xi32>,
    %get3A_75 = vector.shape_cast %get3A_74 : vector<1x16xi32> to vector<16xi32>
    %max3A_76 = arith.maxsi %max3A_70, %get3A_75 : vector<16xi32>
    %get3A_77 = arith.constant 6 : i32
    %get3A_78 = arith.index_cast %get3A_77 : i32 to index
    %get3A_79 = arith.constant 0 : index
    %get3A_80 = tpu.vector_load %arg5[%get3A_78, %get3A_79] {strides = array<i32>} : memref<8x16xi32, #tpu.memory_space<vmem>>, vector<1x16xi32>,
    %get3A_81 = vector.shape_cast %get3A_80 : vector<1x16xi32> to vector<16xi32>
    %max3A_82 = arith.maxsi %max3A_76, %get3A_81 : vector<16xi32>
    %get3A_83 = arith.constant 7 : i32
    %get3A_84 = arith.index_cast %get3A_83 : i32 to index
    %get3A_85 = arith.constant 0 : index
    %get3A_86 = tpu.vector_load %arg5[%get3A_84, %get3A_85] {strides = array<i32>} : memref<8x16xi32, #tpu.memory_space<vmem>>, vector<1x16xi32>,
    %get3A_87 = vector.shape_cast %get3A_86 : vector<1x16xi32> to vector<16xi32>
    %max3A_88 = arith.maxsi %max3A_82, %get3A_87 : vector<16xi32>
    %iota3A = tpu.iota {dimensions = array<i32: 0>} : vector<16xi32>
    %xor3A = arith.constant 8 : i32
    %xor3A_89 = vector.broadcast %xor3A : i32 to vector<16xi32>
    %xor3A_90 = arith.xori %iota3A, %xor3A_89 : vector<16xi32>
    %broadcast_in_dim3A_91 = vector.shape_cast %xor3A_90 : vector<16xi32> to vector<16x1xi32>
    %gather3A = vector.shape_cast %broadcast_in_dim3A_91 : vector<16x1xi32> to vector<16xi32>
    %gather3A_92 = tpu.dynamic_gather %max3A_88[%gather3A] in [0] : vector<16xi32>, vector<16xi32> -> vector<16xi32>
    %max3A_93 = arith.maxsi %max3A_88, %gather3A_92 : vector<16xi32>
    %iota3A_94 = tpu.iota {dimensions = array<i32: 0>} : vector<16xi32>
    %xor3A_95 = arith.constant 4 : i32
    %xor3A_96 = vector.broadcast %xor3A_95 : i32 to vector<16xi32>
    %xor3A_97 = arith.xori %iota3A_94, %xor3A_96 : vector<16xi32>
    %broadcast_in_dim3A_98 = vector.shape_cast %xor3A_97 : vector<16xi32> to vector<16x1xi32>
    %gather3A_99 = vector.shape_cast %broadcast_in_dim3A_98 : vector<16x1xi32> to vector<16xi32>
    %gather3A_100 = tpu.dynamic_gather %max3A_93[%gather3A_99] in [0] : vector<16xi32>, vector<16xi32> -> vector<16xi32>
    %max3A_101 = arith.maxsi %max3A_93, %gather3A_100 : vector<16xi32>
    %iota3A_102 = tpu.iota {dimensions = array<i32: 0>} : vector<16xi32>
    %xor3A_103 = arith.constant 2 : i32
    %xor3A_104 = vector.broadcast %xor3A_103 : i32 to vector<16xi32>
    %xor3A_105 = arith.xori %iota3A_102, %xor3A_104 : vector<16xi32>
    %broadcast_in_dim3A_106 = vector.shape_cast %xor3A_105 : vector<16xi32> to vector<16x1xi32>
    %gather3A_107 = vector.shape_cast %broadcast_in_dim3A_106 : vector<16x1xi32> to vector<16xi32>
    %gather3A_108 = tpu.dynamic_gather %max3A_101[%gather3A_107] in [0] : vector<16xi32>, vector<16xi32> -> vector<16xi32>
    %max3A_109 = arith.maxsi %max3A_101, %gather3A_108 : vector<16xi32>
    %iota3A_110 = tpu.iota {dimensions = array<i32: 0>} : vector<16xi32>
    %xor3A_111 = arith.constant 1 : i32
    %xor3A_112 = vector.broadcast %xor3A_111 : i32 to vector<16xi32>
    %xor3A_113 = arith.xori %iota3A_110, %xor3A_112 : vector<16xi32>
    %broadcast_in_dim3A_114 = vector.shape_cast %xor3A_113 : vector<16xi32> to vector<16x1xi32>
    %gather3A_115 = vector.shape_cast %broadcast_in_dim3A_114 : vector<16x1xi32> to vector<16xi32>
    %gather3A_116 = tpu.dynamic_gather %max3A_109[%gather3A_115] in [0] : vector<16xi32>, vector<16xi32> -> vector<16xi32>
    %max3A_117 = arith.maxsi %max3A_109, %gather3A_116 : vector<16xi32>
    %eq3A_118 = arith.constant 0 : i32
    %eq3A_119 = arith.cmpi eq, %select_n3A_30, %eq3A_118 : i32
    %convert_element_type3A = arith.extui %eq3A_119 : i1 to i32
    %cond3A = arith.constant 0 : i32
    %cond3A_120 = arith.cmpi ne, %convert_element_type3A, %cond3A : i32
    scf.if %cond3A_120 {
      %swap3A_121 = arith.constant 0 : index
      %swap3A_122 = tpu.vector_load %arg6[%swap3A_121] {strides = array<i32>} : memref<16xi32, #tpu.memory_space<vmem>>, vector<16xi32>,
      %swap3A_123 = vector.shape_cast %swap3A_122 : vector<16xi32> to vector<16xi32>
      %swap3A_124 = vector.shape_cast %max3A_117 : vector<16xi32> to vector<16xi32>
      tpu.vector_store %arg6[%swap3A_121], %swap3A_124 {strides = array<i32>} : memref<16xi32, #tpu.memory_space<vmem>>, vector<16xi32>,
      %mul3A_125 = arith.constant 2 : i32
      %mul3A_126 = arith.muli %arg0, %mul3A_125 : i32
      %add3A_127 = arith.addi %mul3A_126, %select_n3A : i32
      "tpu.region"() ({
        %run_scoped3A = tpu.sem_alloc : memref<!tpu.dma_semaphore, #tpu.memory_space<semaphore_mem>>
        %dma_start3A = arith.constant 0 : i32
        %dma_start3A_128 = tpu.memref_slice %arg3[%add3A_127, %dma_start3A] : memref<4x16xi32, #tpu.memory_space<hbm>> -> memref<1x16xi32, #tpu.memory_space<hbm>>
        %dma_start3A_129 = tpu.memref_squeeze %dma_start3A_128 : memref<1x16xi32, #tpu.memory_space<hbm>> -> memref<16xi32, #tpu.memory_space<hbm>>
        %dma_start3A_130 = arith.constant 0 : i32
        %dma_start3A_131 = tpu.memref_slice %arg3[%add3A_127, %dma_start3A_130] : memref<4x16xi32, #tpu.memory_space<hbm>> -> memref<1x16xi32, #tpu.memory_space<hbm>>
        %dma_start3A_132 = tpu.memref_squeeze %dma_start3A_131 : memref<1x16xi32, #tpu.memory_space<hbm>> -> memref<16xi32, #tpu.memory_space<hbm>>
        tpu.enqueue_dma source(%arg6 : memref<16xi32, #tpu.memory_space<vmem>>) target(%dma_start3A_132 : memref<16xi32, #tpu.memory_space<hbm>>) target_semaphore(%run_scoped3A : memref<!tpu.dma_semaphore, #tpu.memory_space<semaphore_mem>>)
        %dma_wait3A = arith.constant 0 : i32
        %dma_wait3A_133 = tpu.memref_slice %arg3[%add3A_127, %dma_wait3A] : memref<4x16xi32, #tpu.memory_space<hbm>> -> memref<1x16xi32, #tpu.memory_space<hbm>>
        %dma_wait3A_134 = tpu.memref_squeeze %dma_wait3A_133 : memref<1x16xi32, #tpu.memory_space<hbm>> -> memref<16xi32, #tpu.memory_space<hbm>>
        %dma_wait3A_135 = arith.constant 0 : i32
        %dma_wait3A_136 = tpu.memref_slice %arg3[%add3A_127, %dma_wait3A_135] : memref<4x16xi32, #tpu.memory_space<hbm>> -> memref<1x16xi32, #tpu.memory_space<hbm>>
        %dma_wait3A_137 = tpu.memref_squeeze %dma_wait3A_136 : memref<1x16xi32, #tpu.memory_space<hbm>> -> memref<16xi32, #tpu.memory_space<hbm>>
        tpu.wait_dma2 semaphore(%run_scoped3A : memref<!tpu.dma_semaphore, #tpu.memory_space<semaphore_mem>>) src(%arg6 : memref<16xi32, #tpu.memory_space<vmem>>) dst(%dma_wait3A_137 : memref<16xi32, #tpu.memory_space<hbm>>)
        tpu.yield
      }) : () -> ()
    } else {
    }
    return
  }
}

module attributes {stable_mosaic.version = 14 : i64} {
  func.func @_sums_kernel(%arg0: i32, %arg1: i32, %arg2: memref<1x1x2048xi32, #tpu.memory_space<vmem>>, %arg3: memref<1x1x2048xi32, #tpu.memory_space<vmem>>, %arg4: memref<1x256x2048xf32, #tpu.memory_space<vmem>>, %arg5: memref<1x320x256xf32, #tpu.memory_space<vmem>>, %arg6: memref<1x320x1xf32, #tpu.memory_space<vmem>>) attributes {dimension_semantics = [#tpu.dimension_semantics<arbitrary>, #tpu.dimension_semantics<arbitrary>], iteration_bounds = array<i64: 4, 8>, scalar_prefetch = 0 : i64, scratch_operands = 0 : i64, tpu.core_type = #tpu.core_type<tc>, window_params = [{transform_indices = @transform_0, window_bounds = array<i64: 1, 1, 2048>}, {transform_indices = @transform_1, window_bounds = array<i64: 1, 1, 2048>}, {transform_indices = @transform_2, window_bounds = array<i64: 1, 256, 2048>}, {transform_indices = @transform_3, window_bounds = array<i64: 1, 320, 256>}, {transform_indices = @transform_4, window_bounds = array<i64: 1, 320, 1>}]} {
    %get3A = arith.constant 0 : index
    %get3A_0 = arith.constant 0 : index
    %get3A_1 = arith.constant 0 : index
    %get3A_2 = vector.load %arg2[%get3A, %get3A_0, %get3A_1] : memref<1x1x2048xi32, #tpu.memory_space<vmem>>, vector<1x1x2048xi32>
    %get3A_3 = vector.shape_cast %get3A_2 : vector<1x1x2048xi32> to vector<1x2048xi32>
    %mul3A = arith.constant 64 : i32
    %mul3A_4 = vector.broadcast %mul3A : i32 to vector<1x2048xi32>
    %mul3A_5 = arith.muli %mul3A_4, %get3A_3 : vector<1x2048xi32>
    %get3A_6 = arith.constant 0 : index
    %get3A_7 = arith.constant 0 : index
    %get3A_8 = arith.constant 0 : index
    %get3A_9 = vector.load %arg3[%get3A_6, %get3A_7, %get3A_8] : memref<1x1x2048xi32, #tpu.memory_space<vmem>>, vector<1x1x2048xi32>
    %get3A_10 = vector.shape_cast %get3A_9 : vector<1x1x2048xi32> to vector<1x2048xi32>
    %add3A = arith.addi %mul3A_5, %get3A_10 : vector<1x2048xi32>
    %iota3A = tpu.iota {dimensions = array<i32: 0>} : vector<320x2048xi32>
    %eq3A = vector.broadcast %add3A : vector<1x2048xi32> to vector<320x2048xi32>
    %eq3A_11 = arith.cmpi eq, %iota3A, %eq3A : vector<320x2048xi32>
    %convert_element_type3A = arith.extui %eq3A_11 : vector<320x2048xi1> to vector<320x2048xi32>
    %convert_element_type3A_12 = arith.sitofp %convert_element_type3A : vector<320x2048xi32> to vector<320x2048xf32>
    %get3A_13 = arith.constant 0 : index
    %get3A_14 = arith.constant 0 : index
    %get3A_15 = arith.constant 0 : index
    %get3A_16 = vector.load %arg4[%get3A_13, %get3A_14, %get3A_15] : memref<1x256x2048xf32, #tpu.memory_space<vmem>>, vector<1x256x2048xf32>
    %get3A_17 = vector.shape_cast %get3A_16 : vector<1x256x2048xf32> to vector<256x2048xf32>
    %dot_general3A = arith.constant dense<0.000000e+00> : vector<320x256xf32>
    %dot_general3A_18 = tpu.matmul %convert_element_type3A_12, %get3A_17, %dot_general3A {dimension_numbers = #tpu.dot_dimension_numbers<[1], [1], [0], [0], [0, 0, 1, 0], [], []>, transpose_lhs_hint = false} : vector<320x2048xf32>, vector<256x2048xf32>, vector<320x256xf32> -> vector<320x256xf32>
    %reduce_sum3A = arith.constant dense<0.000000e+00> : vector<320xf32>
    %reduce_sum3A_19 = vector.multi_reduction <add>, %convert_element_type3A_12, %reduce_sum3A [1] : vector<320x2048xf32> to vector<320xf32>
    %broadcast_in_dim3A = vector.shape_cast %reduce_sum3A_19 : vector<320xf32> to vector<320x1xf32>
    %eq3A_20 = arith.constant 0 : i32
    %eq3A_21 = arith.cmpi eq, %arg1, %eq3A_20 : i32
    %convert_element_type3A_22 = arith.extui %eq3A_21 : i1 to i32
    %cond3A = arith.constant 0 : i32
    %cond3A_23 = arith.cmpi ne, %convert_element_type3A_22, %cond3A : i32
    scf.if %cond3A_23 {
      %swap3A = arith.constant 0 : index
      %swap3A_28 = arith.constant 0 : index
      %swap3A_29 = arith.constant 0 : index
      %swap3A_30 = vector.load %arg5[%swap3A, %swap3A_28, %swap3A_29] : memref<1x320x256xf32, #tpu.memory_space<vmem>>, vector<1x320x256xf32>
      %swap3A_31 = vector.shape_cast %swap3A_30 : vector<1x320x256xf32> to vector<320x256xf32>
      %swap3A_32 = vector.shape_cast %dot_general3A_18 : vector<320x256xf32> to vector<1x320x256xf32>
      tpu.vector_store %arg5[%swap3A, %swap3A_28, %swap3A_29], %swap3A_32 {strides = array<i32>} : memref<1x320x256xf32, #tpu.memory_space<vmem>>, vector<1x320x256xf32>,
      %swap3A_33 = arith.constant 0 : index
      %swap3A_34 = arith.constant 0 : index
      %swap3A_35 = arith.constant 0 : index
      %swap3A_36 = vector.load %arg6[%swap3A_33, %swap3A_34, %swap3A_35] : memref<1x320x1xf32, #tpu.memory_space<vmem>>, vector<1x320x1xf32>
      %swap3A_37 = vector.shape_cast %swap3A_36 : vector<1x320x1xf32> to vector<320x1xf32>
      %swap3A_38 = vector.shape_cast %broadcast_in_dim3A : vector<320x1xf32> to vector<1x320x1xf32>
      tpu.vector_store %arg6[%swap3A_33, %swap3A_34, %swap3A_35], %swap3A_38 {strides = array<i32>} : memref<1x320x1xf32, #tpu.memory_space<vmem>>, vector<1x320x1xf32>,
    } else {
    }
    %ne3A = arith.constant 0 : i32
    %ne3A_24 = arith.cmpi ne, %arg1, %ne3A : i32
    %convert_element_type3A_25 = arith.extui %ne3A_24 : i1 to i32
    %cond3A_26 = arith.constant 0 : i32
    %cond3A_27 = arith.cmpi ne, %convert_element_type3A_25, %cond3A_26 : i32
    scf.if %cond3A_27 {
      %get3A_28 = arith.constant 0 : index
      %get3A_29 = arith.constant 0 : index
      %get3A_30 = arith.constant 0 : index
      %get3A_31 = vector.load %arg5[%get3A_28, %get3A_29, %get3A_30] : memref<1x320x256xf32, #tpu.memory_space<vmem>>, vector<1x320x256xf32>
      %get3A_32 = vector.shape_cast %get3A_31 : vector<1x320x256xf32> to vector<320x256xf32>
      %add3A_33 = arith.addf %get3A_32, %dot_general3A_18 : vector<320x256xf32>
      %swap3A = arith.constant 0 : index
      %swap3A_34 = arith.constant 0 : index
      %swap3A_35 = arith.constant 0 : index
      %swap3A_36 = vector.load %arg5[%swap3A, %swap3A_34, %swap3A_35] : memref<1x320x256xf32, #tpu.memory_space<vmem>>, vector<1x320x256xf32>
      %swap3A_37 = vector.shape_cast %swap3A_36 : vector<1x320x256xf32> to vector<320x256xf32>
      %swap3A_38 = vector.shape_cast %add3A_33 : vector<320x256xf32> to vector<1x320x256xf32>
      tpu.vector_store %arg5[%swap3A, %swap3A_34, %swap3A_35], %swap3A_38 {strides = array<i32>} : memref<1x320x256xf32, #tpu.memory_space<vmem>>, vector<1x320x256xf32>,
      %get3A_39 = arith.constant 0 : index
      %get3A_40 = arith.constant 0 : index
      %get3A_41 = arith.constant 0 : index
      %get3A_42 = vector.load %arg6[%get3A_39, %get3A_40, %get3A_41] : memref<1x320x1xf32, #tpu.memory_space<vmem>>, vector<1x320x1xf32>
      %get3A_43 = vector.shape_cast %get3A_42 : vector<1x320x1xf32> to vector<320x1xf32>
      %add3A_44 = arith.addf %get3A_43, %broadcast_in_dim3A : vector<320x1xf32>
      %swap3A_45 = arith.constant 0 : index
      %swap3A_46 = arith.constant 0 : index
      %swap3A_47 = arith.constant 0 : index
      %swap3A_48 = vector.load %arg6[%swap3A_45, %swap3A_46, %swap3A_47] : memref<1x320x1xf32, #tpu.memory_space<vmem>>, vector<1x320x1xf32>
      %swap3A_49 = vector.shape_cast %swap3A_48 : vector<1x320x1xf32> to vector<320x1xf32>
      %swap3A_50 = vector.shape_cast %add3A_44 : vector<320x1xf32> to vector<1x320x1xf32>
      tpu.vector_store %arg6[%swap3A_45, %swap3A_46, %swap3A_47], %swap3A_50 {strides = array<i32>} : memref<1x320x1xf32, #tpu.memory_space<vmem>>, vector<1x320x1xf32>,
    } else {
    }
    return
  }
  func.func @transform_0(%arg0: i32, %arg1: i32) -> (i32, i32, i32) {
    %c0_i32 = arith.constant 0 : i32
    %c0_i32_0 = arith.constant 0 : i32
    return %arg0, %c0_i32, %arg1 : i32, i32, i32
  }
  func.func @transform_1(%arg0: i32, %arg1: i32) -> (i32, i32, i32) {
    %c0_i32 = arith.constant 0 : i32
    %c0_i32_0 = arith.constant 0 : i32
    return %arg0, %c0_i32, %arg1 : i32, i32, i32
  }
  func.func @transform_2(%arg0: i32, %arg1: i32) -> (i32, i32, i32) {
    %c0_i32 = arith.constant 0 : i32
    %c0_i32_0 = arith.constant 0 : i32
    return %arg0, %c0_i32, %arg1 : i32, i32, i32
  }
  func.func @transform_3(%arg0: i32, %arg1: i32) -> (i32, i32, i32) {
    %c0_i32 = arith.constant 0 : i32
    %c0_i32_0 = arith.constant 0 : i32
    %c0_i32_1 = arith.constant 0 : i32
    return %arg0, %c0_i32, %c0_i32_0 : i32, i32, i32
  }
  func.func @transform_4(%arg0: i32, %arg1: i32) -> (i32, i32, i32) {
    %c0_i32 = arith.constant 0 : i32
    %c0_i32_0 = arith.constant 0 : i32
    %c0_i32_1 = arith.constant 0 : i32
    return %arg0, %c0_i32, %c0_i32_0 : i32, i32, i32
  }
}

module attributes {stable_mosaic.version = 14 : i64} {
  func.func @_epilogue_kernel(%arg0: memref<4x320x256xf32, #tpu.memory_space<vmem>>, %arg1: memref<4x320x1xf32, #tpu.memory_space<vmem>>, %arg2: memref<4x16xi32, #tpu.memory_space<smem>>, %arg3: memref<1x1xf32, #tpu.memory_space<smem>>, %arg4: memref<320x256xf32, #tpu.memory_space<vmem>>, %arg5: memref<320x5xf32, #tpu.memory_space<vmem>>) attributes {dimension_semantics = [], scalar_prefetch = 0 : i64, scratch_operands = 2 : i64, tpu.core_type = #tpu.core_type<tc>} {
    %iota3A = tpu.iota {dimensions = array<i32: 0>} : vector<2048x8xi32>
    %jit3A = arith.constant 256 : i32
    %div3A = vector.broadcast %jit3A : i32 to vector<2048x8xi32>
    %div3A_0 = arith.divsi %iota3A, %div3A : vector<2048x8xi32>
    %sign3A = arith.constant 0 : i32
    %sign3A_1 = vector.broadcast %sign3A : i32 to vector<2048x8xi32>
    %sign3A_2 = arith.cmpi sgt, %iota3A, %sign3A_1 : vector<2048x8xi32>
    %sign3A_3 = arith.extui %sign3A_2 : vector<2048x8xi1> to vector<2048x8xi32>
    %sign3A_4 = arith.constant 0 : i32
    %sign3A_5 = vector.broadcast %sign3A_4 : i32 to vector<2048x8xi32>
    %sign3A_6 = arith.cmpi slt, %iota3A, %sign3A_5 : vector<2048x8xi32>
    %sign3A_7 = arith.extui %sign3A_6 : vector<2048x8xi1> to vector<2048x8xi32>
    %sign3A_8 = arith.subi %sign3A_3, %sign3A_7 : vector<2048x8xi32>
    %sign3A_9 = arith.constant 0 : i32
    %sign3A_10 = arith.cmpi sgt, %jit3A, %sign3A_9 : i32
    %sign3A_11 = arith.extui %sign3A_10 : i1 to i32
    %sign3A_12 = arith.constant 0 : i32
    %sign3A_13 = arith.cmpi slt, %jit3A, %sign3A_12 : i32
    %sign3A_14 = arith.extui %sign3A_13 : i1 to i32
    %sign3A_15 = arith.subi %sign3A_11, %sign3A_14 : i32
    %ne3A = vector.broadcast %sign3A_15 : i32 to vector<2048x8xi32>
    %ne3A_16 = arith.cmpi ne, %sign3A_8, %ne3A : vector<2048x8xi32>
    %rem3A = vector.broadcast %jit3A : i32 to vector<2048x8xi32>
    %rem3A_17 = arith.remsi %iota3A, %rem3A : vector<2048x8xi32>
    %ne3A_18 = arith.constant 0 : i32
    %ne3A_19 = vector.broadcast %ne3A_18 : i32 to vector<2048x8xi32>
    %ne3A_20 = arith.cmpi ne, %rem3A_17, %ne3A_19 : vector<2048x8xi32>
    %and3A = arith.andi %ne3A_16, %ne3A_20 : vector<2048x8xi1>
    %sub3A = arith.constant 1 : i32
    %sub3A_21 = vector.broadcast %sub3A : i32 to vector<2048x8xi32>
    %sub3A_22 = arith.subi %div3A_0, %sub3A_21 : vector<2048x8xi32>
    %select_n3A = arith.select %and3A, %sub3A_22, %div3A_0 : vector<2048x8xi1>, vector<2048x8xi32>
    %iota3A_23 = tpu.iota {dimensions = array<i32: 1>} : vector<2048x8xi32>
    %eq3A = arith.cmpi eq, %select_n3A, %iota3A_23 : vector<2048x8xi32>
    %convert_element_type3A = arith.extui %eq3A : vector<2048x8xi1> to vector<2048x8xi32>
    %convert_element_type3A_24 = arith.sitofp %convert_element_type3A : vector<2048x8xi32> to vector<2048x8xf32>
    %iota3A_25 = tpu.iota {dimensions = array<i32: 0>} : vector<320x320xi32>
    %iota3A_26 = tpu.iota {dimensions = array<i32: 1>} : vector<320x320xi32>
    %get3A = arith.constant 0 : index
    %get3A_27 = arith.constant 0 : index
    %get3A_28 = memref.load %arg2[%get3A, %get3A_27] : memref<4x16xi32, #tpu.memory_space<smem>>
    %jit3A_29 = arith.constant 64 : i32
    %div3A_30 = vector.broadcast %jit3A_29 : i32 to vector<320x320xi32>
    %div3A_31 = arith.divsi %iota3A_25, %div3A_30 : vector<320x320xi32>
    %sign3A_32 = arith.constant 0 : i32
    %sign3A_33 = vector.broadcast %sign3A_32 : i32 to vector<320x320xi32>
    %sign3A_34 = arith.cmpi sgt, %iota3A_25, %sign3A_33 : vector<320x320xi32>
    %sign3A_35 = arith.extui %sign3A_34 : vector<320x320xi1> to vector<320x320xi32>
    %sign3A_36 = arith.constant 0 : i32
    %sign3A_37 = vector.broadcast %sign3A_36 : i32 to vector<320x320xi32>
    %sign3A_38 = arith.cmpi slt, %iota3A_25, %sign3A_37 : vector<320x320xi32>
    %sign3A_39 = arith.extui %sign3A_38 : vector<320x320xi1> to vector<320x320xi32>
    %sign3A_40 = arith.subi %sign3A_35, %sign3A_39 : vector<320x320xi32>
    %sign3A_41 = arith.constant 0 : i32
    %sign3A_42 = arith.cmpi sgt, %jit3A_29, %sign3A_41 : i32
    %sign3A_43 = arith.extui %sign3A_42 : i1 to i32
    %sign3A_44 = arith.constant 0 : i32
    %sign3A_45 = arith.cmpi slt, %jit3A_29, %sign3A_44 : i32
    %sign3A_46 = arith.extui %sign3A_45 : i1 to i32
    %sign3A_47 = arith.subi %sign3A_43, %sign3A_46 : i32
    %ne3A_48 = vector.broadcast %sign3A_47 : i32 to vector<320x320xi32>
    %ne3A_49 = arith.cmpi ne, %sign3A_40, %ne3A_48 : vector<320x320xi32>
    %rem3A_50 = vector.broadcast %jit3A_29 : i32 to vector<320x320xi32>
    %rem3A_51 = arith.remsi %iota3A_25, %rem3A_50 : vector<320x320xi32>
    %ne3A_52 = arith.constant 0 : i32
    %ne3A_53 = vector.broadcast %ne3A_52 : i32 to vector<320x320xi32>
    %ne3A_54 = arith.cmpi ne, %rem3A_51, %ne3A_53 : vector<320x320xi32>
    %and3A_55 = arith.andi %ne3A_49, %ne3A_54 : vector<320x320xi1>
    %sub3A_56 = arith.constant 1 : i32
    %sub3A_57 = vector.broadcast %sub3A_56 : i32 to vector<320x320xi32>
    %sub3A_58 = arith.subi %div3A_31, %sub3A_57 : vector<320x320xi32>
    %select_n3A_59 = arith.select %and3A_55, %sub3A_58, %div3A_31 : vector<320x320xi1>, vector<320x320xi32>
    %mul3A = vector.broadcast %get3A_28 : i32 to vector<320x320xi32>
    %mul3A_60 = arith.muli %mul3A, %select_n3A_59 : vector<320x320xi32>
    %jit3A_61 = arith.constant 64 : i32
    %eq3A_62 = arith.constant 0 : i32
    %eq3A_63 = arith.cmpi eq, %jit3A_61, %eq3A_62 : i32
    %jit3A_64 = arith.constant 1 : i32
    %select_n3A_65 = arith.select %eq3A_63, %jit3A_64, %jit3A_61 : i32
    %rem3A_66 = vector.broadcast %select_n3A_65 : i32 to vector<320x320xi32>
    %rem3A_67 = arith.remsi %iota3A_25, %rem3A_66 : vector<320x320xi32>
    %ne3A_68 = arith.constant 0 : i32
    %ne3A_69 = vector.broadcast %ne3A_68 : i32 to vector<320x320xi32>
    %ne3A_70 = arith.cmpi ne, %rem3A_67, %ne3A_69 : vector<320x320xi32>
    %lt3A = arith.constant 0 : i32
    %lt3A_71 = vector.broadcast %lt3A : i32 to vector<320x320xi32>
    %lt3A_72 = arith.cmpi slt, %rem3A_67, %lt3A_71 : vector<320x320xi32>
    %lt3A_73 = arith.constant 0 : i32
    %lt3A_74 = arith.cmpi slt, %select_n3A_65, %lt3A_73 : i32
    %ne3A_75 = vector.broadcast %lt3A_74 : i1 to vector<320x320xi1>
    %ne3A_76 = vector.broadcast %ne3A_75 : vector<320x320xi1> to vector<320x320xi1>
    %ne3A_77 = arith.xori %lt3A_72, %ne3A_76 : vector<320x320xi1>
    %and3A_78 = arith.andi %ne3A_77, %ne3A_70 : vector<320x320xi1>
    %add3A = vector.broadcast %select_n3A_65 : i32 to vector<320x320xi32>
    %add3A_79 = arith.addi %rem3A_67, %add3A : vector<320x320xi32>
    %select_n3A_80 = arith.select %and3A_78, %add3A_79, %rem3A_67 : vector<320x320xi1>, vector<320x320xi32>
    %add3A_81 = arith.addi %mul3A_60, %select_n3A_80 : vector<320x320xi32>
    %eq3A_82 = arith.cmpi eq, %iota3A_26, %add3A_81 : vector<320x320xi32>
    %convert_element_type3A_83 = arith.extui %eq3A_82 : vector<320x320xi1> to vector<320x320xi32>
    %convert_element_type3A_84 = arith.sitofp %convert_element_type3A_83 : vector<320x320xi32> to vector<320x320xf32>
    %get3A_85 = arith.constant 0 : index
    %get3A_86 = arith.constant 0 : index
    %get3A_87 = arith.constant 0 : index
    %get3A_88 = vector.load %arg0[%get3A_85, %get3A_86, %get3A_87] : memref<4x320x256xf32, #tpu.memory_space<vmem>>, vector<1x320x256xf32>
    %get3A_89 = vector.shape_cast %get3A_88 : vector<1x320x256xf32> to vector<320x256xf32>
    %dot_general3A = arith.constant dense<0.000000e+00> : vector<320x256xf32>
    %dot_general3A_90 = tpu.matmul %convert_element_type3A_84, %get3A_89, %dot_general3A {dimension_numbers = #tpu.dot_dimension_numbers<[0], [0], [1], [1], [0, 1, 1, 1], [], []>, transpose_lhs_hint = false} : vector<320x320xf32>, vector<320x256xf32>, vector<320x256xf32> -> vector<320x256xf32>
    %get3A_91 = arith.constant 0 : index
    %get3A_92 = arith.constant 0 : index
    %get3A_93 = arith.constant 0 : index
    %get3A_94 = vector.load %arg1[%get3A_91, %get3A_92, %get3A_93] : memref<4x320x1xf32, #tpu.memory_space<vmem>>, vector<1x320x1xf32>
    %get3A_95 = vector.shape_cast %get3A_94 : vector<1x320x1xf32> to vector<320x1xf32>
    %dot_general3A_96 = arith.constant dense<0.000000e+00> : vector<320x1xf32>
    %dot_general3A_97 = tpu.matmul %convert_element_type3A_84, %get3A_95, %dot_general3A_96 {dimension_numbers = #tpu.dot_dimension_numbers<[0], [0], [1], [1], [0, 1, 1, 1], [], []>, transpose_lhs_hint = false} : vector<320x320xf32>, vector<320x1xf32>, vector<320x1xf32> -> vector<320x1xf32>
    %max3A = arith.constant 1.000000e+00 : f32
    %max3A_98 = vector.broadcast %max3A : f32 to vector<320x1xf32>
    %max3A_99 = arith.maximumf %dot_general3A_97, %max3A_98 : vector<320x1xf32>
    %div3A_100 = vector.broadcast %max3A_99 : vector<320x1xf32> to vector<320x256xf32>
    %div3A_101 = arith.divf %dot_general3A_90, %div3A_100 : vector<320x256xf32>
    %swap3A = arith.constant 0 : index
    %swap3A_102 = arith.constant 0 : index
    %swap3A_103 = vector.load %arg4[%swap3A, %swap3A_102] : memref<320x256xf32, #tpu.memory_space<vmem>>, vector<320x256xf32>
    tpu.vector_store %arg4[%swap3A, %swap3A_102], %div3A_101 {strides = array<i32>} : memref<320x256xf32, #tpu.memory_space<vmem>>, vector<320x256xf32>,
    %gt3A = arith.constant 0.000000e+00 : f32
    %gt3A_104 = vector.broadcast %gt3A : f32 to vector<320x1xf32>
    %gt3A_105 = arith.cmpf ogt, %dot_general3A_97, %gt3A_104 : vector<320x1xf32>
    %convert_element_type3A_106 = arith.extui %gt3A_105 : vector<320x1xi1> to vector<320x1xi32>
    %convert_element_type3A_107 = arith.sitofp %convert_element_type3A_106 : vector<320x1xi32> to vector<320x1xf32>
    %reduce_sum3A = vector.shape_cast %convert_element_type3A_107 : vector<320x1xf32> to vector<1x320x1xf32>
    %reduce_sum3A_108 = arith.constant dense<0.000000e+00> : vector<1xf32>
    %reduce_sum3A_109 = vector.multi_reduction <add>, %reduce_sum3A, %reduce_sum3A_108 [1, 2] : vector<1x320x1xf32> to vector<1xf32>
    %reduce_sum3A_110 = vector.shape_cast %reduce_sum3A_109 : vector<1xf32> to vector<1x1x1xf32>
    %reduce_sum3A_111 = vector.extract %reduce_sum3A_110[0, 0, 0] : f32 from vector<1x1x1xf32>
    %iota3A_112 = tpu.iota {dimensions = array<i32: 0>} : vector<320x1xi32>
    %convert_element_type3A_113 = arith.sitofp %iota3A_112 : vector<320x1xi32> to vector<320x1xf32>
    %jit3A_114 = arith.constant -1.000000e+00 : f32
    %broadcast_in_dim3A = vector.broadcast %jit3A_114 : f32 to vector<320x1xf32>
    %select_n3A_115 = arith.select %gt3A_105, %convert_element_type3A_113, %broadcast_in_dim3A : vector<320x1xi1>, vector<320x1xf32>
    %reduce_max3A = vector.shape_cast %select_n3A_115 : vector<320x1xf32> to vector<1x320x1xf32>
    %reduce_max3A_116 = arith.constant dense<0xFF800000> : vector<1xf32>
    %reduce_max3A_117 = vector.multi_reduction <maximumf>, %reduce_max3A, %reduce_max3A_116 [1, 2] : vector<1x320x1xf32> to vector<1xf32>
    %reduce_max3A_118 = vector.shape_cast %reduce_max3A_117 : vector<1xf32> to vector<1x1x1xf32>
    %reduce_max3A_119 = vector.extract %reduce_max3A_118[0, 0, 0] : f32 from vector<1x1x1xf32>
    %ne3A_120 = vector.broadcast %reduce_max3A_119 : f32 to vector<320x1xf32>
    %ne3A_121 = arith.cmpf one, %convert_element_type3A_113, %ne3A_120 : vector<320x1xf32>
    %and3A_122 = arith.andi %gt3A_105, %ne3A_121 : vector<320x1xi1>
    %jit3A_123 = arith.constant -1.000000e+00 : f32
    %broadcast_in_dim3A_124 = vector.broadcast %jit3A_123 : f32 to vector<320x1xf32>
    %select_n3A_125 = arith.select %and3A_122, %convert_element_type3A_113, %broadcast_in_dim3A_124 : vector<320x1xi1>, vector<320x1xf32>
    %reduce_max3A_126 = vector.shape_cast %select_n3A_125 : vector<320x1xf32> to vector<1x320x1xf32>
    %reduce_max3A_127 = arith.constant dense<0xFF800000> : vector<1xf32>
    %reduce_max3A_128 = vector.multi_reduction <maximumf>, %reduce_max3A_126, %reduce_max3A_127 [1, 2] : vector<1x320x1xf32> to vector<1xf32>
    %reduce_max3A_129 = vector.shape_cast %reduce_max3A_128 : vector<1xf32> to vector<1x1x1xf32>
    %reduce_max3A_130 = vector.extract %reduce_max3A_129[0, 0, 0] : f32 from vector<1x1x1xf32>
    %ge3A = arith.constant 2.000000e+00 : f32
    %ge3A_131 = arith.cmpf oge, %reduce_sum3A_111, %ge3A : f32
    %select_n3A_132 = arith.select %ge3A_131, %reduce_max3A_130, %reduce_max3A_119 : f32
    %convert_element_type3A_133 = arith.sitofp %get3A_28 : i32 to f32
    %div3A_134 = vector.broadcast %convert_element_type3A_133 : f32 to vector<320x1xf32>
    %div3A_135 = arith.divf %convert_element_type3A_113, %div3A_134 : vector<320x1xf32>
    %sub3A_136 = arith.constant 1.000000e+00 : f32
    %sub3A_137 = vector.broadcast %sub3A_136 : f32 to vector<320x1xf32>
    %sub3A_138 = arith.subf %div3A_135, %sub3A_137 : vector<320x1xf32>
    %ceil3A = math.ceil %sub3A_138 : vector<320x1xf32>
    %div3A_139 = arith.divf %select_n3A_132, %convert_element_type3A_133 : f32
    %sub3A_140 = arith.constant 1.000000e+00 : f32
    %sub3A_141 = arith.subf %div3A_139, %sub3A_140 : f32
    %ceil3A_142 = math.ceil %sub3A_141 : f32
    %eq3A_143 = vector.broadcast %reduce_max3A_119 : f32 to vector<320x1xf32>
    %eq3A_144 = arith.cmpf oeq, %convert_element_type3A_113, %eq3A_143 : vector<320x1xf32>
    %broadcast_in_dim3A_145 = vector.broadcast %ceil3A_142 : f32 to vector<320x1xf32>
    %select_n3A_146 = arith.select %eq3A_144, %broadcast_in_dim3A_145, %ceil3A : vector<320x1xi1>, vector<320x1xf32>
    %ge3A_147 = arith.constant 2.000000e+00 : f32
    %ge3A_148 = vector.broadcast %ge3A_147 : f32 to vector<320x1xf32>
    %ge3A_149 = arith.cmpf oge, %dot_general3A_97, %ge3A_148 : vector<320x1xf32>
    %ne3A_150 = arith.constant 0.000000e+00 : f32
    %ne3A_151 = vector.broadcast %ne3A_150 : f32 to vector<320x1xf32>
    %ne3A_152 = arith.cmpf one, %convert_element_type3A_113, %ne3A_151 : vector<320x1xf32>
    %and3A_153 = arith.andi %ge3A_149, %ne3A_152 : vector<320x1xi1>
    %gt3A_154 = arith.constant 1.000000e+00 : f32
    %gt3A_155 = arith.cmpf ogt, %reduce_sum3A_111, %gt3A_154 : f32
    %and3A_156 = vector.broadcast %gt3A_155 : i1 to vector<320x1xi1>
    %and3A_157 = arith.andi %and3A_153, %and3A_156 : vector<320x1xi1>
    %iota3A_158 = tpu.iota {dimensions = array<i32: 1>} : vector<320x5xi32>
    %convert_element_type3A_159 = arith.sitofp %iota3A_158 : vector<320x5xi32> to vector<320x5xf32>
    %eq3A_160 = vector.broadcast %select_n3A_146 : vector<320x1xf32> to vector<320x5xf32>
    %eq3A_161 = arith.cmpf oeq, %eq3A_160, %convert_element_type3A_159 : vector<320x5xf32>
    %and3A_162 = vector.broadcast %and3A_157 : vector<320x1xi1> to vector<320x5xi1>
    %and3A_163 = arith.andi %and3A_162, %eq3A_161 : vector<320x5xi1>
    %convert_element_type3A_164 = arith.extui %and3A_163 : vector<320x5xi1> to vector<320x5xi32>
    %convert_element_type3A_165 = arith.sitofp %convert_element_type3A_164 : vector<320x5xi32> to vector<320x5xf32>
    %swap3A_166 = arith.constant 0 : index
    %swap3A_167 = arith.constant 0 : index
    %swap3A_168 = vector.load %arg5[%swap3A_166, %swap3A_167] : memref<320x5xf32, #tpu.memory_space<vmem>>, vector<320x5xf32>
    tpu.vector_store %arg5[%swap3A_166, %swap3A_167], %convert_element_type3A_165 {strides = array<i32>} : memref<320x5xf32, #tpu.memory_space<vmem>>, vector<320x5xf32>,
    %reduce_sum3A_169 = arith.constant dense<0.000000e+00> : vector<5xf32>
    %reduce_sum3A_170 = vector.multi_reduction <add>, %convert_element_type3A_165, %reduce_sum3A_169 [0] : vector<320x5xf32> to vector<5xf32>
    %broadcast_in_dim3A_171 = vector.shape_cast %reduce_sum3A_170 : vector<5xf32> to vector<1x5xf32>
    %broadcast_in_dim3A_172 = arith.constant 0.000000e+00 : f32
    %broadcast_in_dim3A_173 = vector.broadcast %broadcast_in_dim3A_172 : f32 to vector<5x5xf32>
    %scan3A = arith.constant 0 : i32
    %scan3A_174 = arith.constant 40 : i32
    %scan3A_175 = arith.addi %scan3A, %scan3A_174 : i32
    %scan3A_176 = arith.constant 1 : i32
    %scan3A_177 = scf.for %scan3A_1780 = %scan3A to %scan3A_175 step %scan3A_176 iter_args(%scan3A_1781 = %broadcast_in_dim3A_173) -> (vector<5x5xf32>)  : i32 {
      %mul3A_1782 = arith.constant 8 : i32
      %mul3A_1783 = arith.muli %scan3A_1780, %mul3A_1782 : i32
      %get3A_1784 = arith.index_cast %mul3A_1783 : i32 to index
      %get3A_1785 = arith.constant 0 : index
      %get3A_1786 = vector.load %arg4[%get3A_1784, %get3A_1785] : memref<320x256xf32, #tpu.memory_space<vmem>>, vector<8x256xf32>
      %get3A_1787 = arith.constant 0 : index
      %get3A_1788 = arith.constant 0 : index
      %get3A_1789 = vector.load %arg4[%get3A_1787, %get3A_1788] : memref<320x256xf32, #tpu.memory_space<vmem>>, vector<320x256xf32>
      %slice3A_1790 = vector.extract_strided_slice %get3A_1786 {offsets = [0, 0], sizes = [1, 256], strides = [1, 1]} : vector<8x256xf32> to vector<1x256xf32>
      %sub3A_1791 = vector.broadcast %slice3A_1790 : vector<1x256xf32> to vector<320x256xf32>
      %sub3A_1792 = arith.subf %get3A_1789, %sub3A_1791 : vector<320x256xf32>
      %abs3A = math.absf %sub3A_1792 : vector<320x256xf32>
      %slice3A_1793 = vector.extract_strided_slice %get3A_1786 {offsets = [1, 0], sizes = [1, 256], strides = [1, 1]} : vector<8x256xf32> to vector<1x256xf32>
      %sub3A_1794 = vector.broadcast %slice3A_1793 : vector<1x256xf32> to vector<320x256xf32>
      %sub3A_1795 = arith.subf %get3A_1789, %sub3A_1794 : vector<320x256xf32>
      %abs3A_1796 = math.absf %sub3A_1795 : vector<320x256xf32>
      %slice3A_1797 = vector.extract_strided_slice %get3A_1786 {offsets = [2, 0], sizes = [1, 256], strides = [1, 1]} : vector<8x256xf32> to vector<1x256xf32>
      %sub3A_1798 = vector.broadcast %slice3A_1797 : vector<1x256xf32> to vector<320x256xf32>
      %sub3A_1799 = arith.subf %get3A_1789, %sub3A_1798 : vector<320x256xf32>
      %abs3A_1800 = math.absf %sub3A_1799 : vector<320x256xf32>
      %slice3A_1801 = vector.extract_strided_slice %get3A_1786 {offsets = [3, 0], sizes = [1, 256], strides = [1, 1]} : vector<8x256xf32> to vector<1x256xf32>
      %sub3A_1802 = vector.broadcast %slice3A_1801 : vector<1x256xf32> to vector<320x256xf32>
      %sub3A_1803 = arith.subf %get3A_1789, %sub3A_1802 : vector<320x256xf32>
      %abs3A_1804 = math.absf %sub3A_1803 : vector<320x256xf32>
      %slice3A_1805 = vector.extract_strided_slice %get3A_1786 {offsets = [4, 0], sizes = [1, 256], strides = [1, 1]} : vector<8x256xf32> to vector<1x256xf32>
      %sub3A_1806 = vector.broadcast %slice3A_1805 : vector<1x256xf32> to vector<320x256xf32>
      %sub3A_1807 = arith.subf %get3A_1789, %sub3A_1806 : vector<320x256xf32>
      %abs3A_1808 = math.absf %sub3A_1807 : vector<320x256xf32>
      %slice3A_1809 = vector.extract_strided_slice %get3A_1786 {offsets = [5, 0], sizes = [1, 256], strides = [1, 1]} : vector<8x256xf32> to vector<1x256xf32>
      %sub3A_1810 = vector.broadcast %slice3A_1809 : vector<1x256xf32> to vector<320x256xf32>
      %sub3A_1811 = arith.subf %get3A_1789, %sub3A_1810 : vector<320x256xf32>
      %abs3A_1812 = math.absf %sub3A_1811 : vector<320x256xf32>
      %slice3A_1813 = vector.extract_strided_slice %get3A_1786 {offsets = [6, 0], sizes = [1, 256], strides = [1, 1]} : vector<8x256xf32> to vector<1x256xf32>
      %sub3A_1814 = vector.broadcast %slice3A_1813 : vector<1x256xf32> to vector<320x256xf32>
      %sub3A_1815 = arith.subf %get3A_1789, %sub3A_1814 : vector<320x256xf32>
      %abs3A_1816 = math.absf %sub3A_1815 : vector<320x256xf32>
      %slice3A_1817 = vector.extract_strided_slice %get3A_1786 {offsets = [7, 0], sizes = [1, 256], strides = [1, 1]} : vector<8x256xf32> to vector<1x256xf32>
      %sub3A_1818 = vector.broadcast %slice3A_1817 : vector<1x256xf32> to vector<320x256xf32>
      %sub3A_1819 = arith.subf %get3A_1789, %sub3A_1818 : vector<320x256xf32>
      %abs3A_1820 = math.absf %sub3A_1819 : vector<320x256xf32>
      %concatenate3A = tpu.concatenate %abs3A, %abs3A_1796, %abs3A_1800, %abs3A_1804, %abs3A_1808, %abs3A_1812, %abs3A_1816, %abs3A_1820 in 1 : vector<320x256xf32>, vector<320x256xf32>, vector<320x256xf32>, vector<320x256xf32>, vector<320x256xf32>, vector<320x256xf32>, vector<320x256xf32>, vector<320x256xf32> -> vector<320x2048xf32>
      %dot_general3A_1821 = arith.constant dense<0.000000e+00> : vector<320x8xf32>
      %dot_general3A_1822 = tpu.matmul %concatenate3A, %convert_element_type3A_24, %dot_general3A_1821 {dimension_numbers = #tpu.dot_dimension_numbers<[1], [0], [0], [1], [0, 0, 1, 1], [], []>, transpose_lhs_hint = false} : vector<320x2048xf32>, vector<2048x8xf32>, vector<320x8xf32> -> vector<320x8xf32>
      %get3A_1823 = arith.constant 0 : index
      %get3A_1824 = arith.constant 0 : index
      %get3A_1825 = vector.load %arg5[%get3A_1823, %get3A_1824] : memref<320x5xf32, #tpu.memory_space<vmem>>, vector<320x5xf32>
      %dot_general3A_1826 = arith.constant dense<0.000000e+00> : vector<8x5xf32>
      %dot_general3A_1827 = tpu.matmul %dot_general3A_1822, %get3A_1825, %dot_general3A_1826 {dimension_numbers = #tpu.dot_dimension_numbers<[0], [0], [1], [1], [0, 1, 1, 1], [], []>, transpose_lhs_hint = false} : vector<320x8xf32>, vector<320x5xf32>, vector<8x5xf32> -> vector<8x5xf32>
      %mul3A_1828 = arith.constant 8 : i32
      %mul3A_1829 = arith.muli %scan3A_1780, %mul3A_1828 : i32
      %get3A_1830 = arith.index_cast %mul3A_1829 : i32 to index
      %get3A_1831 = arith.constant 0 : index
      %get3A_1832 = vector.load %arg5[%get3A_1830, %get3A_1831] : memref<320x5xf32, #tpu.memory_space<vmem>>, vector<8x5xf32>
      %dot_general3A_1833 = arith.constant dense<0.000000e+00> : vector<5x5xf32>
      %dot_general3A_1834 = tpu.matmul %get3A_1832, %dot_general3A_1827, %dot_general3A_1833 {dimension_numbers = #tpu.dot_dimension_numbers<[0], [0], [1], [1], [0, 1, 1, 1], [], []>, transpose_lhs_hint = false} : vector<8x5xf32>, vector<8x5xf32>, vector<5x5xf32> -> vector<5x5xf32>
      %add3A_1835 = arith.addf %scan3A_1781, %dot_general3A_1834 : vector<5x5xf32>
      scf.yield %add3A_1835 : vector<5x5xf32>
    }
    %scan3A_178 = arith.constant 40 : i32
    %slice3A = vector.extract_strided_slice %broadcast_in_dim3A_171 {offsets = [0, 0], sizes = [1, 1], strides = [1, 1]} : vector<1x5xf32> to vector<1x1xf32>
    %squeeze3A = vector.extract %slice3A[0, 0] : f32 from vector<1x1xf32>
    %slice3A_179 = vector.extract_strided_slice %broadcast_in_dim3A_171 {offsets = [0, 1], sizes = [1, 1], strides = [1, 1]} : vector<1x5xf32> to vector<1x1xf32>
    %squeeze3A_180 = vector.extract %slice3A_179[0, 0] : f32 from vector<1x1xf32>
    %mul3A_181 = arith.mulf %squeeze3A, %squeeze3A_180 : f32
    %max3A_182 = arith.constant 1.000000e+00 : f32
    %max3A_183 = arith.maximumf %mul3A_181, %max3A_182 : f32
    %mul3A_184 = arith.constant 2.560000e+02 : f32
    %mul3A_185 = arith.mulf %max3A_183, %mul3A_184 : f32
    %slice3A_186 = vector.extract_strided_slice %scan3A_177 {offsets = [0, 1], sizes = [1, 1], strides = [1, 1]} : vector<5x5xf32> to vector<1x1xf32>
    %squeeze3A_187 = vector.extract %slice3A_186[0, 0] : f32 from vector<1x1xf32>
    %div3A_188 = arith.divf %squeeze3A_187, %mul3A_185 : f32
    %lt3A_189 = arith.constant 1.000000e+00 : f32
    %lt3A_190 = arith.cmpf olt, %div3A_188, %lt3A_189 : f32
    %mul3A_191 = arith.constant 5.000000e-01 : f32
    %mul3A_192 = arith.mulf %mul3A_191, %div3A_188 : f32
    %mul3A_193 = arith.mulf %mul3A_192, %div3A_188 : f32
    %sub3A_194 = arith.constant 5.000000e-01 : f32
    %sub3A_195 = arith.subf %div3A_188, %sub3A_194 : f32
    %select_n3A_196 = arith.select %lt3A_190, %mul3A_193, %sub3A_195 : f32
    %gt3A_197 = arith.constant 0.000000e+00 : f32
    %gt3A_198 = arith.cmpf ogt, %mul3A_181, %gt3A_197 : f32
    %convert_element_type3A_199 = arith.extui %gt3A_198 : i1 to i32
    %convert_element_type3A_200 = arith.sitofp %convert_element_type3A_199 : i32 to f32
    %add3A_201 = arith.constant 0.000000e+00 : f32
    %add3A_202 = arith.addf %add3A_201, %convert_element_type3A_200 : f32
    %mul3A_203 = arith.mulf %select_n3A_196, %convert_element_type3A_200 : f32
    %add3A_204 = arith.constant 0.000000e+00 : f32
    %add3A_205 = arith.addf %add3A_204, %mul3A_203 : f32
    %slice3A_206 = vector.extract_strided_slice %broadcast_in_dim3A_171 {offsets = [0, 0], sizes = [1, 1], strides = [1, 1]} : vector<1x5xf32> to vector<1x1xf32>
    %squeeze3A_207 = vector.extract %slice3A_206[0, 0] : f32 from vector<1x1xf32>
    %slice3A_208 = vector.extract_strided_slice %broadcast_in_dim3A_171 {offsets = [0, 2], sizes = [1, 1], strides = [1, 1]} : vector<1x5xf32> to vector<1x1xf32>
    %squeeze3A_209 = vector.extract %slice3A_208[0, 0] : f32 from vector<1x1xf32>
    %mul3A_210 = arith.mulf %squeeze3A_207, %squeeze3A_209 : f32
    %max3A_211 = arith.constant 1.000000e+00 : f32
    %max3A_212 = arith.maximumf %mul3A_210, %max3A_211 : f32
    %mul3A_213 = arith.constant 2.560000e+02 : f32
    %mul3A_214 = arith.mulf %max3A_212, %mul3A_213 : f32
    %slice3A_215 = vector.extract_strided_slice %scan3A_177 {offsets = [0, 2], sizes = [1, 1], strides = [1, 1]} : vector<5x5xf32> to vector<1x1xf32>
    %squeeze3A_216 = vector.extract %slice3A_215[0, 0] : f32 from vector<1x1xf32>
    %div3A_217 = arith.divf %squeeze3A_216, %mul3A_214 : f32
    %lt3A_218 = arith.constant 1.000000e+00 : f32
    %lt3A_219 = arith.cmpf olt, %div3A_217, %lt3A_218 : f32
    %mul3A_220 = arith.constant 5.000000e-01 : f32
    %mul3A_221 = arith.mulf %mul3A_220, %div3A_217 : f32
    %mul3A_222 = arith.mulf %mul3A_221, %div3A_217 : f32
    %sub3A_223 = arith.constant 5.000000e-01 : f32
    %sub3A_224 = arith.subf %div3A_217, %sub3A_223 : f32
    %select_n3A_225 = arith.select %lt3A_219, %mul3A_222, %sub3A_224 : f32
    %gt3A_226 = arith.constant 0.000000e+00 : f32
    %gt3A_227 = arith.cmpf ogt, %mul3A_210, %gt3A_226 : f32
    %convert_element_type3A_228 = arith.extui %gt3A_227 : i1 to i32
    %convert_element_type3A_229 = arith.sitofp %convert_element_type3A_228 : i32 to f32
    %add3A_230 = arith.addf %add3A_202, %convert_element_type3A_229 : f32
    %mul3A_231 = arith.mulf %select_n3A_225, %convert_element_type3A_229 : f32
    %add3A_232 = arith.addf %add3A_205, %mul3A_231 : f32
    %slice3A_233 = vector.extract_strided_slice %broadcast_in_dim3A_171 {offsets = [0, 0], sizes = [1, 1], strides = [1, 1]} : vector<1x5xf32> to vector<1x1xf32>
    %squeeze3A_234 = vector.extract %slice3A_233[0, 0] : f32 from vector<1x1xf32>
    %slice3A_235 = vector.extract_strided_slice %broadcast_in_dim3A_171 {offsets = [0, 3], sizes = [1, 1], strides = [1, 1]} : vector<1x5xf32> to vector<1x1xf32>
    %squeeze3A_236 = vector.extract %slice3A_235[0, 0] : f32 from vector<1x1xf32>
    %mul3A_237 = arith.mulf %squeeze3A_234, %squeeze3A_236 : f32
    %max3A_238 = arith.constant 1.000000e+00 : f32
    %max3A_239 = arith.maximumf %mul3A_237, %max3A_238 : f32
    %mul3A_240 = arith.constant 2.560000e+02 : f32
    %mul3A_241 = arith.mulf %max3A_239, %mul3A_240 : f32
    %slice3A_242 = vector.extract_strided_slice %scan3A_177 {offsets = [0, 3], sizes = [1, 1], strides = [1, 1]} : vector<5x5xf32> to vector<1x1xf32>
    %squeeze3A_243 = vector.extract %slice3A_242[0, 0] : f32 from vector<1x1xf32>
    %div3A_244 = arith.divf %squeeze3A_243, %mul3A_241 : f32
    %lt3A_245 = arith.constant 1.000000e+00 : f32
    %lt3A_246 = arith.cmpf olt, %div3A_244, %lt3A_245 : f32
    %mul3A_247 = arith.constant 5.000000e-01 : f32
    %mul3A_248 = arith.mulf %mul3A_247, %div3A_244 : f32
    %mul3A_249 = arith.mulf %mul3A_248, %div3A_244 : f32
    %sub3A_250 = arith.constant 5.000000e-01 : f32
    %sub3A_251 = arith.subf %div3A_244, %sub3A_250 : f32
    %select_n3A_252 = arith.select %lt3A_246, %mul3A_249, %sub3A_251 : f32
    %gt3A_253 = arith.constant 0.000000e+00 : f32
    %gt3A_254 = arith.cmpf ogt, %mul3A_237, %gt3A_253 : f32
    %convert_element_type3A_255 = arith.extui %gt3A_254 : i1 to i32
    %convert_element_type3A_256 = arith.sitofp %convert_element_type3A_255 : i32 to f32
    %add3A_257 = arith.addf %add3A_230, %convert_element_type3A_256 : f32
    %mul3A_258 = arith.mulf %select_n3A_252, %convert_element_type3A_256 : f32
    %add3A_259 = arith.addf %add3A_232, %mul3A_258 : f32
    %slice3A_260 = vector.extract_strided_slice %broadcast_in_dim3A_171 {offsets = [0, 0], sizes = [1, 1], strides = [1, 1]} : vector<1x5xf32> to vector<1x1xf32>
    %squeeze3A_261 = vector.extract %slice3A_260[0, 0] : f32 from vector<1x1xf32>
    %slice3A_262 = vector.extract_strided_slice %broadcast_in_dim3A_171 {offsets = [0, 4], sizes = [1, 1], strides = [1, 1]} : vector<1x5xf32> to vector<1x1xf32>
    %squeeze3A_263 = vector.extract %slice3A_262[0, 0] : f32 from vector<1x1xf32>
    %mul3A_264 = arith.mulf %squeeze3A_261, %squeeze3A_263 : f32
    %max3A_265 = arith.constant 1.000000e+00 : f32
    %max3A_266 = arith.maximumf %mul3A_264, %max3A_265 : f32
    %mul3A_267 = arith.constant 2.560000e+02 : f32
    %mul3A_268 = arith.mulf %max3A_266, %mul3A_267 : f32
    %slice3A_269 = vector.extract_strided_slice %scan3A_177 {offsets = [0, 4], sizes = [1, 1], strides = [1, 1]} : vector<5x5xf32> to vector<1x1xf32>
    %squeeze3A_270 = vector.extract %slice3A_269[0, 0] : f32 from vector<1x1xf32>
    %div3A_271 = arith.divf %squeeze3A_270, %mul3A_268 : f32
    %lt3A_272 = arith.constant 1.000000e+00 : f32
    %lt3A_273 = arith.cmpf olt, %div3A_271, %lt3A_272 : f32
    %mul3A_274 = arith.constant 5.000000e-01 : f32
    %mul3A_275 = arith.mulf %mul3A_274, %div3A_271 : f32
    %mul3A_276 = arith.mulf %mul3A_275, %div3A_271 : f32
    %sub3A_277 = arith.constant 5.000000e-01 : f32
    %sub3A_278 = arith.subf %div3A_271, %sub3A_277 : f32
    %select_n3A_279 = arith.select %lt3A_273, %mul3A_276, %sub3A_278 : f32
    %gt3A_280 = arith.constant 0.000000e+00 : f32
    %gt3A_281 = arith.cmpf ogt, %mul3A_264, %gt3A_280 : f32
    %convert_element_type3A_282 = arith.extui %gt3A_281 : i1 to i32
    %convert_element_type3A_283 = arith.sitofp %convert_element_type3A_282 : i32 to f32
    %add3A_284 = arith.addf %add3A_257, %convert_element_type3A_283 : f32
    %mul3A_285 = arith.mulf %select_n3A_279, %convert_element_type3A_283 : f32
    %add3A_286 = arith.addf %add3A_259, %mul3A_285 : f32
    %slice3A_287 = vector.extract_strided_slice %broadcast_in_dim3A_171 {offsets = [0, 1], sizes = [1, 1], strides = [1, 1]} : vector<1x5xf32> to vector<1x1xf32>
    %squeeze3A_288 = vector.extract %slice3A_287[0, 0] : f32 from vector<1x1xf32>
    %slice3A_289 = vector.extract_strided_slice %broadcast_in_dim3A_171 {offsets = [0, 2], sizes = [1, 1], strides = [1, 1]} : vector<1x5xf32> to vector<1x1xf32>
    %squeeze3A_290 = vector.extract %slice3A_289[0, 0] : f32 from vector<1x1xf32>
    %mul3A_291 = arith.mulf %squeeze3A_288, %squeeze3A_290 : f32
    %max3A_292 = arith.constant 1.000000e+00 : f32
    %max3A_293 = arith.maximumf %mul3A_291, %max3A_292 : f32
    %mul3A_294 = arith.constant 2.560000e+02 : f32
    %mul3A_295 = arith.mulf %max3A_293, %mul3A_294 : f32
    %slice3A_296 = vector.extract_strided_slice %scan3A_177 {offsets = [1, 2], sizes = [1, 1], strides = [1, 1]} : vector<5x5xf32> to vector<1x1xf32>
    %squeeze3A_297 = vector.extract %slice3A_296[0, 0] : f32 from vector<1x1xf32>
    %div3A_298 = arith.divf %squeeze3A_297, %mul3A_295 : f32
    %lt3A_299 = arith.constant 1.000000e+00 : f32
    %lt3A_300 = arith.cmpf olt, %div3A_298, %lt3A_299 : f32
    %mul3A_301 = arith.constant 5.000000e-01 : f32
    %mul3A_302 = arith.mulf %mul3A_301, %div3A_298 : f32
    %mul3A_303 = arith.mulf %mul3A_302, %div3A_298 : f32
    %sub3A_304 = arith.constant 5.000000e-01 : f32
    %sub3A_305 = arith.subf %div3A_298, %sub3A_304 : f32
    %select_n3A_306 = arith.select %lt3A_300, %mul3A_303, %sub3A_305 : f32
    %gt3A_307 = arith.constant 0.000000e+00 : f32
    %gt3A_308 = arith.cmpf ogt, %mul3A_291, %gt3A_307 : f32
    %convert_element_type3A_309 = arith.extui %gt3A_308 : i1 to i32
    %convert_element_type3A_310 = arith.sitofp %convert_element_type3A_309 : i32 to f32
    %add3A_311 = arith.addf %add3A_284, %convert_element_type3A_310 : f32
    %mul3A_312 = arith.mulf %select_n3A_306, %convert_element_type3A_310 : f32
    %add3A_313 = arith.addf %add3A_286, %mul3A_312 : f32
    %slice3A_314 = vector.extract_strided_slice %broadcast_in_dim3A_171 {offsets = [0, 1], sizes = [1, 1], strides = [1, 1]} : vector<1x5xf32> to vector<1x1xf32>
    %squeeze3A_315 = vector.extract %slice3A_314[0, 0] : f32 from vector<1x1xf32>
    %slice3A_316 = vector.extract_strided_slice %broadcast_in_dim3A_171 {offsets = [0, 3], sizes = [1, 1], strides = [1, 1]} : vector<1x5xf32> to vector<1x1xf32>
    %squeeze3A_317 = vector.extract %slice3A_316[0, 0] : f32 from vector<1x1xf32>
    %mul3A_318 = arith.mulf %squeeze3A_315, %squeeze3A_317 : f32
    %max3A_319 = arith.constant 1.000000e+00 : f32
    %max3A_320 = arith.maximumf %mul3A_318, %max3A_319 : f32
    %mul3A_321 = arith.constant 2.560000e+02 : f32
    %mul3A_322 = arith.mulf %max3A_320, %mul3A_321 : f32
    %slice3A_323 = vector.extract_strided_slice %scan3A_177 {offsets = [1, 3], sizes = [1, 1], strides = [1, 1]} : vector<5x5xf32> to vector<1x1xf32>
    %squeeze3A_324 = vector.extract %slice3A_323[0, 0] : f32 from vector<1x1xf32>
    %div3A_325 = arith.divf %squeeze3A_324, %mul3A_322 : f32
    %lt3A_326 = arith.constant 1.000000e+00 : f32
    %lt3A_327 = arith.cmpf olt, %div3A_325, %lt3A_326 : f32
    %mul3A_328 = arith.constant 5.000000e-01 : f32
    %mul3A_329 = arith.mulf %mul3A_328, %div3A_325 : f32
    %mul3A_330 = arith.mulf %mul3A_329, %div3A_325 : f32
    %sub3A_331 = arith.constant 5.000000e-01 : f32
    %sub3A_332 = arith.subf %div3A_325, %sub3A_331 : f32
    %select_n3A_333 = arith.select %lt3A_327, %mul3A_330, %sub3A_332 : f32
    %gt3A_334 = arith.constant 0.000000e+00 : f32
    %gt3A_335 = arith.cmpf ogt, %mul3A_318, %gt3A_334 : f32
    %convert_element_type3A_336 = arith.extui %gt3A_335 : i1 to i32
    %convert_element_type3A_337 = arith.sitofp %convert_element_type3A_336 : i32 to f32
    %add3A_338 = arith.addf %add3A_311, %convert_element_type3A_337 : f32
    %mul3A_339 = arith.mulf %select_n3A_333, %convert_element_type3A_337 : f32
    %add3A_340 = arith.addf %add3A_313, %mul3A_339 : f32
    %slice3A_341 = vector.extract_strided_slice %broadcast_in_dim3A_171 {offsets = [0, 1], sizes = [1, 1], strides = [1, 1]} : vector<1x5xf32> to vector<1x1xf32>
    %squeeze3A_342 = vector.extract %slice3A_341[0, 0] : f32 from vector<1x1xf32>
    %slice3A_343 = vector.extract_strided_slice %broadcast_in_dim3A_171 {offsets = [0, 4], sizes = [1, 1], strides = [1, 1]} : vector<1x5xf32> to vector<1x1xf32>
    %squeeze3A_344 = vector.extract %slice3A_343[0, 0] : f32 from vector<1x1xf32>
    %mul3A_345 = arith.mulf %squeeze3A_342, %squeeze3A_344 : f32
    %max3A_346 = arith.constant 1.000000e+00 : f32
    %max3A_347 = arith.maximumf %mul3A_345, %max3A_346 : f32
    %mul3A_348 = arith.constant 2.560000e+02 : f32
    %mul3A_349 = arith.mulf %max3A_347, %mul3A_348 : f32
    %slice3A_350 = vector.extract_strided_slice %scan3A_177 {offsets = [1, 4], sizes = [1, 1], strides = [1, 1]} : vector<5x5xf32> to vector<1x1xf32>
    %squeeze3A_351 = vector.extract %slice3A_350[0, 0] : f32 from vector<1x1xf32>
    %div3A_352 = arith.divf %squeeze3A_351, %mul3A_349 : f32
    %lt3A_353 = arith.constant 1.000000e+00 : f32
    %lt3A_354 = arith.cmpf olt, %div3A_352, %lt3A_353 : f32
    %mul3A_355 = arith.constant 5.000000e-01 : f32
    %mul3A_356 = arith.mulf %mul3A_355, %div3A_352 : f32
    %mul3A_357 = arith.mulf %mul3A_356, %div3A_352 : f32
    %sub3A_358 = arith.constant 5.000000e-01 : f32
    %sub3A_359 = arith.subf %div3A_352, %sub3A_358 : f32
    %select_n3A_360 = arith.select %lt3A_354, %mul3A_357, %sub3A_359 : f32
    %gt3A_361 = arith.constant 0.000000e+00 : f32
    %gt3A_362 = arith.cmpf ogt, %mul3A_345, %gt3A_361 : f32
    %convert_element_type3A_363 = arith.extui %gt3A_362 : i1 to i32
    %convert_element_type3A_364 = arith.sitofp %convert_element_type3A_363 : i32 to f32
    %add3A_365 = arith.addf %add3A_338, %convert_element_type3A_364 : f32
    %mul3A_366 = arith.mulf %select_n3A_360, %convert_element_type3A_364 : f32
    %add3A_367 = arith.addf %add3A_340, %mul3A_366 : f32
    %slice3A_368 = vector.extract_strided_slice %broadcast_in_dim3A_171 {offsets = [0, 2], sizes = [1, 1], strides = [1, 1]} : vector<1x5xf32> to vector<1x1xf32>
    %squeeze3A_369 = vector.extract %slice3A_368[0, 0] : f32 from vector<1x1xf32>
    %slice3A_370 = vector.extract_strided_slice %broadcast_in_dim3A_171 {offsets = [0, 3], sizes = [1, 1], strides = [1, 1]} : vector<1x5xf32> to vector<1x1xf32>
    %squeeze3A_371 = vector.extract %slice3A_370[0, 0] : f32 from vector<1x1xf32>
    %mul3A_372 = arith.mulf %squeeze3A_369, %squeeze3A_371 : f32
    %max3A_373 = arith.constant 1.000000e+00 : f32
    %max3A_374 = arith.maximumf %mul3A_372, %max3A_373 : f32
    %mul3A_375 = arith.constant 2.560000e+02 : f32
    %mul3A_376 = arith.mulf %max3A_374, %mul3A_375 : f32
    %slice3A_377 = vector.extract_strided_slice %scan3A_177 {offsets = [2, 3], sizes = [1, 1], strides = [1, 1]} : vector<5x5xf32> to vector<1x1xf32>
    %squeeze3A_378 = vector.extract %slice3A_377[0, 0] : f32 from vector<1x1xf32>
    %div3A_379 = arith.divf %squeeze3A_378, %mul3A_376 : f32
    %lt3A_380 = arith.constant 1.000000e+00 : f32
    %lt3A_381 = arith.cmpf olt, %div3A_379, %lt3A_380 : f32
    %mul3A_382 = arith.constant 5.000000e-01 : f32
    %mul3A_383 = arith.mulf %mul3A_382, %div3A_379 : f32
    %mul3A_384 = arith.mulf %mul3A_383, %div3A_379 : f32
    %sub3A_385 = arith.constant 5.000000e-01 : f32
    %sub3A_386 = arith.subf %div3A_379, %sub3A_385 : f32
    %select_n3A_387 = arith.select %lt3A_381, %mul3A_384, %sub3A_386 : f32
    %gt3A_388 = arith.constant 0.000000e+00 : f32
    %gt3A_389 = arith.cmpf ogt, %mul3A_372, %gt3A_388 : f32
    %convert_element_type3A_390 = arith.extui %gt3A_389 : i1 to i32
    %convert_element_type3A_391 = arith.sitofp %convert_element_type3A_390 : i32 to f32
    %add3A_392 = arith.addf %add3A_365, %convert_element_type3A_391 : f32
    %mul3A_393 = arith.mulf %select_n3A_387, %convert_element_type3A_391 : f32
    %add3A_394 = arith.addf %add3A_367, %mul3A_393 : f32
    %slice3A_395 = vector.extract_strided_slice %broadcast_in_dim3A_171 {offsets = [0, 2], sizes = [1, 1], strides = [1, 1]} : vector<1x5xf32> to vector<1x1xf32>
    %squeeze3A_396 = vector.extract %slice3A_395[0, 0] : f32 from vector<1x1xf32>
    %slice3A_397 = vector.extract_strided_slice %broadcast_in_dim3A_171 {offsets = [0, 4], sizes = [1, 1], strides = [1, 1]} : vector<1x5xf32> to vector<1x1xf32>
    %squeeze3A_398 = vector.extract %slice3A_397[0, 0] : f32 from vector<1x1xf32>
    %mul3A_399 = arith.mulf %squeeze3A_396, %squeeze3A_398 : f32
    %max3A_400 = arith.constant 1.000000e+00 : f32
    %max3A_401 = arith.maximumf %mul3A_399, %max3A_400 : f32
    %mul3A_402 = arith.constant 2.560000e+02 : f32
    %mul3A_403 = arith.mulf %max3A_401, %mul3A_402 : f32
    %slice3A_404 = vector.extract_strided_slice %scan3A_177 {offsets = [2, 4], sizes = [1, 1], strides = [1, 1]} : vector<5x5xf32> to vector<1x1xf32>
    %squeeze3A_405 = vector.extract %slice3A_404[0, 0] : f32 from vector<1x1xf32>
    %div3A_406 = arith.divf %squeeze3A_405, %mul3A_403 : f32
    %lt3A_407 = arith.constant 1.000000e+00 : f32
    %lt3A_408 = arith.cmpf olt, %div3A_406, %lt3A_407 : f32
    %mul3A_409 = arith.constant 5.000000e-01 : f32
    %mul3A_410 = arith.mulf %mul3A_409, %div3A_406 : f32
    %mul3A_411 = arith.mulf %mul3A_410, %div3A_406 : f32
    %sub3A_412 = arith.constant 5.000000e-01 : f32
    %sub3A_413 = arith.subf %div3A_406, %sub3A_412 : f32
    %select_n3A_414 = arith.select %lt3A_408, %mul3A_411, %sub3A_413 : f32
    %gt3A_415 = arith.constant 0.000000e+00 : f32
    %gt3A_416 = arith.cmpf ogt, %mul3A_399, %gt3A_415 : f32
    %convert_element_type3A_417 = arith.extui %gt3A_416 : i1 to i32
    %convert_element_type3A_418 = arith.sitofp %convert_element_type3A_417 : i32 to f32
    %add3A_419 = arith.addf %add3A_392, %convert_element_type3A_418 : f32
    %mul3A_420 = arith.mulf %select_n3A_414, %convert_element_type3A_418 : f32
    %add3A_421 = arith.addf %add3A_394, %mul3A_420 : f32
    %slice3A_422 = vector.extract_strided_slice %broadcast_in_dim3A_171 {offsets = [0, 3], sizes = [1, 1], strides = [1, 1]} : vector<1x5xf32> to vector<1x1xf32>
    %squeeze3A_423 = vector.extract %slice3A_422[0, 0] : f32 from vector<1x1xf32>
    %slice3A_424 = vector.extract_strided_slice %broadcast_in_dim3A_171 {offsets = [0, 4], sizes = [1, 1], strides = [1, 1]} : vector<1x5xf32> to vector<1x1xf32>
    %squeeze3A_425 = vector.extract %slice3A_424[0, 0] : f32 from vector<1x1xf32>
    %mul3A_426 = arith.mulf %squeeze3A_423, %squeeze3A_425 : f32
    %max3A_427 = arith.constant 1.000000e+00 : f32
    %max3A_428 = arith.maximumf %mul3A_426, %max3A_427 : f32
    %mul3A_429 = arith.constant 2.560000e+02 : f32
    %mul3A_430 = arith.mulf %max3A_428, %mul3A_429 : f32
    %slice3A_431 = vector.extract_strided_slice %scan3A_177 {offsets = [3, 4], sizes = [1, 1], strides = [1, 1]} : vector<5x5xf32> to vector<1x1xf32>
    %squeeze3A_432 = vector.extract %slice3A_431[0, 0] : f32 from vector<1x1xf32>
    %div3A_433 = arith.divf %squeeze3A_432, %mul3A_430 : f32
    %lt3A_434 = arith.constant 1.000000e+00 : f32
    %lt3A_435 = arith.cmpf olt, %div3A_433, %lt3A_434 : f32
    %mul3A_436 = arith.constant 5.000000e-01 : f32
    %mul3A_437 = arith.mulf %mul3A_436, %div3A_433 : f32
    %mul3A_438 = arith.mulf %mul3A_437, %div3A_433 : f32
    %sub3A_439 = arith.constant 5.000000e-01 : f32
    %sub3A_440 = arith.subf %div3A_433, %sub3A_439 : f32
    %select_n3A_441 = arith.select %lt3A_435, %mul3A_438, %sub3A_440 : f32
    %gt3A_442 = arith.constant 0.000000e+00 : f32
    %gt3A_443 = arith.cmpf ogt, %mul3A_426, %gt3A_442 : f32
    %convert_element_type3A_444 = arith.extui %gt3A_443 : i1 to i32
    %convert_element_type3A_445 = arith.sitofp %convert_element_type3A_444 : i32 to f32
    %add3A_446 = arith.addf %add3A_419, %convert_element_type3A_445 : f32
    %mul3A_447 = arith.mulf %select_n3A_441, %convert_element_type3A_445 : f32
    %add3A_448 = arith.addf %add3A_421, %mul3A_447 : f32
    %get3A_449 = arith.constant 1 : index
    %get3A_450 = arith.constant 0 : index
    %get3A_451 = memref.load %arg2[%get3A_449, %get3A_450] : memref<4x16xi32, #tpu.memory_space<smem>>
    %jit3A_452 = arith.constant 64 : i32
    %div3A_453 = vector.broadcast %jit3A_452 : i32 to vector<320x320xi32>
    %div3A_454 = arith.divsi %iota3A_25, %div3A_453 : vector<320x320xi32>
    %sign3A_455 = arith.constant 0 : i32
    %sign3A_456 = vector.broadcast %sign3A_455 : i32 to vector<320x320xi32>
    %sign3A_457 = arith.cmpi sgt, %iota3A_25, %sign3A_456 : vector<320x320xi32>
    %sign3A_458 = arith.extui %sign3A_457 : vector<320x320xi1> to vector<320x320xi32>
    %sign3A_459 = arith.constant 0 : i32
    %sign3A_460 = vector.broadcast %sign3A_459 : i32 to vector<320x320xi32>
    %sign3A_461 = arith.cmpi slt, %iota3A_25, %sign3A_460 : vector<320x320xi32>
    %sign3A_462 = arith.extui %sign3A_461 : vector<320x320xi1> to vector<320x320xi32>
    %sign3A_463 = arith.subi %sign3A_458, %sign3A_462 : vector<320x320xi32>
    %sign3A_464 = arith.constant 0 : i32
    %sign3A_465 = arith.cmpi sgt, %jit3A_452, %sign3A_464 : i32
    %sign3A_466 = arith.extui %sign3A_465 : i1 to i32
    %sign3A_467 = arith.constant 0 : i32
    %sign3A_468 = arith.cmpi slt, %jit3A_452, %sign3A_467 : i32
    %sign3A_469 = arith.extui %sign3A_468 : i1 to i32
    %sign3A_470 = arith.subi %sign3A_466, %sign3A_469 : i32
    %ne3A_471 = vector.broadcast %sign3A_470 : i32 to vector<320x320xi32>
    %ne3A_472 = arith.cmpi ne, %sign3A_463, %ne3A_471 : vector<320x320xi32>
    %rem3A_473 = vector.broadcast %jit3A_452 : i32 to vector<320x320xi32>
    %rem3A_474 = arith.remsi %iota3A_25, %rem3A_473 : vector<320x320xi32>
    %ne3A_475 = arith.constant 0 : i32
    %ne3A_476 = vector.broadcast %ne3A_475 : i32 to vector<320x320xi32>
    %ne3A_477 = arith.cmpi ne, %rem3A_474, %ne3A_476 : vector<320x320xi32>
    %and3A_478 = arith.andi %ne3A_472, %ne3A_477 : vector<320x320xi1>
    %sub3A_479 = arith.constant 1 : i32
    %sub3A_480 = vector.broadcast %sub3A_479 : i32 to vector<320x320xi32>
    %sub3A_481 = arith.subi %div3A_454, %sub3A_480 : vector<320x320xi32>
    %select_n3A_482 = arith.select %and3A_478, %sub3A_481, %div3A_454 : vector<320x320xi1>, vector<320x320xi32>
    %mul3A_483 = vector.broadcast %get3A_451 : i32 to vector<320x320xi32>
    %mul3A_484 = arith.muli %mul3A_483, %select_n3A_482 : vector<320x320xi32>
    %jit3A_485 = arith.constant 64 : i32
    %eq3A_486 = arith.constant 0 : i32
    %eq3A_487 = arith.cmpi eq, %jit3A_485, %eq3A_486 : i32
    %jit3A_488 = arith.constant 1 : i32
    %select_n3A_489 = arith.select %eq3A_487, %jit3A_488, %jit3A_485 : i32
    %rem3A_490 = vector.broadcast %select_n3A_489 : i32 to vector<320x320xi32>
    %rem3A_491 = arith.remsi %iota3A_25, %rem3A_490 : vector<320x320xi32>
    %ne3A_492 = arith.constant 0 : i32
    %ne3A_493 = vector.broadcast %ne3A_492 : i32 to vector<320x320xi32>
    %ne3A_494 = arith.cmpi ne, %rem3A_491, %ne3A_493 : vector<320x320xi32>
    %lt3A_495 = arith.constant 0 : i32
    %lt3A_496 = vector.broadcast %lt3A_495 : i32 to vector<320x320xi32>
    %lt3A_497 = arith.cmpi slt, %rem3A_491, %lt3A_496 : vector<320x320xi32>
    %lt3A_498 = arith.constant 0 : i32
    %lt3A_499 = arith.cmpi slt, %select_n3A_489, %lt3A_498 : i32
    %ne3A_500 = vector.broadcast %lt3A_499 : i1 to vector<320x320xi1>
    %ne3A_501 = vector.broadcast %ne3A_500 : vector<320x320xi1> to vector<320x320xi1>
    %ne3A_502 = arith.xori %lt3A_497, %ne3A_501 : vector<320x320xi1>
    %and3A_503 = arith.andi %ne3A_502, %ne3A_494 : vector<320x320xi1>
    %add3A_504 = vector.broadcast %select_n3A_489 : i32 to vector<320x320xi32>
    %add3A_505 = arith.addi %rem3A_491, %add3A_504 : vector<320x320xi32>
    %select_n3A_506 = arith.select %and3A_503, %add3A_505, %rem3A_491 : vector<320x320xi1>, vector<320x320xi32>
    %add3A_507 = arith.addi %mul3A_484, %select_n3A_506 : vector<320x320xi32>
    %eq3A_508 = arith.cmpi eq, %iota3A_26, %add3A_507 : vector<320x320xi32>
    %convert_element_type3A_509 = arith.extui %eq3A_508 : vector<320x320xi1> to vector<320x320xi32>
    %convert_element_type3A_510 = arith.sitofp %convert_element_type3A_509 : vector<320x320xi32> to vector<320x320xf32>
    %get3A_511 = arith.constant 1 : index
    %get3A_512 = arith.constant 0 : index
    %get3A_513 = arith.constant 0 : index
    %get3A_514 = vector.load %arg0[%get3A_511, %get3A_512, %get3A_513] : memref<4x320x256xf32, #tpu.memory_space<vmem>>, vector<1x320x256xf32>
    %get3A_515 = vector.shape_cast %get3A_514 : vector<1x320x256xf32> to vector<320x256xf32>
    %dot_general3A_516 = arith.constant dense<0.000000e+00> : vector<320x256xf32>
    %dot_general3A_517 = tpu.matmul %convert_element_type3A_510, %get3A_515, %dot_general3A_516 {dimension_numbers = #tpu.dot_dimension_numbers<[0], [0], [1], [1], [0, 1, 1, 1], [], []>, transpose_lhs_hint = false} : vector<320x320xf32>, vector<320x256xf32>, vector<320x256xf32> -> vector<320x256xf32>
    %get3A_518 = arith.constant 1 : index
    %get3A_519 = arith.constant 0 : index
    %get3A_520 = arith.constant 0 : index
    %get3A_521 = vector.load %arg1[%get3A_518, %get3A_519, %get3A_520] : memref<4x320x1xf32, #tpu.memory_space<vmem>>, vector<1x320x1xf32>
    %get3A_522 = vector.shape_cast %get3A_521 : vector<1x320x1xf32> to vector<320x1xf32>
    %dot_general3A_523 = arith.constant dense<0.000000e+00> : vector<320x1xf32>
    %dot_general3A_524 = tpu.matmul %convert_element_type3A_510, %get3A_522, %dot_general3A_523 {dimension_numbers = #tpu.dot_dimension_numbers<[0], [0], [1], [1], [0, 1, 1, 1], [], []>, transpose_lhs_hint = false} : vector<320x320xf32>, vector<320x1xf32>, vector<320x1xf32> -> vector<320x1xf32>
    %max3A_525 = arith.constant 1.000000e+00 : f32
    %max3A_526 = vector.broadcast %max3A_525 : f32 to vector<320x1xf32>
    %max3A_527 = arith.maximumf %dot_general3A_524, %max3A_526 : vector<320x1xf32>
    %div3A_528 = vector.broadcast %max3A_527 : vector<320x1xf32> to vector<320x256xf32>
    %div3A_529 = arith.divf %dot_general3A_517, %div3A_528 : vector<320x256xf32>
    %swap3A_530 = arith.constant 0 : index
    %swap3A_531 = arith.constant 0 : index
    %swap3A_532 = vector.load %arg4[%swap3A_530, %swap3A_531] : memref<320x256xf32, #tpu.memory_space<vmem>>, vector<320x256xf32>
    tpu.vector_store %arg4[%swap3A_530, %swap3A_531], %div3A_529 {strides = array<i32>} : memref<320x256xf32, #tpu.memory_space<vmem>>, vector<320x256xf32>,
    %gt3A_533 = arith.constant 0.000000e+00 : f32
    %gt3A_534 = vector.broadcast %gt3A_533 : f32 to vector<320x1xf32>
    %gt3A_535 = arith.cmpf ogt, %dot_general3A_524, %gt3A_534 : vector<320x1xf32>
    %convert_element_type3A_536 = arith.extui %gt3A_535 : vector<320x1xi1> to vector<320x1xi32>
    %convert_element_type3A_537 = arith.sitofp %convert_element_type3A_536 : vector<320x1xi32> to vector<320x1xf32>
    %reduce_sum3A_538 = vector.shape_cast %convert_element_type3A_537 : vector<320x1xf32> to vector<1x320x1xf32>
    %reduce_sum3A_539 = arith.constant dense<0.000000e+00> : vector<1xf32>
    %reduce_sum3A_540 = vector.multi_reduction <add>, %reduce_sum3A_538, %reduce_sum3A_539 [1, 2] : vector<1x320x1xf32> to vector<1xf32>
    %reduce_sum3A_541 = vector.shape_cast %reduce_sum3A_540 : vector<1xf32> to vector<1x1x1xf32>
    %reduce_sum3A_542 = vector.extract %reduce_sum3A_541[0, 0, 0] : f32 from vector<1x1x1xf32>
    %iota3A_543 = tpu.iota {dimensions = array<i32: 0>} : vector<320x1xi32>
    %convert_element_type3A_544 = arith.sitofp %iota3A_543 : vector<320x1xi32> to vector<320x1xf32>
    %jit3A_545 = arith.constant -1.000000e+00 : f32
    %broadcast_in_dim3A_546 = vector.broadcast %jit3A_545 : f32 to vector<320x1xf32>
    %select_n3A_547 = arith.select %gt3A_535, %convert_element_type3A_544, %broadcast_in_dim3A_546 : vector<320x1xi1>, vector<320x1xf32>
    %reduce_max3A_548 = vector.shape_cast %select_n3A_547 : vector<320x1xf32> to vector<1x320x1xf32>
    %reduce_max3A_549 = arith.constant dense<0xFF800000> : vector<1xf32>
    %reduce_max3A_550 = vector.multi_reduction <maximumf>, %reduce_max3A_548, %reduce_max3A_549 [1, 2] : vector<1x320x1xf32> to vector<1xf32>
    %reduce_max3A_551 = vector.shape_cast %reduce_max3A_550 : vector<1xf32> to vector<1x1x1xf32>
    %reduce_max3A_552 = vector.extract %reduce_max3A_551[0, 0, 0] : f32 from vector<1x1x1xf32>
    %ne3A_553 = vector.broadcast %reduce_max3A_552 : f32 to vector<320x1xf32>
    %ne3A_554 = arith.cmpf one, %convert_element_type3A_544, %ne3A_553 : vector<320x1xf32>
    %and3A_555 = arith.andi %gt3A_535, %ne3A_554 : vector<320x1xi1>
    %jit3A_556 = arith.constant -1.000000e+00 : f32
    %broadcast_in_dim3A_557 = vector.broadcast %jit3A_556 : f32 to vector<320x1xf32>
    %select_n3A_558 = arith.select %and3A_555, %convert_element_type3A_544, %broadcast_in_dim3A_557 : vector<320x1xi1>, vector<320x1xf32>
    %reduce_max3A_559 = vector.shape_cast %select_n3A_558 : vector<320x1xf32> to vector<1x320x1xf32>
    %reduce_max3A_560 = arith.constant dense<0xFF800000> : vector<1xf32>
    %reduce_max3A_561 = vector.multi_reduction <maximumf>, %reduce_max3A_559, %reduce_max3A_560 [1, 2] : vector<1x320x1xf32> to vector<1xf32>
    %reduce_max3A_562 = vector.shape_cast %reduce_max3A_561 : vector<1xf32> to vector<1x1x1xf32>
    %reduce_max3A_563 = vector.extract %reduce_max3A_562[0, 0, 0] : f32 from vector<1x1x1xf32>
    %ge3A_564 = arith.constant 2.000000e+00 : f32
    %ge3A_565 = arith.cmpf oge, %reduce_sum3A_542, %ge3A_564 : f32
    %select_n3A_566 = arith.select %ge3A_565, %reduce_max3A_563, %reduce_max3A_552 : f32
    %convert_element_type3A_567 = arith.sitofp %get3A_451 : i32 to f32
    %div3A_568 = vector.broadcast %convert_element_type3A_567 : f32 to vector<320x1xf32>
    %div3A_569 = arith.divf %convert_element_type3A_544, %div3A_568 : vector<320x1xf32>
    %sub3A_570 = arith.constant 1.000000e+00 : f32
    %sub3A_571 = vector.broadcast %sub3A_570 : f32 to vector<320x1xf32>
    %sub3A_572 = arith.subf %div3A_569, %sub3A_571 : vector<320x1xf32>
    %ceil3A_573 = math.ceil %sub3A_572 : vector<320x1xf32>
    %div3A_574 = arith.divf %select_n3A_566, %convert_element_type3A_567 : f32
    %sub3A_575 = arith.constant 1.000000e+00 : f32
    %sub3A_576 = arith.subf %div3A_574, %sub3A_575 : f32
    %ceil3A_577 = math.ceil %sub3A_576 : f32
    %eq3A_578 = vector.broadcast %reduce_max3A_552 : f32 to vector<320x1xf32>
    %eq3A_579 = arith.cmpf oeq, %convert_element_type3A_544, %eq3A_578 : vector<320x1xf32>
    %broadcast_in_dim3A_580 = vector.broadcast %ceil3A_577 : f32 to vector<320x1xf32>
    %select_n3A_581 = arith.select %eq3A_579, %broadcast_in_dim3A_580, %ceil3A_573 : vector<320x1xi1>, vector<320x1xf32>
    %ge3A_582 = arith.constant 2.000000e+00 : f32
    %ge3A_583 = vector.broadcast %ge3A_582 : f32 to vector<320x1xf32>
    %ge3A_584 = arith.cmpf oge, %dot_general3A_524, %ge3A_583 : vector<320x1xf32>
    %ne3A_585 = arith.constant 0.000000e+00 : f32
    %ne3A_586 = vector.broadcast %ne3A_585 : f32 to vector<320x1xf32>
    %ne3A_587 = arith.cmpf one, %convert_element_type3A_544, %ne3A_586 : vector<320x1xf32>
    %and3A_588 = arith.andi %ge3A_584, %ne3A_587 : vector<320x1xi1>
    %gt3A_589 = arith.constant 1.000000e+00 : f32
    %gt3A_590 = arith.cmpf ogt, %reduce_sum3A_542, %gt3A_589 : f32
    %and3A_591 = vector.broadcast %gt3A_590 : i1 to vector<320x1xi1>
    %and3A_592 = arith.andi %and3A_588, %and3A_591 : vector<320x1xi1>
    %iota3A_593 = tpu.iota {dimensions = array<i32: 1>} : vector<320x5xi32>
    %convert_element_type3A_594 = arith.sitofp %iota3A_593 : vector<320x5xi32> to vector<320x5xf32>
    %eq3A_595 = vector.broadcast %select_n3A_581 : vector<320x1xf32> to vector<320x5xf32>
    %eq3A_596 = arith.cmpf oeq, %eq3A_595, %convert_element_type3A_594 : vector<320x5xf32>
    %and3A_597 = vector.broadcast %and3A_592 : vector<320x1xi1> to vector<320x5xi1>
    %and3A_598 = arith.andi %and3A_597, %eq3A_596 : vector<320x5xi1>
    %convert_element_type3A_599 = arith.extui %and3A_598 : vector<320x5xi1> to vector<320x5xi32>
    %convert_element_type3A_600 = arith.sitofp %convert_element_type3A_599 : vector<320x5xi32> to vector<320x5xf32>
    %swap3A_601 = arith.constant 0 : index
    %swap3A_602 = arith.constant 0 : index
    %swap3A_603 = vector.load %arg5[%swap3A_601, %swap3A_602] : memref<320x5xf32, #tpu.memory_space<vmem>>, vector<320x5xf32>
    tpu.vector_store %arg5[%swap3A_601, %swap3A_602], %convert_element_type3A_600 {strides = array<i32>} : memref<320x5xf32, #tpu.memory_space<vmem>>, vector<320x5xf32>,
    %reduce_sum3A_604 = arith.constant dense<0.000000e+00> : vector<5xf32>
    %reduce_sum3A_605 = vector.multi_reduction <add>, %convert_element_type3A_600, %reduce_sum3A_604 [0] : vector<320x5xf32> to vector<5xf32>
    %broadcast_in_dim3A_606 = vector.shape_cast %reduce_sum3A_605 : vector<5xf32> to vector<1x5xf32>
    %broadcast_in_dim3A_607 = arith.constant 0.000000e+00 : f32
    %broadcast_in_dim3A_608 = vector.broadcast %broadcast_in_dim3A_607 : f32 to vector<5x5xf32>
    %scan3A_609 = arith.constant 0 : i32
    %scan3A_610 = arith.constant 40 : i32
    %scan3A_611 = arith.addi %scan3A_609, %scan3A_610 : i32
    %scan3A_612 = arith.constant 1 : i32
    %scan3A_613 = scf.for %scan3A_1780 = %scan3A_609 to %scan3A_611 step %scan3A_612 iter_args(%scan3A_1781 = %broadcast_in_dim3A_608) -> (vector<5x5xf32>)  : i32 {
      %mul3A_1782 = arith.constant 8 : i32
      %mul3A_1783 = arith.muli %scan3A_1780, %mul3A_1782 : i32
      %get3A_1784 = arith.index_cast %mul3A_1783 : i32 to index
      %get3A_1785 = arith.constant 0 : index
      %get3A_1786 = vector.load %arg4[%get3A_1784, %get3A_1785] : memref<320x256xf32, #tpu.memory_space<vmem>>, vector<8x256xf32>
      %get3A_1787 = arith.constant 0 : index
      %get3A_1788 = arith.constant 0 : index
      %get3A_1789 = vector.load %arg4[%get3A_1787, %get3A_1788] : memref<320x256xf32, #tpu.memory_space<vmem>>, vector<320x256xf32>
      %slice3A_1790 = vector.extract_strided_slice %get3A_1786 {offsets = [0, 0], sizes = [1, 256], strides = [1, 1]} : vector<8x256xf32> to vector<1x256xf32>
      %sub3A_1791 = vector.broadcast %slice3A_1790 : vector<1x256xf32> to vector<320x256xf32>
      %sub3A_1792 = arith.subf %get3A_1789, %sub3A_1791 : vector<320x256xf32>
      %abs3A = math.absf %sub3A_1792 : vector<320x256xf32>
      %slice3A_1793 = vector.extract_strided_slice %get3A_1786 {offsets = [1, 0], sizes = [1, 256], strides = [1, 1]} : vector<8x256xf32> to vector<1x256xf32>
      %sub3A_1794 = vector.broadcast %slice3A_1793 : vector<1x256xf32> to vector<320x256xf32>
      %sub3A_1795 = arith.subf %get3A_1789, %sub3A_1794 : vector<320x256xf32>
      %abs3A_1796 = math.absf %sub3A_1795 : vector<320x256xf32>
      %slice3A_1797 = vector.extract_strided_slice %get3A_1786 {offsets = [2, 0], sizes = [1, 256], strides = [1, 1]} : vector<8x256xf32> to vector<1x256xf32>
      %sub3A_1798 = vector.broadcast %slice3A_1797 : vector<1x256xf32> to vector<320x256xf32>
      %sub3A_1799 = arith.subf %get3A_1789, %sub3A_1798 : vector<320x256xf32>
      %abs3A_1800 = math.absf %sub3A_1799 : vector<320x256xf32>
      %slice3A_1801 = vector.extract_strided_slice %get3A_1786 {offsets = [3, 0], sizes = [1, 256], strides = [1, 1]} : vector<8x256xf32> to vector<1x256xf32>
      %sub3A_1802 = vector.broadcast %slice3A_1801 : vector<1x256xf32> to vector<320x256xf32>
      %sub3A_1803 = arith.subf %get3A_1789, %sub3A_1802 : vector<320x256xf32>
      %abs3A_1804 = math.absf %sub3A_1803 : vector<320x256xf32>
      %slice3A_1805 = vector.extract_strided_slice %get3A_1786 {offsets = [4, 0], sizes = [1, 256], strides = [1, 1]} : vector<8x256xf32> to vector<1x256xf32>
      %sub3A_1806 = vector.broadcast %slice3A_1805 : vector<1x256xf32> to vector<320x256xf32>
      %sub3A_1807 = arith.subf %get3A_1789, %sub3A_1806 : vector<320x256xf32>
      %abs3A_1808 = math.absf %sub3A_1807 : vector<320x256xf32>
      %slice3A_1809 = vector.extract_strided_slice %get3A_1786 {offsets = [5, 0], sizes = [1, 256], strides = [1, 1]} : vector<8x256xf32> to vector<1x256xf32>
      %sub3A_1810 = vector.broadcast %slice3A_1809 : vector<1x256xf32> to vector<320x256xf32>
      %sub3A_1811 = arith.subf %get3A_1789, %sub3A_1810 : vector<320x256xf32>
      %abs3A_1812 = math.absf %sub3A_1811 : vector<320x256xf32>
      %slice3A_1813 = vector.extract_strided_slice %get3A_1786 {offsets = [6, 0], sizes = [1, 256], strides = [1, 1]} : vector<8x256xf32> to vector<1x256xf32>
      %sub3A_1814 = vector.broadcast %slice3A_1813 : vector<1x256xf32> to vector<320x256xf32>
      %sub3A_1815 = arith.subf %get3A_1789, %sub3A_1814 : vector<320x256xf32>
      %abs3A_1816 = math.absf %sub3A_1815 : vector<320x256xf32>
      %slice3A_1817 = vector.extract_strided_slice %get3A_1786 {offsets = [7, 0], sizes = [1, 256], strides = [1, 1]} : vector<8x256xf32> to vector<1x256xf32>
      %sub3A_1818 = vector.broadcast %slice3A_1817 : vector<1x256xf32> to vector<320x256xf32>
      %sub3A_1819 = arith.subf %get3A_1789, %sub3A_1818 : vector<320x256xf32>
      %abs3A_1820 = math.absf %sub3A_1819 : vector<320x256xf32>
      %concatenate3A = tpu.concatenate %abs3A, %abs3A_1796, %abs3A_1800, %abs3A_1804, %abs3A_1808, %abs3A_1812, %abs3A_1816, %abs3A_1820 in 1 : vector<320x256xf32>, vector<320x256xf32>, vector<320x256xf32>, vector<320x256xf32>, vector<320x256xf32>, vector<320x256xf32>, vector<320x256xf32>, vector<320x256xf32> -> vector<320x2048xf32>
      %dot_general3A_1821 = arith.constant dense<0.000000e+00> : vector<320x8xf32>
      %dot_general3A_1822 = tpu.matmul %concatenate3A, %convert_element_type3A_24, %dot_general3A_1821 {dimension_numbers = #tpu.dot_dimension_numbers<[1], [0], [0], [1], [0, 0, 1, 1], [], []>, transpose_lhs_hint = false} : vector<320x2048xf32>, vector<2048x8xf32>, vector<320x8xf32> -> vector<320x8xf32>
      %get3A_1823 = arith.constant 0 : index
      %get3A_1824 = arith.constant 0 : index
      %get3A_1825 = vector.load %arg5[%get3A_1823, %get3A_1824] : memref<320x5xf32, #tpu.memory_space<vmem>>, vector<320x5xf32>
      %dot_general3A_1826 = arith.constant dense<0.000000e+00> : vector<8x5xf32>
      %dot_general3A_1827 = tpu.matmul %dot_general3A_1822, %get3A_1825, %dot_general3A_1826 {dimension_numbers = #tpu.dot_dimension_numbers<[0], [0], [1], [1], [0, 1, 1, 1], [], []>, transpose_lhs_hint = false} : vector<320x8xf32>, vector<320x5xf32>, vector<8x5xf32> -> vector<8x5xf32>
      %mul3A_1828 = arith.constant 8 : i32
      %mul3A_1829 = arith.muli %scan3A_1780, %mul3A_1828 : i32
      %get3A_1830 = arith.index_cast %mul3A_1829 : i32 to index
      %get3A_1831 = arith.constant 0 : index
      %get3A_1832 = vector.load %arg5[%get3A_1830, %get3A_1831] : memref<320x5xf32, #tpu.memory_space<vmem>>, vector<8x5xf32>
      %dot_general3A_1833 = arith.constant dense<0.000000e+00> : vector<5x5xf32>
      %dot_general3A_1834 = tpu.matmul %get3A_1832, %dot_general3A_1827, %dot_general3A_1833 {dimension_numbers = #tpu.dot_dimension_numbers<[0], [0], [1], [1], [0, 1, 1, 1], [], []>, transpose_lhs_hint = false} : vector<8x5xf32>, vector<8x5xf32>, vector<5x5xf32> -> vector<5x5xf32>
      %add3A_1835 = arith.addf %scan3A_1781, %dot_general3A_1834 : vector<5x5xf32>
      scf.yield %add3A_1835 : vector<5x5xf32>
    }
    %scan3A_614 = arith.constant 40 : i32
    %slice3A_615 = vector.extract_strided_slice %broadcast_in_dim3A_606 {offsets = [0, 0], sizes = [1, 1], strides = [1, 1]} : vector<1x5xf32> to vector<1x1xf32>
    %squeeze3A_616 = vector.extract %slice3A_615[0, 0] : f32 from vector<1x1xf32>
    %slice3A_617 = vector.extract_strided_slice %broadcast_in_dim3A_606 {offsets = [0, 1], sizes = [1, 1], strides = [1, 1]} : vector<1x5xf32> to vector<1x1xf32>
    %squeeze3A_618 = vector.extract %slice3A_617[0, 0] : f32 from vector<1x1xf32>
    %mul3A_619 = arith.mulf %squeeze3A_616, %squeeze3A_618 : f32
    %max3A_620 = arith.constant 1.000000e+00 : f32
    %max3A_621 = arith.maximumf %mul3A_619, %max3A_620 : f32
    %mul3A_622 = arith.constant 2.560000e+02 : f32
    %mul3A_623 = arith.mulf %max3A_621, %mul3A_622 : f32
    %slice3A_624 = vector.extract_strided_slice %scan3A_613 {offsets = [0, 1], sizes = [1, 1], strides = [1, 1]} : vector<5x5xf32> to vector<1x1xf32>
    %squeeze3A_625 = vector.extract %slice3A_624[0, 0] : f32 from vector<1x1xf32>
    %div3A_626 = arith.divf %squeeze3A_625, %mul3A_623 : f32
    %lt3A_627 = arith.constant 1.000000e+00 : f32
    %lt3A_628 = arith.cmpf olt, %div3A_626, %lt3A_627 : f32
    %mul3A_629 = arith.constant 5.000000e-01 : f32
    %mul3A_630 = arith.mulf %mul3A_629, %div3A_626 : f32
    %mul3A_631 = arith.mulf %mul3A_630, %div3A_626 : f32
    %sub3A_632 = arith.constant 5.000000e-01 : f32
    %sub3A_633 = arith.subf %div3A_626, %sub3A_632 : f32
    %select_n3A_634 = arith.select %lt3A_628, %mul3A_631, %sub3A_633 : f32
    %gt3A_635 = arith.constant 0.000000e+00 : f32
    %gt3A_636 = arith.cmpf ogt, %mul3A_619, %gt3A_635 : f32
    %convert_element_type3A_637 = arith.extui %gt3A_636 : i1 to i32
    %convert_element_type3A_638 = arith.sitofp %convert_element_type3A_637 : i32 to f32
    %add3A_639 = arith.addf %add3A_446, %convert_element_type3A_638 : f32
    %mul3A_640 = arith.mulf %select_n3A_634, %convert_element_type3A_638 : f32
    %add3A_641 = arith.addf %add3A_448, %mul3A_640 : f32
    %slice3A_642 = vector.extract_strided_slice %broadcast_in_dim3A_606 {offsets = [0, 0], sizes = [1, 1], strides = [1, 1]} : vector<1x5xf32> to vector<1x1xf32>
    %squeeze3A_643 = vector.extract %slice3A_642[0, 0] : f32 from vector<1x1xf32>
    %slice3A_644 = vector.extract_strided_slice %broadcast_in_dim3A_606 {offsets = [0, 2], sizes = [1, 1], strides = [1, 1]} : vector<1x5xf32> to vector<1x1xf32>
    %squeeze3A_645 = vector.extract %slice3A_644[0, 0] : f32 from vector<1x1xf32>
    %mul3A_646 = arith.mulf %squeeze3A_643, %squeeze3A_645 : f32
    %max3A_647 = arith.constant 1.000000e+00 : f32
    %max3A_648 = arith.maximumf %mul3A_646, %max3A_647 : f32
    %mul3A_649 = arith.constant 2.560000e+02 : f32
    %mul3A_650 = arith.mulf %max3A_648, %mul3A_649 : f32
    %slice3A_651 = vector.extract_strided_slice %scan3A_613 {offsets = [0, 2], sizes = [1, 1], strides = [1, 1]} : vector<5x5xf32> to vector<1x1xf32>
    %squeeze3A_652 = vector.extract %slice3A_651[0, 0] : f32 from vector<1x1xf32>
    %div3A_653 = arith.divf %squeeze3A_652, %mul3A_650 : f32
    %lt3A_654 = arith.constant 1.000000e+00 : f32
    %lt3A_655 = arith.cmpf olt, %div3A_653, %lt3A_654 : f32
    %mul3A_656 = arith.constant 5.000000e-01 : f32
    %mul3A_657 = arith.mulf %mul3A_656, %div3A_653 : f32
    %mul3A_658 = arith.mulf %mul3A_657, %div3A_653 : f32
    %sub3A_659 = arith.constant 5.000000e-01 : f32
    %sub3A_660 = arith.subf %div3A_653, %sub3A_659 : f32
    %select_n3A_661 = arith.select %lt3A_655, %mul3A_658, %sub3A_660 : f32
    %gt3A_662 = arith.constant 0.000000e+00 : f32
    %gt3A_663 = arith.cmpf ogt, %mul3A_646, %gt3A_662 : f32
    %convert_element_type3A_664 = arith.extui %gt3A_663 : i1 to i32
    %convert_element_type3A_665 = arith.sitofp %convert_element_type3A_664 : i32 to f32
    %add3A_666 = arith.addf %add3A_639, %convert_element_type3A_665 : f32
    %mul3A_667 = arith.mulf %select_n3A_661, %convert_element_type3A_665 : f32
    %add3A_668 = arith.addf %add3A_641, %mul3A_667 : f32
    %slice3A_669 = vector.extract_strided_slice %broadcast_in_dim3A_606 {offsets = [0, 0], sizes = [1, 1], strides = [1, 1]} : vector<1x5xf32> to vector<1x1xf32>
    %squeeze3A_670 = vector.extract %slice3A_669[0, 0] : f32 from vector<1x1xf32>
    %slice3A_671 = vector.extract_strided_slice %broadcast_in_dim3A_606 {offsets = [0, 3], sizes = [1, 1], strides = [1, 1]} : vector<1x5xf32> to vector<1x1xf32>
    %squeeze3A_672 = vector.extract %slice3A_671[0, 0] : f32 from vector<1x1xf32>
    %mul3A_673 = arith.mulf %squeeze3A_670, %squeeze3A_672 : f32
    %max3A_674 = arith.constant 1.000000e+00 : f32
    %max3A_675 = arith.maximumf %mul3A_673, %max3A_674 : f32
    %mul3A_676 = arith.constant 2.560000e+02 : f32
    %mul3A_677 = arith.mulf %max3A_675, %mul3A_676 : f32
    %slice3A_678 = vector.extract_strided_slice %scan3A_613 {offsets = [0, 3], sizes = [1, 1], strides = [1, 1]} : vector<5x5xf32> to vector<1x1xf32>
    %squeeze3A_679 = vector.extract %slice3A_678[0, 0] : f32 from vector<1x1xf32>
    %div3A_680 = arith.divf %squeeze3A_679, %mul3A_677 : f32
    %lt3A_681 = arith.constant 1.000000e+00 : f32
    %lt3A_682 = arith.cmpf olt, %div3A_680, %lt3A_681 : f32
    %mul3A_683 = arith.constant 5.000000e-01 : f32
    %mul3A_684 = arith.mulf %mul3A_683, %div3A_680 : f32
    %mul3A_685 = arith.mulf %mul3A_684, %div3A_680 : f32
    %sub3A_686 = arith.constant 5.000000e-01 : f32
    %sub3A_687 = arith.subf %div3A_680, %sub3A_686 : f32
    %select_n3A_688 = arith.select %lt3A_682, %mul3A_685, %sub3A_687 : f32
    %gt3A_689 = arith.constant 0.000000e+00 : f32
    %gt3A_690 = arith.cmpf ogt, %mul3A_673, %gt3A_689 : f32
    %convert_element_type3A_691 = arith.extui %gt3A_690 : i1 to i32
    %convert_element_type3A_692 = arith.sitofp %convert_element_type3A_691 : i32 to f32
    %add3A_693 = arith.addf %add3A_666, %convert_element_type3A_692 : f32
    %mul3A_694 = arith.mulf %select_n3A_688, %convert_element_type3A_692 : f32
    %add3A_695 = arith.addf %add3A_668, %mul3A_694 : f32
    %slice3A_696 = vector.extract_strided_slice %broadcast_in_dim3A_606 {offsets = [0, 0], sizes = [1, 1], strides = [1, 1]} : vector<1x5xf32> to vector<1x1xf32>
    %squeeze3A_697 = vector.extract %slice3A_696[0, 0] : f32 from vector<1x1xf32>
    %slice3A_698 = vector.extract_strided_slice %broadcast_in_dim3A_606 {offsets = [0, 4], sizes = [1, 1], strides = [1, 1]} : vector<1x5xf32> to vector<1x1xf32>
    %squeeze3A_699 = vector.extract %slice3A_698[0, 0] : f32 from vector<1x1xf32>
    %mul3A_700 = arith.mulf %squeeze3A_697, %squeeze3A_699 : f32
    %max3A_701 = arith.constant 1.000000e+00 : f32
    %max3A_702 = arith.maximumf %mul3A_700, %max3A_701 : f32
    %mul3A_703 = arith.constant 2.560000e+02 : f32
    %mul3A_704 = arith.mulf %max3A_702, %mul3A_703 : f32
    %slice3A_705 = vector.extract_strided_slice %scan3A_613 {offsets = [0, 4], sizes = [1, 1], strides = [1, 1]} : vector<5x5xf32> to vector<1x1xf32>
    %squeeze3A_706 = vector.extract %slice3A_705[0, 0] : f32 from vector<1x1xf32>
    %div3A_707 = arith.divf %squeeze3A_706, %mul3A_704 : f32
    %lt3A_708 = arith.constant 1.000000e+00 : f32
    %lt3A_709 = arith.cmpf olt, %div3A_707, %lt3A_708 : f32
    %mul3A_710 = arith.constant 5.000000e-01 : f32
    %mul3A_711 = arith.mulf %mul3A_710, %div3A_707 : f32
    %mul3A_712 = arith.mulf %mul3A_711, %div3A_707 : f32
    %sub3A_713 = arith.constant 5.000000e-01 : f32
    %sub3A_714 = arith.subf %div3A_707, %sub3A_713 : f32
    %select_n3A_715 = arith.select %lt3A_709, %mul3A_712, %sub3A_714 : f32
    %gt3A_716 = arith.constant 0.000000e+00 : f32
    %gt3A_717 = arith.cmpf ogt, %mul3A_700, %gt3A_716 : f32
    %convert_element_type3A_718 = arith.extui %gt3A_717 : i1 to i32
    %convert_element_type3A_719 = arith.sitofp %convert_element_type3A_718 : i32 to f32
    %add3A_720 = arith.addf %add3A_693, %convert_element_type3A_719 : f32
    %mul3A_721 = arith.mulf %select_n3A_715, %convert_element_type3A_719 : f32
    %add3A_722 = arith.addf %add3A_695, %mul3A_721 : f32
    %slice3A_723 = vector.extract_strided_slice %broadcast_in_dim3A_606 {offsets = [0, 1], sizes = [1, 1], strides = [1, 1]} : vector<1x5xf32> to vector<1x1xf32>
    %squeeze3A_724 = vector.extract %slice3A_723[0, 0] : f32 from vector<1x1xf32>
    %slice3A_725 = vector.extract_strided_slice %broadcast_in_dim3A_606 {offsets = [0, 2], sizes = [1, 1], strides = [1, 1]} : vector<1x5xf32> to vector<1x1xf32>
    %squeeze3A_726 = vector.extract %slice3A_725[0, 0] : f32 from vector<1x1xf32>
    %mul3A_727 = arith.mulf %squeeze3A_724, %squeeze3A_726 : f32
    %max3A_728 = arith.constant 1.000000e+00 : f32
    %max3A_729 = arith.maximumf %mul3A_727, %max3A_728 : f32
    %mul3A_730 = arith.constant 2.560000e+02 : f32
    %mul3A_731 = arith.mulf %max3A_729, %mul3A_730 : f32
    %slice3A_732 = vector.extract_strided_slice %scan3A_613 {offsets = [1, 2], sizes = [1, 1], strides = [1, 1]} : vector<5x5xf32> to vector<1x1xf32>
    %squeeze3A_733 = vector.extract %slice3A_732[0, 0] : f32 from vector<1x1xf32>
    %div3A_734 = arith.divf %squeeze3A_733, %mul3A_731 : f32
    %lt3A_735 = arith.constant 1.000000e+00 : f32
    %lt3A_736 = arith.cmpf olt, %div3A_734, %lt3A_735 : f32
    %mul3A_737 = arith.constant 5.000000e-01 : f32
    %mul3A_738 = arith.mulf %mul3A_737, %div3A_734 : f32
    %mul3A_739 = arith.mulf %mul3A_738, %div3A_734 : f32
    %sub3A_740 = arith.constant 5.000000e-01 : f32
    %sub3A_741 = arith.subf %div3A_734, %sub3A_740 : f32
    %select_n3A_742 = arith.select %lt3A_736, %mul3A_739, %sub3A_741 : f32
    %gt3A_743 = arith.constant 0.000000e+00 : f32
    %gt3A_744 = arith.cmpf ogt, %mul3A_727, %gt3A_743 : f32
    %convert_element_type3A_745 = arith.extui %gt3A_744 : i1 to i32
    %convert_element_type3A_746 = arith.sitofp %convert_element_type3A_745 : i32 to f32
    %add3A_747 = arith.addf %add3A_720, %convert_element_type3A_746 : f32
    %mul3A_748 = arith.mulf %select_n3A_742, %convert_element_type3A_746 : f32
    %add3A_749 = arith.addf %add3A_722, %mul3A_748 : f32
    %slice3A_750 = vector.extract_strided_slice %broadcast_in_dim3A_606 {offsets = [0, 1], sizes = [1, 1], strides = [1, 1]} : vector<1x5xf32> to vector<1x1xf32>
    %squeeze3A_751 = vector.extract %slice3A_750[0, 0] : f32 from vector<1x1xf32>
    %slice3A_752 = vector.extract_strided_slice %broadcast_in_dim3A_606 {offsets = [0, 3], sizes = [1, 1], strides = [1, 1]} : vector<1x5xf32> to vector<1x1xf32>
    %squeeze3A_753 = vector.extract %slice3A_752[0, 0] : f32 from vector<1x1xf32>
    %mul3A_754 = arith.mulf %squeeze3A_751, %squeeze3A_753 : f32
    %max3A_755 = arith.constant 1.000000e+00 : f32
    %max3A_756 = arith.maximumf %mul3A_754, %max3A_755 : f32
    %mul3A_757 = arith.constant 2.560000e+02 : f32
    %mul3A_758 = arith.mulf %max3A_756, %mul3A_757 : f32
    %slice3A_759 = vector.extract_strided_slice %scan3A_613 {offsets = [1, 3], sizes = [1, 1], strides = [1, 1]} : vector<5x5xf32> to vector<1x1xf32>
    %squeeze3A_760 = vector.extract %slice3A_759[0, 0] : f32 from vector<1x1xf32>
    %div3A_761 = arith.divf %squeeze3A_760, %mul3A_758 : f32
    %lt3A_762 = arith.constant 1.000000e+00 : f32
    %lt3A_763 = arith.cmpf olt, %div3A_761, %lt3A_762 : f32
    %mul3A_764 = arith.constant 5.000000e-01 : f32
    %mul3A_765 = arith.mulf %mul3A_764, %div3A_761 : f32
    %mul3A_766 = arith.mulf %mul3A_765, %div3A_761 : f32
    %sub3A_767 = arith.constant 5.000000e-01 : f32
    %sub3A_768 = arith.subf %div3A_761, %sub3A_767 : f32
    %select_n3A_769 = arith.select %lt3A_763, %mul3A_766, %sub3A_768 : f32
    %gt3A_770 = arith.constant 0.000000e+00 : f32
    %gt3A_771 = arith.cmpf ogt, %mul3A_754, %gt3A_770 : f32
    %convert_element_type3A_772 = arith.extui %gt3A_771 : i1 to i32
    %convert_element_type3A_773 = arith.sitofp %convert_element_type3A_772 : i32 to f32
    %add3A_774 = arith.addf %add3A_747, %convert_element_type3A_773 : f32
    %mul3A_775 = arith.mulf %select_n3A_769, %convert_element_type3A_773 : f32
    %add3A_776 = arith.addf %add3A_749, %mul3A_775 : f32
    %slice3A_777 = vector.extract_strided_slice %broadcast_in_dim3A_606 {offsets = [0, 1], sizes = [1, 1], strides = [1, 1]} : vector<1x5xf32> to vector<1x1xf32>
    %squeeze3A_778 = vector.extract %slice3A_777[0, 0] : f32 from vector<1x1xf32>
    %slice3A_779 = vector.extract_strided_slice %broadcast_in_dim3A_606 {offsets = [0, 4], sizes = [1, 1], strides = [1, 1]} : vector<1x5xf32> to vector<1x1xf32>
    %squeeze3A_780 = vector.extract %slice3A_779[0, 0] : f32 from vector<1x1xf32>
    %mul3A_781 = arith.mulf %squeeze3A_778, %squeeze3A_780 : f32
    %max3A_782 = arith.constant 1.000000e+00 : f32
    %max3A_783 = arith.maximumf %mul3A_781, %max3A_782 : f32
    %mul3A_784 = arith.constant 2.560000e+02 : f32
    %mul3A_785 = arith.mulf %max3A_783, %mul3A_784 : f32
    %slice3A_786 = vector.extract_strided_slice %scan3A_613 {offsets = [1, 4], sizes = [1, 1], strides = [1, 1]} : vector<5x5xf32> to vector<1x1xf32>
    %squeeze3A_787 = vector.extract %slice3A_786[0, 0] : f32 from vector<1x1xf32>
    %div3A_788 = arith.divf %squeeze3A_787, %mul3A_785 : f32
    %lt3A_789 = arith.constant 1.000000e+00 : f32
    %lt3A_790 = arith.cmpf olt, %div3A_788, %lt3A_789 : f32
    %mul3A_791 = arith.constant 5.000000e-01 : f32
    %mul3A_792 = arith.mulf %mul3A_791, %div3A_788 : f32
    %mul3A_793 = arith.mulf %mul3A_792, %div3A_788 : f32
    %sub3A_794 = arith.constant 5.000000e-01 : f32
    %sub3A_795 = arith.subf %div3A_788, %sub3A_794 : f32
    %select_n3A_796 = arith.select %lt3A_790, %mul3A_793, %sub3A_795 : f32
    %gt3A_797 = arith.constant 0.000000e+00 : f32
    %gt3A_798 = arith.cmpf ogt, %mul3A_781, %gt3A_797 : f32
    %convert_element_type3A_799 = arith.extui %gt3A_798 : i1 to i32
    %convert_element_type3A_800 = arith.sitofp %convert_element_type3A_799 : i32 to f32
    %add3A_801 = arith.addf %add3A_774, %convert_element_type3A_800 : f32
    %mul3A_802 = arith.mulf %select_n3A_796, %convert_element_type3A_800 : f32
    %add3A_803 = arith.addf %add3A_776, %mul3A_802 : f32
    %slice3A_804 = vector.extract_strided_slice %broadcast_in_dim3A_606 {offsets = [0, 2], sizes = [1, 1], strides = [1, 1]} : vector<1x5xf32> to vector<1x1xf32>
    %squeeze3A_805 = vector.extract %slice3A_804[0, 0] : f32 from vector<1x1xf32>
    %slice3A_806 = vector.extract_strided_slice %broadcast_in_dim3A_606 {offsets = [0, 3], sizes = [1, 1], strides = [1, 1]} : vector<1x5xf32> to vector<1x1xf32>
    %squeeze3A_807 = vector.extract %slice3A_806[0, 0] : f32 from vector<1x1xf32>
    %mul3A_808 = arith.mulf %squeeze3A_805, %squeeze3A_807 : f32
    %max3A_809 = arith.constant 1.000000e+00 : f32
    %max3A_810 = arith.maximumf %mul3A_808, %max3A_809 : f32
    %mul3A_811 = arith.constant 2.560000e+02 : f32
    %mul3A_812 = arith.mulf %max3A_810, %mul3A_811 : f32
    %slice3A_813 = vector.extract_strided_slice %scan3A_613 {offsets = [2, 3], sizes = [1, 1], strides = [1, 1]} : vector<5x5xf32> to vector<1x1xf32>
    %squeeze3A_814 = vector.extract %slice3A_813[0, 0] : f32 from vector<1x1xf32>
    %div3A_815 = arith.divf %squeeze3A_814, %mul3A_812 : f32
    %lt3A_816 = arith.constant 1.000000e+00 : f32
    %lt3A_817 = arith.cmpf olt, %div3A_815, %lt3A_816 : f32
    %mul3A_818 = arith.constant 5.000000e-01 : f32
    %mul3A_819 = arith.mulf %mul3A_818, %div3A_815 : f32
    %mul3A_820 = arith.mulf %mul3A_819, %div3A_815 : f32
    %sub3A_821 = arith.constant 5.000000e-01 : f32
    %sub3A_822 = arith.subf %div3A_815, %sub3A_821 : f32
    %select_n3A_823 = arith.select %lt3A_817, %mul3A_820, %sub3A_822 : f32
    %gt3A_824 = arith.constant 0.000000e+00 : f32
    %gt3A_825 = arith.cmpf ogt, %mul3A_808, %gt3A_824 : f32
    %convert_element_type3A_826 = arith.extui %gt3A_825 : i1 to i32
    %convert_element_type3A_827 = arith.sitofp %convert_element_type3A_826 : i32 to f32
    %add3A_828 = arith.addf %add3A_801, %convert_element_type3A_827 : f32
    %mul3A_829 = arith.mulf %select_n3A_823, %convert_element_type3A_827 : f32
    %add3A_830 = arith.addf %add3A_803, %mul3A_829 : f32
    %slice3A_831 = vector.extract_strided_slice %broadcast_in_dim3A_606 {offsets = [0, 2], sizes = [1, 1], strides = [1, 1]} : vector<1x5xf32> to vector<1x1xf32>
    %squeeze3A_832 = vector.extract %slice3A_831[0, 0] : f32 from vector<1x1xf32>
    %slice3A_833 = vector.extract_strided_slice %broadcast_in_dim3A_606 {offsets = [0, 4], sizes = [1, 1], strides = [1, 1]} : vector<1x5xf32> to vector<1x1xf32>
    %squeeze3A_834 = vector.extract %slice3A_833[0, 0] : f32 from vector<1x1xf32>
    %mul3A_835 = arith.mulf %squeeze3A_832, %squeeze3A_834 : f32
    %max3A_836 = arith.constant 1.000000e+00 : f32
    %max3A_837 = arith.maximumf %mul3A_835, %max3A_836 : f32
    %mul3A_838 = arith.constant 2.560000e+02 : f32
    %mul3A_839 = arith.mulf %max3A_837, %mul3A_838 : f32
    %slice3A_840 = vector.extract_strided_slice %scan3A_613 {offsets = [2, 4], sizes = [1, 1], strides = [1, 1]} : vector<5x5xf32> to vector<1x1xf32>
    %squeeze3A_841 = vector.extract %slice3A_840[0, 0] : f32 from vector<1x1xf32>
    %div3A_842 = arith.divf %squeeze3A_841, %mul3A_839 : f32
    %lt3A_843 = arith.constant 1.000000e+00 : f32
    %lt3A_844 = arith.cmpf olt, %div3A_842, %lt3A_843 : f32
    %mul3A_845 = arith.constant 5.000000e-01 : f32
    %mul3A_846 = arith.mulf %mul3A_845, %div3A_842 : f32
    %mul3A_847 = arith.mulf %mul3A_846, %div3A_842 : f32
    %sub3A_848 = arith.constant 5.000000e-01 : f32
    %sub3A_849 = arith.subf %div3A_842, %sub3A_848 : f32
    %select_n3A_850 = arith.select %lt3A_844, %mul3A_847, %sub3A_849 : f32
    %gt3A_851 = arith.constant 0.000000e+00 : f32
    %gt3A_852 = arith.cmpf ogt, %mul3A_835, %gt3A_851 : f32
    %convert_element_type3A_853 = arith.extui %gt3A_852 : i1 to i32
    %convert_element_type3A_854 = arith.sitofp %convert_element_type3A_853 : i32 to f32
    %add3A_855 = arith.addf %add3A_828, %convert_element_type3A_854 : f32
    %mul3A_856 = arith.mulf %select_n3A_850, %convert_element_type3A_854 : f32
    %add3A_857 = arith.addf %add3A_830, %mul3A_856 : f32
    %slice3A_858 = vector.extract_strided_slice %broadcast_in_dim3A_606 {offsets = [0, 3], sizes = [1, 1], strides = [1, 1]} : vector<1x5xf32> to vector<1x1xf32>
    %squeeze3A_859 = vector.extract %slice3A_858[0, 0] : f32 from vector<1x1xf32>
    %slice3A_860 = vector.extract_strided_slice %broadcast_in_dim3A_606 {offsets = [0, 4], sizes = [1, 1], strides = [1, 1]} : vector<1x5xf32> to vector<1x1xf32>
    %squeeze3A_861 = vector.extract %slice3A_860[0, 0] : f32 from vector<1x1xf32>
    %mul3A_862 = arith.mulf %squeeze3A_859, %squeeze3A_861 : f32
    %max3A_863 = arith.constant 1.000000e+00 : f32
    %max3A_864 = arith.maximumf %mul3A_862, %max3A_863 : f32
    %mul3A_865 = arith.constant 2.560000e+02 : f32
    %mul3A_866 = arith.mulf %max3A_864, %mul3A_865 : f32
    %slice3A_867 = vector.extract_strided_slice %scan3A_613 {offsets = [3, 4], sizes = [1, 1], strides = [1, 1]} : vector<5x5xf32> to vector<1x1xf32>
    %squeeze3A_868 = vector.extract %slice3A_867[0, 0] : f32 from vector<1x1xf32>
    %div3A_869 = arith.divf %squeeze3A_868, %mul3A_866 : f32
    %lt3A_870 = arith.constant 1.000000e+00 : f32
    %lt3A_871 = arith.cmpf olt, %div3A_869, %lt3A_870 : f32
    %mul3A_872 = arith.constant 5.000000e-01 : f32
    %mul3A_873 = arith.mulf %mul3A_872, %div3A_869 : f32
    %mul3A_874 = arith.mulf %mul3A_873, %div3A_869 : f32
    %sub3A_875 = arith.constant 5.000000e-01 : f32
    %sub3A_876 = arith.subf %div3A_869, %sub3A_875 : f32
    %select_n3A_877 = arith.select %lt3A_871, %mul3A_874, %sub3A_876 : f32
    %gt3A_878 = arith.constant 0.000000e+00 : f32
    %gt3A_879 = arith.cmpf ogt, %mul3A_862, %gt3A_878 : f32
    %convert_element_type3A_880 = arith.extui %gt3A_879 : i1 to i32
    %convert_element_type3A_881 = arith.sitofp %convert_element_type3A_880 : i32 to f32
    %add3A_882 = arith.addf %add3A_855, %convert_element_type3A_881 : f32
    %mul3A_883 = arith.mulf %select_n3A_877, %convert_element_type3A_881 : f32
    %add3A_884 = arith.addf %add3A_857, %mul3A_883 : f32
    %get3A_885 = arith.constant 2 : index
    %get3A_886 = arith.constant 0 : index
    %get3A_887 = memref.load %arg2[%get3A_885, %get3A_886] : memref<4x16xi32, #tpu.memory_space<smem>>
    %jit3A_888 = arith.constant 64 : i32
    %div3A_889 = vector.broadcast %jit3A_888 : i32 to vector<320x320xi32>
    %div3A_890 = arith.divsi %iota3A_25, %div3A_889 : vector<320x320xi32>
    %sign3A_891 = arith.constant 0 : i32
    %sign3A_892 = vector.broadcast %sign3A_891 : i32 to vector<320x320xi32>
    %sign3A_893 = arith.cmpi sgt, %iota3A_25, %sign3A_892 : vector<320x320xi32>
    %sign3A_894 = arith.extui %sign3A_893 : vector<320x320xi1> to vector<320x320xi32>
    %sign3A_895 = arith.constant 0 : i32
    %sign3A_896 = vector.broadcast %sign3A_895 : i32 to vector<320x320xi32>
    %sign3A_897 = arith.cmpi slt, %iota3A_25, %sign3A_896 : vector<320x320xi32>
    %sign3A_898 = arith.extui %sign3A_897 : vector<320x320xi1> to vector<320x320xi32>
    %sign3A_899 = arith.subi %sign3A_894, %sign3A_898 : vector<320x320xi32>
    %sign3A_900 = arith.constant 0 : i32
    %sign3A_901 = arith.cmpi sgt, %jit3A_888, %sign3A_900 : i32
    %sign3A_902 = arith.extui %sign3A_901 : i1 to i32
    %sign3A_903 = arith.constant 0 : i32
    %sign3A_904 = arith.cmpi slt, %jit3A_888, %sign3A_903 : i32
    %sign3A_905 = arith.extui %sign3A_904 : i1 to i32
    %sign3A_906 = arith.subi %sign3A_902, %sign3A_905 : i32
    %ne3A_907 = vector.broadcast %sign3A_906 : i32 to vector<320x320xi32>
    %ne3A_908 = arith.cmpi ne, %sign3A_899, %ne3A_907 : vector<320x320xi32>
    %rem3A_909 = vector.broadcast %jit3A_888 : i32 to vector<320x320xi32>
    %rem3A_910 = arith.remsi %iota3A_25, %rem3A_909 : vector<320x320xi32>
    %ne3A_911 = arith.constant 0 : i32
    %ne3A_912 = vector.broadcast %ne3A_911 : i32 to vector<320x320xi32>
    %ne3A_913 = arith.cmpi ne, %rem3A_910, %ne3A_912 : vector<320x320xi32>
    %and3A_914 = arith.andi %ne3A_908, %ne3A_913 : vector<320x320xi1>
    %sub3A_915 = arith.constant 1 : i32
    %sub3A_916 = vector.broadcast %sub3A_915 : i32 to vector<320x320xi32>
    %sub3A_917 = arith.subi %div3A_890, %sub3A_916 : vector<320x320xi32>
    %select_n3A_918 = arith.select %and3A_914, %sub3A_917, %div3A_890 : vector<320x320xi1>, vector<320x320xi32>
    %mul3A_919 = vector.broadcast %get3A_887 : i32 to vector<320x320xi32>
    %mul3A_920 = arith.muli %mul3A_919, %select_n3A_918 : vector<320x320xi32>
    %jit3A_921 = arith.constant 64 : i32
    %eq3A_922 = arith.constant 0 : i32
    %eq3A_923 = arith.cmpi eq, %jit3A_921, %eq3A_922 : i32
    %jit3A_924 = arith.constant 1 : i32
    %select_n3A_925 = arith.select %eq3A_923, %jit3A_924, %jit3A_921 : i32
    %rem3A_926 = vector.broadcast %select_n3A_925 : i32 to vector<320x320xi32>
    %rem3A_927 = arith.remsi %iota3A_25, %rem3A_926 : vector<320x320xi32>
    %ne3A_928 = arith.constant 0 : i32
    %ne3A_929 = vector.broadcast %ne3A_928 : i32 to vector<320x320xi32>
    %ne3A_930 = arith.cmpi ne, %rem3A_927, %ne3A_929 : vector<320x320xi32>
    %lt3A_931 = arith.constant 0 : i32
    %lt3A_932 = vector.broadcast %lt3A_931 : i32 to vector<320x320xi32>
    %lt3A_933 = arith.cmpi slt, %rem3A_927, %lt3A_932 : vector<320x320xi32>
    %lt3A_934 = arith.constant 0 : i32
    %lt3A_935 = arith.cmpi slt, %select_n3A_925, %lt3A_934 : i32
    %ne3A_936 = vector.broadcast %lt3A_935 : i1 to vector<320x320xi1>
    %ne3A_937 = vector.broadcast %ne3A_936 : vector<320x320xi1> to vector<320x320xi1>
    %ne3A_938 = arith.xori %lt3A_933, %ne3A_937 : vector<320x320xi1>
    %and3A_939 = arith.andi %ne3A_938, %ne3A_930 : vector<320x320xi1>
    %add3A_940 = vector.broadcast %select_n3A_925 : i32 to vector<320x320xi32>
    %add3A_941 = arith.addi %rem3A_927, %add3A_940 : vector<320x320xi32>
    %select_n3A_942 = arith.select %and3A_939, %add3A_941, %rem3A_927 : vector<320x320xi1>, vector<320x320xi32>
    %add3A_943 = arith.addi %mul3A_920, %select_n3A_942 : vector<320x320xi32>
    %eq3A_944 = arith.cmpi eq, %iota3A_26, %add3A_943 : vector<320x320xi32>
    %convert_element_type3A_945 = arith.extui %eq3A_944 : vector<320x320xi1> to vector<320x320xi32>
    %convert_element_type3A_946 = arith.sitofp %convert_element_type3A_945 : vector<320x320xi32> to vector<320x320xf32>
    %get3A_947 = arith.constant 2 : index
    %get3A_948 = arith.constant 0 : index
    %get3A_949 = arith.constant 0 : index
    %get3A_950 = vector.load %arg0[%get3A_947, %get3A_948, %get3A_949] : memref<4x320x256xf32, #tpu.memory_space<vmem>>, vector<1x320x256xf32>
    %get3A_951 = vector.shape_cast %get3A_950 : vector<1x320x256xf32> to vector<320x256xf32>
    %dot_general3A_952 = arith.constant dense<0.000000e+00> : vector<320x256xf32>
    %dot_general3A_953 = tpu.matmul %convert_element_type3A_946, %get3A_951, %dot_general3A_952 {dimension_numbers = #tpu.dot_dimension_numbers<[0], [0], [1], [1], [0, 1, 1, 1], [], []>, transpose_lhs_hint = false} : vector<320x320xf32>, vector<320x256xf32>, vector<320x256xf32> -> vector<320x256xf32>
    %get3A_954 = arith.constant 2 : index
    %get3A_955 = arith.constant 0 : index
    %get3A_956 = arith.constant 0 : index
    %get3A_957 = vector.load %arg1[%get3A_954, %get3A_955, %get3A_956] : memref<4x320x1xf32, #tpu.memory_space<vmem>>, vector<1x320x1xf32>
    %get3A_958 = vector.shape_cast %get3A_957 : vector<1x320x1xf32> to vector<320x1xf32>
    %dot_general3A_959 = arith.constant dense<0.000000e+00> : vector<320x1xf32>
    %dot_general3A_960 = tpu.matmul %convert_element_type3A_946, %get3A_958, %dot_general3A_959 {dimension_numbers = #tpu.dot_dimension_numbers<[0], [0], [1], [1], [0, 1, 1, 1], [], []>, transpose_lhs_hint = false} : vector<320x320xf32>, vector<320x1xf32>, vector<320x1xf32> -> vector<320x1xf32>
    %max3A_961 = arith.constant 1.000000e+00 : f32
    %max3A_962 = vector.broadcast %max3A_961 : f32 to vector<320x1xf32>
    %max3A_963 = arith.maximumf %dot_general3A_960, %max3A_962 : vector<320x1xf32>
    %div3A_964 = vector.broadcast %max3A_963 : vector<320x1xf32> to vector<320x256xf32>
    %div3A_965 = arith.divf %dot_general3A_953, %div3A_964 : vector<320x256xf32>
    %swap3A_966 = arith.constant 0 : index
    %swap3A_967 = arith.constant 0 : index
    %swap3A_968 = vector.load %arg4[%swap3A_966, %swap3A_967] : memref<320x256xf32, #tpu.memory_space<vmem>>, vector<320x256xf32>
    tpu.vector_store %arg4[%swap3A_966, %swap3A_967], %div3A_965 {strides = array<i32>} : memref<320x256xf32, #tpu.memory_space<vmem>>, vector<320x256xf32>,
    %gt3A_969 = arith.constant 0.000000e+00 : f32
    %gt3A_970 = vector.broadcast %gt3A_969 : f32 to vector<320x1xf32>
    %gt3A_971 = arith.cmpf ogt, %dot_general3A_960, %gt3A_970 : vector<320x1xf32>
    %convert_element_type3A_972 = arith.extui %gt3A_971 : vector<320x1xi1> to vector<320x1xi32>
    %convert_element_type3A_973 = arith.sitofp %convert_element_type3A_972 : vector<320x1xi32> to vector<320x1xf32>
    %reduce_sum3A_974 = vector.shape_cast %convert_element_type3A_973 : vector<320x1xf32> to vector<1x320x1xf32>
    %reduce_sum3A_975 = arith.constant dense<0.000000e+00> : vector<1xf32>
    %reduce_sum3A_976 = vector.multi_reduction <add>, %reduce_sum3A_974, %reduce_sum3A_975 [1, 2] : vector<1x320x1xf32> to vector<1xf32>
    %reduce_sum3A_977 = vector.shape_cast %reduce_sum3A_976 : vector<1xf32> to vector<1x1x1xf32>
    %reduce_sum3A_978 = vector.extract %reduce_sum3A_977[0, 0, 0] : f32 from vector<1x1x1xf32>
    %iota3A_979 = tpu.iota {dimensions = array<i32: 0>} : vector<320x1xi32>
    %convert_element_type3A_980 = arith.sitofp %iota3A_979 : vector<320x1xi32> to vector<320x1xf32>
    %jit3A_981 = arith.constant -1.000000e+00 : f32
    %broadcast_in_dim3A_982 = vector.broadcast %jit3A_981 : f32 to vector<320x1xf32>
    %select_n3A_983 = arith.select %gt3A_971, %convert_element_type3A_980, %broadcast_in_dim3A_982 : vector<320x1xi1>, vector<320x1xf32>
    %reduce_max3A_984 = vector.shape_cast %select_n3A_983 : vector<320x1xf32> to vector<1x320x1xf32>
    %reduce_max3A_985 = arith.constant dense<0xFF800000> : vector<1xf32>
    %reduce_max3A_986 = vector.multi_reduction <maximumf>, %reduce_max3A_984, %reduce_max3A_985 [1, 2] : vector<1x320x1xf32> to vector<1xf32>
    %reduce_max3A_987 = vector.shape_cast %reduce_max3A_986 : vector<1xf32> to vector<1x1x1xf32>
    %reduce_max3A_988 = vector.extract %reduce_max3A_987[0, 0, 0] : f32 from vector<1x1x1xf32>
    %ne3A_989 = vector.broadcast %reduce_max3A_988 : f32 to vector<320x1xf32>
    %ne3A_990 = arith.cmpf one, %convert_element_type3A_980, %ne3A_989 : vector<320x1xf32>
    %and3A_991 = arith.andi %gt3A_971, %ne3A_990 : vector<320x1xi1>
    %jit3A_992 = arith.constant -1.000000e+00 : f32
    %broadcast_in_dim3A_993 = vector.broadcast %jit3A_992 : f32 to vector<320x1xf32>
    %select_n3A_994 = arith.select %and3A_991, %convert_element_type3A_980, %broadcast_in_dim3A_993 : vector<320x1xi1>, vector<320x1xf32>
    %reduce_max3A_995 = vector.shape_cast %select_n3A_994 : vector<320x1xf32> to vector<1x320x1xf32>
    %reduce_max3A_996 = arith.constant dense<0xFF800000> : vector<1xf32>
    %reduce_max3A_997 = vector.multi_reduction <maximumf>, %reduce_max3A_995, %reduce_max3A_996 [1, 2] : vector<1x320x1xf32> to vector<1xf32>
    %reduce_max3A_998 = vector.shape_cast %reduce_max3A_997 : vector<1xf32> to vector<1x1x1xf32>
    %reduce_max3A_999 = vector.extract %reduce_max3A_998[0, 0, 0] : f32 from vector<1x1x1xf32>
    %ge3A_1000 = arith.constant 2.000000e+00 : f32
    %ge3A_1001 = arith.cmpf oge, %reduce_sum3A_978, %ge3A_1000 : f32
    %select_n3A_1002 = arith.select %ge3A_1001, %reduce_max3A_999, %reduce_max3A_988 : f32
    %convert_element_type3A_1003 = arith.sitofp %get3A_887 : i32 to f32
    %div3A_1004 = vector.broadcast %convert_element_type3A_1003 : f32 to vector<320x1xf32>
    %div3A_1005 = arith.divf %convert_element_type3A_980, %div3A_1004 : vector<320x1xf32>
    %sub3A_1006 = arith.constant 1.000000e+00 : f32
    %sub3A_1007 = vector.broadcast %sub3A_1006 : f32 to vector<320x1xf32>
    %sub3A_1008 = arith.subf %div3A_1005, %sub3A_1007 : vector<320x1xf32>
    %ceil3A_1009 = math.ceil %sub3A_1008 : vector<320x1xf32>
    %div3A_1010 = arith.divf %select_n3A_1002, %convert_element_type3A_1003 : f32
    %sub3A_1011 = arith.constant 1.000000e+00 : f32
    %sub3A_1012 = arith.subf %div3A_1010, %sub3A_1011 : f32
    %ceil3A_1013 = math.ceil %sub3A_1012 : f32
    %eq3A_1014 = vector.broadcast %reduce_max3A_988 : f32 to vector<320x1xf32>
    %eq3A_1015 = arith.cmpf oeq, %convert_element_type3A_980, %eq3A_1014 : vector<320x1xf32>
    %broadcast_in_dim3A_1016 = vector.broadcast %ceil3A_1013 : f32 to vector<320x1xf32>
    %select_n3A_1017 = arith.select %eq3A_1015, %broadcast_in_dim3A_1016, %ceil3A_1009 : vector<320x1xi1>, vector<320x1xf32>
    %ge3A_1018 = arith.constant 2.000000e+00 : f32
    %ge3A_1019 = vector.broadcast %ge3A_1018 : f32 to vector<320x1xf32>
    %ge3A_1020 = arith.cmpf oge, %dot_general3A_960, %ge3A_1019 : vector<320x1xf32>
    %ne3A_1021 = arith.constant 0.000000e+00 : f32
    %ne3A_1022 = vector.broadcast %ne3A_1021 : f32 to vector<320x1xf32>
    %ne3A_1023 = arith.cmpf one, %convert_element_type3A_980, %ne3A_1022 : vector<320x1xf32>
    %and3A_1024 = arith.andi %ge3A_1020, %ne3A_1023 : vector<320x1xi1>
    %gt3A_1025 = arith.constant 1.000000e+00 : f32
    %gt3A_1026 = arith.cmpf ogt, %reduce_sum3A_978, %gt3A_1025 : f32
    %and3A_1027 = vector.broadcast %gt3A_1026 : i1 to vector<320x1xi1>
    %and3A_1028 = arith.andi %and3A_1024, %and3A_1027 : vector<320x1xi1>
    %iota3A_1029 = tpu.iota {dimensions = array<i32: 1>} : vector<320x5xi32>
    %convert_element_type3A_1030 = arith.sitofp %iota3A_1029 : vector<320x5xi32> to vector<320x5xf32>
    %eq3A_1031 = vector.broadcast %select_n3A_1017 : vector<320x1xf32> to vector<320x5xf32>
    %eq3A_1032 = arith.cmpf oeq, %eq3A_1031, %convert_element_type3A_1030 : vector<320x5xf32>
    %and3A_1033 = vector.broadcast %and3A_1028 : vector<320x1xi1> to vector<320x5xi1>
    %and3A_1034 = arith.andi %and3A_1033, %eq3A_1032 : vector<320x5xi1>
    %convert_element_type3A_1035 = arith.extui %and3A_1034 : vector<320x5xi1> to vector<320x5xi32>
    %convert_element_type3A_1036 = arith.sitofp %convert_element_type3A_1035 : vector<320x5xi32> to vector<320x5xf32>
    %swap3A_1037 = arith.constant 0 : index
    %swap3A_1038 = arith.constant 0 : index
    %swap3A_1039 = vector.load %arg5[%swap3A_1037, %swap3A_1038] : memref<320x5xf32, #tpu.memory_space<vmem>>, vector<320x5xf32>
    tpu.vector_store %arg5[%swap3A_1037, %swap3A_1038], %convert_element_type3A_1036 {strides = array<i32>} : memref<320x5xf32, #tpu.memory_space<vmem>>, vector<320x5xf32>,
    %reduce_sum3A_1040 = arith.constant dense<0.000000e+00> : vector<5xf32>
    %reduce_sum3A_1041 = vector.multi_reduction <add>, %convert_element_type3A_1036, %reduce_sum3A_1040 [0] : vector<320x5xf32> to vector<5xf32>
    %broadcast_in_dim3A_1042 = vector.shape_cast %reduce_sum3A_1041 : vector<5xf32> to vector<1x5xf32>
    %broadcast_in_dim3A_1043 = arith.constant 0.000000e+00 : f32
    %broadcast_in_dim3A_1044 = vector.broadcast %broadcast_in_dim3A_1043 : f32 to vector<5x5xf32>
    %scan3A_1045 = arith.constant 0 : i32
    %scan3A_1046 = arith.constant 40 : i32
    %scan3A_1047 = arith.addi %scan3A_1045, %scan3A_1046 : i32
    %scan3A_1048 = arith.constant 1 : i32
    %scan3A_1049 = scf.for %scan3A_1780 = %scan3A_1045 to %scan3A_1047 step %scan3A_1048 iter_args(%scan3A_1781 = %broadcast_in_dim3A_1044) -> (vector<5x5xf32>)  : i32 {
      %mul3A_1782 = arith.constant 8 : i32
      %mul3A_1783 = arith.muli %scan3A_1780, %mul3A_1782 : i32
      %get3A_1784 = arith.index_cast %mul3A_1783 : i32 to index
      %get3A_1785 = arith.constant 0 : index
      %get3A_1786 = vector.load %arg4[%get3A_1784, %get3A_1785] : memref<320x256xf32, #tpu.memory_space<vmem>>, vector<8x256xf32>
      %get3A_1787 = arith.constant 0 : index
      %get3A_1788 = arith.constant 0 : index
      %get3A_1789 = vector.load %arg4[%get3A_1787, %get3A_1788] : memref<320x256xf32, #tpu.memory_space<vmem>>, vector<320x256xf32>
      %slice3A_1790 = vector.extract_strided_slice %get3A_1786 {offsets = [0, 0], sizes = [1, 256], strides = [1, 1]} : vector<8x256xf32> to vector<1x256xf32>
      %sub3A_1791 = vector.broadcast %slice3A_1790 : vector<1x256xf32> to vector<320x256xf32>
      %sub3A_1792 = arith.subf %get3A_1789, %sub3A_1791 : vector<320x256xf32>
      %abs3A = math.absf %sub3A_1792 : vector<320x256xf32>
      %slice3A_1793 = vector.extract_strided_slice %get3A_1786 {offsets = [1, 0], sizes = [1, 256], strides = [1, 1]} : vector<8x256xf32> to vector<1x256xf32>
      %sub3A_1794 = vector.broadcast %slice3A_1793 : vector<1x256xf32> to vector<320x256xf32>
      %sub3A_1795 = arith.subf %get3A_1789, %sub3A_1794 : vector<320x256xf32>
      %abs3A_1796 = math.absf %sub3A_1795 : vector<320x256xf32>
      %slice3A_1797 = vector.extract_strided_slice %get3A_1786 {offsets = [2, 0], sizes = [1, 256], strides = [1, 1]} : vector<8x256xf32> to vector<1x256xf32>
      %sub3A_1798 = vector.broadcast %slice3A_1797 : vector<1x256xf32> to vector<320x256xf32>
      %sub3A_1799 = arith.subf %get3A_1789, %sub3A_1798 : vector<320x256xf32>
      %abs3A_1800 = math.absf %sub3A_1799 : vector<320x256xf32>
      %slice3A_1801 = vector.extract_strided_slice %get3A_1786 {offsets = [3, 0], sizes = [1, 256], strides = [1, 1]} : vector<8x256xf32> to vector<1x256xf32>
      %sub3A_1802 = vector.broadcast %slice3A_1801 : vector<1x256xf32> to vector<320x256xf32>
      %sub3A_1803 = arith.subf %get3A_1789, %sub3A_1802 : vector<320x256xf32>
      %abs3A_1804 = math.absf %sub3A_1803 : vector<320x256xf32>
      %slice3A_1805 = vector.extract_strided_slice %get3A_1786 {offsets = [4, 0], sizes = [1, 256], strides = [1, 1]} : vector<8x256xf32> to vector<1x256xf32>
      %sub3A_1806 = vector.broadcast %slice3A_1805 : vector<1x256xf32> to vector<320x256xf32>
      %sub3A_1807 = arith.subf %get3A_1789, %sub3A_1806 : vector<320x256xf32>
      %abs3A_1808 = math.absf %sub3A_1807 : vector<320x256xf32>
      %slice3A_1809 = vector.extract_strided_slice %get3A_1786 {offsets = [5, 0], sizes = [1, 256], strides = [1, 1]} : vector<8x256xf32> to vector<1x256xf32>
      %sub3A_1810 = vector.broadcast %slice3A_1809 : vector<1x256xf32> to vector<320x256xf32>
      %sub3A_1811 = arith.subf %get3A_1789, %sub3A_1810 : vector<320x256xf32>
      %abs3A_1812 = math.absf %sub3A_1811 : vector<320x256xf32>
      %slice3A_1813 = vector.extract_strided_slice %get3A_1786 {offsets = [6, 0], sizes = [1, 256], strides = [1, 1]} : vector<8x256xf32> to vector<1x256xf32>
      %sub3A_1814 = vector.broadcast %slice3A_1813 : vector<1x256xf32> to vector<320x256xf32>
      %sub3A_1815 = arith.subf %get3A_1789, %sub3A_1814 : vector<320x256xf32>
      %abs3A_1816 = math.absf %sub3A_1815 : vector<320x256xf32>
      %slice3A_1817 = vector.extract_strided_slice %get3A_1786 {offsets = [7, 0], sizes = [1, 256], strides = [1, 1]} : vector<8x256xf32> to vector<1x256xf32>
      %sub3A_1818 = vector.broadcast %slice3A_1817 : vector<1x256xf32> to vector<320x256xf32>
      %sub3A_1819 = arith.subf %get3A_1789, %sub3A_1818 : vector<320x256xf32>
      %abs3A_1820 = math.absf %sub3A_1819 : vector<320x256xf32>
      %concatenate3A = tpu.concatenate %abs3A, %abs3A_1796, %abs3A_1800, %abs3A_1804, %abs3A_1808, %abs3A_1812, %abs3A_1816, %abs3A_1820 in 1 : vector<320x256xf32>, vector<320x256xf32>, vector<320x256xf32>, vector<320x256xf32>, vector<320x256xf32>, vector<320x256xf32>, vector<320x256xf32>, vector<320x256xf32> -> vector<320x2048xf32>
      %dot_general3A_1821 = arith.constant dense<0.000000e+00> : vector<320x8xf32>
      %dot_general3A_1822 = tpu.matmul %concatenate3A, %convert_element_type3A_24, %dot_general3A_1821 {dimension_numbers = #tpu.dot_dimension_numbers<[1], [0], [0], [1], [0, 0, 1, 1], [], []>, transpose_lhs_hint = false} : vector<320x2048xf32>, vector<2048x8xf32>, vector<320x8xf32> -> vector<320x8xf32>
      %get3A_1823 = arith.constant 0 : index
      %get3A_1824 = arith.constant 0 : index
      %get3A_1825 = vector.load %arg5[%get3A_1823, %get3A_1824] : memref<320x5xf32, #tpu.memory_space<vmem>>, vector<320x5xf32>
      %dot_general3A_1826 = arith.constant dense<0.000000e+00> : vector<8x5xf32>
      %dot_general3A_1827 = tpu.matmul %dot_general3A_1822, %get3A_1825, %dot_general3A_1826 {dimension_numbers = #tpu.dot_dimension_numbers<[0], [0], [1], [1], [0, 1, 1, 1], [], []>, transpose_lhs_hint = false} : vector<320x8xf32>, vector<320x5xf32>, vector<8x5xf32> -> vector<8x5xf32>
      %mul3A_1828 = arith.constant 8 : i32
      %mul3A_1829 = arith.muli %scan3A_1780, %mul3A_1828 : i32
      %get3A_1830 = arith.index_cast %mul3A_1829 : i32 to index
      %get3A_1831 = arith.constant 0 : index
      %get3A_1832 = vector.load %arg5[%get3A_1830, %get3A_1831] : memref<320x5xf32, #tpu.memory_space<vmem>>, vector<8x5xf32>
      %dot_general3A_1833 = arith.constant dense<0.000000e+00> : vector<5x5xf32>
      %dot_general3A_1834 = tpu.matmul %get3A_1832, %dot_general3A_1827, %dot_general3A_1833 {dimension_numbers = #tpu.dot_dimension_numbers<[0], [0], [1], [1], [0, 1, 1, 1], [], []>, transpose_lhs_hint = false} : vector<8x5xf32>, vector<8x5xf32>, vector<5x5xf32> -> vector<5x5xf32>
      %add3A_1835 = arith.addf %scan3A_1781, %dot_general3A_1834 : vector<5x5xf32>
      scf.yield %add3A_1835 : vector<5x5xf32>
    }
    %scan3A_1050 = arith.constant 40 : i32
    %slice3A_1051 = vector.extract_strided_slice %broadcast_in_dim3A_1042 {offsets = [0, 0], sizes = [1, 1], strides = [1, 1]} : vector<1x5xf32> to vector<1x1xf32>
    %squeeze3A_1052 = vector.extract %slice3A_1051[0, 0] : f32 from vector<1x1xf32>
    %slice3A_1053 = vector.extract_strided_slice %broadcast_in_dim3A_1042 {offsets = [0, 1], sizes = [1, 1], strides = [1, 1]} : vector<1x5xf32> to vector<1x1xf32>
    %squeeze3A_1054 = vector.extract %slice3A_1053[0, 0] : f32 from vector<1x1xf32>
    %mul3A_1055 = arith.mulf %squeeze3A_1052, %squeeze3A_1054 : f32
    %max3A_1056 = arith.constant 1.000000e+00 : f32
    %max3A_1057 = arith.maximumf %mul3A_1055, %max3A_1056 : f32
    %mul3A_1058 = arith.constant 2.560000e+02 : f32
    %mul3A_1059 = arith.mulf %max3A_1057, %mul3A_1058 : f32
    %slice3A_1060 = vector.extract_strided_slice %scan3A_1049 {offsets = [0, 1], sizes = [1, 1], strides = [1, 1]} : vector<5x5xf32> to vector<1x1xf32>
    %squeeze3A_1061 = vector.extract %slice3A_1060[0, 0] : f32 from vector<1x1xf32>
    %div3A_1062 = arith.divf %squeeze3A_1061, %mul3A_1059 : f32
    %lt3A_1063 = arith.constant 1.000000e+00 : f32
    %lt3A_1064 = arith.cmpf olt, %div3A_1062, %lt3A_1063 : f32
    %mul3A_1065 = arith.constant 5.000000e-01 : f32
    %mul3A_1066 = arith.mulf %mul3A_1065, %div3A_1062 : f32
    %mul3A_1067 = arith.mulf %mul3A_1066, %div3A_1062 : f32
    %sub3A_1068 = arith.constant 5.000000e-01 : f32
    %sub3A_1069 = arith.subf %div3A_1062, %sub3A_1068 : f32
    %select_n3A_1070 = arith.select %lt3A_1064, %mul3A_1067, %sub3A_1069 : f32
    %gt3A_1071 = arith.constant 0.000000e+00 : f32
    %gt3A_1072 = arith.cmpf ogt, %mul3A_1055, %gt3A_1071 : f32
    %convert_element_type3A_1073 = arith.extui %gt3A_1072 : i1 to i32
    %convert_element_type3A_1074 = arith.sitofp %convert_element_type3A_1073 : i32 to f32
    %add3A_1075 = arith.addf %add3A_882, %convert_element_type3A_1074 : f32
    %mul3A_1076 = arith.mulf %select_n3A_1070, %convert_element_type3A_1074 : f32
    %add3A_1077 = arith.addf %add3A_884, %mul3A_1076 : f32
    %slice3A_1078 = vector.extract_strided_slice %broadcast_in_dim3A_1042 {offsets = [0, 0], sizes = [1, 1], strides = [1, 1]} : vector<1x5xf32> to vector<1x1xf32>
    %squeeze3A_1079 = vector.extract %slice3A_1078[0, 0] : f32 from vector<1x1xf32>
    %slice3A_1080 = vector.extract_strided_slice %broadcast_in_dim3A_1042 {offsets = [0, 2], sizes = [1, 1], strides = [1, 1]} : vector<1x5xf32> to vector<1x1xf32>
    %squeeze3A_1081 = vector.extract %slice3A_1080[0, 0] : f32 from vector<1x1xf32>
    %mul3A_1082 = arith.mulf %squeeze3A_1079, %squeeze3A_1081 : f32
    %max3A_1083 = arith.constant 1.000000e+00 : f32
    %max3A_1084 = arith.maximumf %mul3A_1082, %max3A_1083 : f32
    %mul3A_1085 = arith.constant 2.560000e+02 : f32
    %mul3A_1086 = arith.mulf %max3A_1084, %mul3A_1085 : f32
    %slice3A_1087 = vector.extract_strided_slice %scan3A_1049 {offsets = [0, 2], sizes = [1, 1], strides = [1, 1]} : vector<5x5xf32> to vector<1x1xf32>
    %squeeze3A_1088 = vector.extract %slice3A_1087[0, 0] : f32 from vector<1x1xf32>
    %div3A_1089 = arith.divf %squeeze3A_1088, %mul3A_1086 : f32
    %lt3A_1090 = arith.constant 1.000000e+00 : f32
    %lt3A_1091 = arith.cmpf olt, %div3A_1089, %lt3A_1090 : f32
    %mul3A_1092 = arith.constant 5.000000e-01 : f32
    %mul3A_1093 = arith.mulf %mul3A_1092, %div3A_1089 : f32
    %mul3A_1094 = arith.mulf %mul3A_1093, %div3A_1089 : f32
    %sub3A_1095 = arith.constant 5.000000e-01 : f32
    %sub3A_1096 = arith.subf %div3A_1089, %sub3A_1095 : f32
    %select_n3A_1097 = arith.select %lt3A_1091, %mul3A_1094, %sub3A_1096 : f32
    %gt3A_1098 = arith.constant 0.000000e+00 : f32
    %gt3A_1099 = arith.cmpf ogt, %mul3A_1082, %gt3A_1098 : f32
    %convert_element_type3A_1100 = arith.extui %gt3A_1099 : i1 to i32
    %convert_element_type3A_1101 = arith.sitofp %convert_element_type3A_1100 : i32 to f32
    %add3A_1102 = arith.addf %add3A_1075, %convert_element_type3A_1101 : f32
    %mul3A_1103 = arith.mulf %select_n3A_1097, %convert_element_type3A_1101 : f32
    %add3A_1104 = arith.addf %add3A_1077, %mul3A_1103 : f32
    %slice3A_1105 = vector.extract_strided_slice %broadcast_in_dim3A_1042 {offsets = [0, 0], sizes = [1, 1], strides = [1, 1]} : vector<1x5xf32> to vector<1x1xf32>
    %squeeze3A_1106 = vector.extract %slice3A_1105[0, 0] : f32 from vector<1x1xf32>
    %slice3A_1107 = vector.extract_strided_slice %broadcast_in_dim3A_1042 {offsets = [0, 3], sizes = [1, 1], strides = [1, 1]} : vector<1x5xf32> to vector<1x1xf32>
    %squeeze3A_1108 = vector.extract %slice3A_1107[0, 0] : f32 from vector<1x1xf32>
    %mul3A_1109 = arith.mulf %squeeze3A_1106, %squeeze3A_1108 : f32
    %max3A_1110 = arith.constant 1.000000e+00 : f32
    %max3A_1111 = arith.maximumf %mul3A_1109, %max3A_1110 : f32
    %mul3A_1112 = arith.constant 2.560000e+02 : f32
    %mul3A_1113 = arith.mulf %max3A_1111, %mul3A_1112 : f32
    %slice3A_1114 = vector.extract_strided_slice %scan3A_1049 {offsets = [0, 3], sizes = [1, 1], strides = [1, 1]} : vector<5x5xf32> to vector<1x1xf32>
    %squeeze3A_1115 = vector.extract %slice3A_1114[0, 0] : f32 from vector<1x1xf32>
    %div3A_1116 = arith.divf %squeeze3A_1115, %mul3A_1113 : f32
    %lt3A_1117 = arith.constant 1.000000e+00 : f32
    %lt3A_1118 = arith.cmpf olt, %div3A_1116, %lt3A_1117 : f32
    %mul3A_1119 = arith.constant 5.000000e-01 : f32
    %mul3A_1120 = arith.mulf %mul3A_1119, %div3A_1116 : f32
    %mul3A_1121 = arith.mulf %mul3A_1120, %div3A_1116 : f32
    %sub3A_1122 = arith.constant 5.000000e-01 : f32
    %sub3A_1123 = arith.subf %div3A_1116, %sub3A_1122 : f32
    %select_n3A_1124 = arith.select %lt3A_1118, %mul3A_1121, %sub3A_1123 : f32
    %gt3A_1125 = arith.constant 0.000000e+00 : f32
    %gt3A_1126 = arith.cmpf ogt, %mul3A_1109, %gt3A_1125 : f32
    %convert_element_type3A_1127 = arith.extui %gt3A_1126 : i1 to i32
    %convert_element_type3A_1128 = arith.sitofp %convert_element_type3A_1127 : i32 to f32
    %add3A_1129 = arith.addf %add3A_1102, %convert_element_type3A_1128 : f32
    %mul3A_1130 = arith.mulf %select_n3A_1124, %convert_element_type3A_1128 : f32
    %add3A_1131 = arith.addf %add3A_1104, %mul3A_1130 : f32
    %slice3A_1132 = vector.extract_strided_slice %broadcast_in_dim3A_1042 {offsets = [0, 0], sizes = [1, 1], strides = [1, 1]} : vector<1x5xf32> to vector<1x1xf32>
    %squeeze3A_1133 = vector.extract %slice3A_1132[0, 0] : f32 from vector<1x1xf32>
    %slice3A_1134 = vector.extract_strided_slice %broadcast_in_dim3A_1042 {offsets = [0, 4], sizes = [1, 1], strides = [1, 1]} : vector<1x5xf32> to vector<1x1xf32>
    %squeeze3A_1135 = vector.extract %slice3A_1134[0, 0] : f32 from vector<1x1xf32>
    %mul3A_1136 = arith.mulf %squeeze3A_1133, %squeeze3A_1135 : f32
    %max3A_1137 = arith.constant 1.000000e+00 : f32
    %max3A_1138 = arith.maximumf %mul3A_1136, %max3A_1137 : f32
    %mul3A_1139 = arith.constant 2.560000e+02 : f32
    %mul3A_1140 = arith.mulf %max3A_1138, %mul3A_1139 : f32
    %slice3A_1141 = vector.extract_strided_slice %scan3A_1049 {offsets = [0, 4], sizes = [1, 1], strides = [1, 1]} : vector<5x5xf32> to vector<1x1xf32>
    %squeeze3A_1142 = vector.extract %slice3A_1141[0, 0] : f32 from vector<1x1xf32>
    %div3A_1143 = arith.divf %squeeze3A_1142, %mul3A_1140 : f32
    %lt3A_1144 = arith.constant 1.000000e+00 : f32
    %lt3A_1145 = arith.cmpf olt, %div3A_1143, %lt3A_1144 : f32
    %mul3A_1146 = arith.constant 5.000000e-01 : f32
    %mul3A_1147 = arith.mulf %mul3A_1146, %div3A_1143 : f32
    %mul3A_1148 = arith.mulf %mul3A_1147, %div3A_1143 : f32
    %sub3A_1149 = arith.constant 5.000000e-01 : f32
    %sub3A_1150 = arith.subf %div3A_1143, %sub3A_1149 : f32
    %select_n3A_1151 = arith.select %lt3A_1145, %mul3A_1148, %sub3A_1150 : f32
    %gt3A_1152 = arith.constant 0.000000e+00 : f32
    %gt3A_1153 = arith.cmpf ogt, %mul3A_1136, %gt3A_1152 : f32
    %convert_element_type3A_1154 = arith.extui %gt3A_1153 : i1 to i32
    %convert_element_type3A_1155 = arith.sitofp %convert_element_type3A_1154 : i32 to f32
    %add3A_1156 = arith.addf %add3A_1129, %convert_element_type3A_1155 : f32
    %mul3A_1157 = arith.mulf %select_n3A_1151, %convert_element_type3A_1155 : f32
    %add3A_1158 = arith.addf %add3A_1131, %mul3A_1157 : f32
    %slice3A_1159 = vector.extract_strided_slice %broadcast_in_dim3A_1042 {offsets = [0, 1], sizes = [1, 1], strides = [1, 1]} : vector<1x5xf32> to vector<1x1xf32>
    %squeeze3A_1160 = vector.extract %slice3A_1159[0, 0] : f32 from vector<1x1xf32>
    %slice3A_1161 = vector.extract_strided_slice %broadcast_in_dim3A_1042 {offsets = [0, 2], sizes = [1, 1], strides = [1, 1]} : vector<1x5xf32> to vector<1x1xf32>
    %squeeze3A_1162 = vector.extract %slice3A_1161[0, 0] : f32 from vector<1x1xf32>
    %mul3A_1163 = arith.mulf %squeeze3A_1160, %squeeze3A_1162 : f32
    %max3A_1164 = arith.constant 1.000000e+00 : f32
    %max3A_1165 = arith.maximumf %mul3A_1163, %max3A_1164 : f32
    %mul3A_1166 = arith.constant 2.560000e+02 : f32
    %mul3A_1167 = arith.mulf %max3A_1165, %mul3A_1166 : f32
    %slice3A_1168 = vector.extract_strided_slice %scan3A_1049 {offsets = [1, 2], sizes = [1, 1], strides = [1, 1]} : vector<5x5xf32> to vector<1x1xf32>
    %squeeze3A_1169 = vector.extract %slice3A_1168[0, 0] : f32 from vector<1x1xf32>
    %div3A_1170 = arith.divf %squeeze3A_1169, %mul3A_1167 : f32
    %lt3A_1171 = arith.constant 1.000000e+00 : f32
    %lt3A_1172 = arith.cmpf olt, %div3A_1170, %lt3A_1171 : f32
    %mul3A_1173 = arith.constant 5.000000e-01 : f32
    %mul3A_1174 = arith.mulf %mul3A_1173, %div3A_1170 : f32
    %mul3A_1175 = arith.mulf %mul3A_1174, %div3A_1170 : f32
    %sub3A_1176 = arith.constant 5.000000e-01 : f32
    %sub3A_1177 = arith.subf %div3A_1170, %sub3A_1176 : f32
    %select_n3A_1178 = arith.select %lt3A_1172, %mul3A_1175, %sub3A_1177 : f32
    %gt3A_1179 = arith.constant 0.000000e+00 : f32
    %gt3A_1180 = arith.cmpf ogt, %mul3A_1163, %gt3A_1179 : f32
    %convert_element_type3A_1181 = arith.extui %gt3A_1180 : i1 to i32
    %convert_element_type3A_1182 = arith.sitofp %convert_element_type3A_1181 : i32 to f32
    %add3A_1183 = arith.addf %add3A_1156, %convert_element_type3A_1182 : f32
    %mul3A_1184 = arith.mulf %select_n3A_1178, %convert_element_type3A_1182 : f32
    %add3A_1185 = arith.addf %add3A_1158, %mul3A_1184 : f32
    %slice3A_1186 = vector.extract_strided_slice %broadcast_in_dim3A_1042 {offsets = [0, 1], sizes = [1, 1], strides = [1, 1]} : vector<1x5xf32> to vector<1x1xf32>
    %squeeze3A_1187 = vector.extract %slice3A_1186[0, 0] : f32 from vector<1x1xf32>
    %slice3A_1188 = vector.extract_strided_slice %broadcast_in_dim3A_1042 {offsets = [0, 3], sizes = [1, 1], strides = [1, 1]} : vector<1x5xf32> to vector<1x1xf32>
    %squeeze3A_1189 = vector.extract %slice3A_1188[0, 0] : f32 from vector<1x1xf32>
    %mul3A_1190 = arith.mulf %squeeze3A_1187, %squeeze3A_1189 : f32
    %max3A_1191 = arith.constant 1.000000e+00 : f32
    %max3A_1192 = arith.maximumf %mul3A_1190, %max3A_1191 : f32
    %mul3A_1193 = arith.constant 2.560000e+02 : f32
    %mul3A_1194 = arith.mulf %max3A_1192, %mul3A_1193 : f32
    %slice3A_1195 = vector.extract_strided_slice %scan3A_1049 {offsets = [1, 3], sizes = [1, 1], strides = [1, 1]} : vector<5x5xf32> to vector<1x1xf32>
    %squeeze3A_1196 = vector.extract %slice3A_1195[0, 0] : f32 from vector<1x1xf32>
    %div3A_1197 = arith.divf %squeeze3A_1196, %mul3A_1194 : f32
    %lt3A_1198 = arith.constant 1.000000e+00 : f32
    %lt3A_1199 = arith.cmpf olt, %div3A_1197, %lt3A_1198 : f32
    %mul3A_1200 = arith.constant 5.000000e-01 : f32
    %mul3A_1201 = arith.mulf %mul3A_1200, %div3A_1197 : f32
    %mul3A_1202 = arith.mulf %mul3A_1201, %div3A_1197 : f32
    %sub3A_1203 = arith.constant 5.000000e-01 : f32
    %sub3A_1204 = arith.subf %div3A_1197, %sub3A_1203 : f32
    %select_n3A_1205 = arith.select %lt3A_1199, %mul3A_1202, %sub3A_1204 : f32
    %gt3A_1206 = arith.constant 0.000000e+00 : f32
    %gt3A_1207 = arith.cmpf ogt, %mul3A_1190, %gt3A_1206 : f32
    %convert_element_type3A_1208 = arith.extui %gt3A_1207 : i1 to i32
    %convert_element_type3A_1209 = arith.sitofp %convert_element_type3A_1208 : i32 to f32
    %add3A_1210 = arith.addf %add3A_1183, %convert_element_type3A_1209 : f32
    %mul3A_1211 = arith.mulf %select_n3A_1205, %convert_element_type3A_1209 : f32
    %add3A_1212 = arith.addf %add3A_1185, %mul3A_1211 : f32
    %slice3A_1213 = vector.extract_strided_slice %broadcast_in_dim3A_1042 {offsets = [0, 1], sizes = [1, 1], strides = [1, 1]} : vector<1x5xf32> to vector<1x1xf32>
    %squeeze3A_1214 = vector.extract %slice3A_1213[0, 0] : f32 from vector<1x1xf32>
    %slice3A_1215 = vector.extract_strided_slice %broadcast_in_dim3A_1042 {offsets = [0, 4], sizes = [1, 1], strides = [1, 1]} : vector<1x5xf32> to vector<1x1xf32>
    %squeeze3A_1216 = vector.extract %slice3A_1215[0, 0] : f32 from vector<1x1xf32>
    %mul3A_1217 = arith.mulf %squeeze3A_1214, %squeeze3A_1216 : f32
    %max3A_1218 = arith.constant 1.000000e+00 : f32
    %max3A_1219 = arith.maximumf %mul3A_1217, %max3A_1218 : f32
    %mul3A_1220 = arith.constant 2.560000e+02 : f32
    %mul3A_1221 = arith.mulf %max3A_1219, %mul3A_1220 : f32
    %slice3A_1222 = vector.extract_strided_slice %scan3A_1049 {offsets = [1, 4], sizes = [1, 1], strides = [1, 1]} : vector<5x5xf32> to vector<1x1xf32>
    %squeeze3A_1223 = vector.extract %slice3A_1222[0, 0] : f32 from vector<1x1xf32>
    %div3A_1224 = arith.divf %squeeze3A_1223, %mul3A_1221 : f32
    %lt3A_1225 = arith.constant 1.000000e+00 : f32
    %lt3A_1226 = arith.cmpf olt, %div3A_1224, %lt3A_1225 : f32
    %mul3A_1227 = arith.constant 5.000000e-01 : f32
    %mul3A_1228 = arith.mulf %mul3A_1227, %div3A_1224 : f32
    %mul3A_1229 = arith.mulf %mul3A_1228, %div3A_1224 : f32
    %sub3A_1230 = arith.constant 5.000000e-01 : f32
    %sub3A_1231 = arith.subf %div3A_1224, %sub3A_1230 : f32
    %select_n3A_1232 = arith.select %lt3A_1226, %mul3A_1229, %sub3A_1231 : f32
    %gt3A_1233 = arith.constant 0.000000e+00 : f32
    %gt3A_1234 = arith.cmpf ogt, %mul3A_1217, %gt3A_1233 : f32
    %convert_element_type3A_1235 = arith.extui %gt3A_1234 : i1 to i32
    %convert_element_type3A_1236 = arith.sitofp %convert_element_type3A_1235 : i32 to f32
    %add3A_1237 = arith.addf %add3A_1210, %convert_element_type3A_1236 : f32
    %mul3A_1238 = arith.mulf %select_n3A_1232, %convert_element_type3A_1236 : f32
    %add3A_1239 = arith.addf %add3A_1212, %mul3A_1238 : f32
    %slice3A_1240 = vector.extract_strided_slice %broadcast_in_dim3A_1042 {offsets = [0, 2], sizes = [1, 1], strides = [1, 1]} : vector<1x5xf32> to vector<1x1xf32>
    %squeeze3A_1241 = vector.extract %slice3A_1240[0, 0] : f32 from vector<1x1xf32>
    %slice3A_1242 = vector.extract_strided_slice %broadcast_in_dim3A_1042 {offsets = [0, 3], sizes = [1, 1], strides = [1, 1]} : vector<1x5xf32> to vector<1x1xf32>
    %squeeze3A_1243 = vector.extract %slice3A_1242[0, 0] : f32 from vector<1x1xf32>
    %mul3A_1244 = arith.mulf %squeeze3A_1241, %squeeze3A_1243 : f32
    %max3A_1245 = arith.constant 1.000000e+00 : f32
    %max3A_1246 = arith.maximumf %mul3A_1244, %max3A_1245 : f32
    %mul3A_1247 = arith.constant 2.560000e+02 : f32
    %mul3A_1248 = arith.mulf %max3A_1246, %mul3A_1247 : f32
    %slice3A_1249 = vector.extract_strided_slice %scan3A_1049 {offsets = [2, 3], sizes = [1, 1], strides = [1, 1]} : vector<5x5xf32> to vector<1x1xf32>
    %squeeze3A_1250 = vector.extract %slice3A_1249[0, 0] : f32 from vector<1x1xf32>
    %div3A_1251 = arith.divf %squeeze3A_1250, %mul3A_1248 : f32
    %lt3A_1252 = arith.constant 1.000000e+00 : f32
    %lt3A_1253 = arith.cmpf olt, %div3A_1251, %lt3A_1252 : f32
    %mul3A_1254 = arith.constant 5.000000e-01 : f32
    %mul3A_1255 = arith.mulf %mul3A_1254, %div3A_1251 : f32
    %mul3A_1256 = arith.mulf %mul3A_1255, %div3A_1251 : f32
    %sub3A_1257 = arith.constant 5.000000e-01 : f32
    %sub3A_1258 = arith.subf %div3A_1251, %sub3A_1257 : f32
    %select_n3A_1259 = arith.select %lt3A_1253, %mul3A_1256, %sub3A_1258 : f32
    %gt3A_1260 = arith.constant 0.000000e+00 : f32
    %gt3A_1261 = arith.cmpf ogt, %mul3A_1244, %gt3A_1260 : f32
    %convert_element_type3A_1262 = arith.extui %gt3A_1261 : i1 to i32
    %convert_element_type3A_1263 = arith.sitofp %convert_element_type3A_1262 : i32 to f32
    %add3A_1264 = arith.addf %add3A_1237, %convert_element_type3A_1263 : f32
    %mul3A_1265 = arith.mulf %select_n3A_1259, %convert_element_type3A_1263 : f32
    %add3A_1266 = arith.addf %add3A_1239, %mul3A_1265 : f32
    %slice3A_1267 = vector.extract_strided_slice %broadcast_in_dim3A_1042 {offsets = [0, 2], sizes = [1, 1], strides = [1, 1]} : vector<1x5xf32> to vector<1x1xf32>
    %squeeze3A_1268 = vector.extract %slice3A_1267[0, 0] : f32 from vector<1x1xf32>
    %slice3A_1269 = vector.extract_strided_slice %broadcast_in_dim3A_1042 {offsets = [0, 4], sizes = [1, 1], strides = [1, 1]} : vector<1x5xf32> to vector<1x1xf32>
    %squeeze3A_1270 = vector.extract %slice3A_1269[0, 0] : f32 from vector<1x1xf32>
    %mul3A_1271 = arith.mulf %squeeze3A_1268, %squeeze3A_1270 : f32
    %max3A_1272 = arith.constant 1.000000e+00 : f32
    %max3A_1273 = arith.maximumf %mul3A_1271, %max3A_1272 : f32
    %mul3A_1274 = arith.constant 2.560000e+02 : f32
    %mul3A_1275 = arith.mulf %max3A_1273, %mul3A_1274 : f32
    %slice3A_1276 = vector.extract_strided_slice %scan3A_1049 {offsets = [2, 4], sizes = [1, 1], strides = [1, 1]} : vector<5x5xf32> to vector<1x1xf32>
    %squeeze3A_1277 = vector.extract %slice3A_1276[0, 0] : f32 from vector<1x1xf32>
    %div3A_1278 = arith.divf %squeeze3A_1277, %mul3A_1275 : f32
    %lt3A_1279 = arith.constant 1.000000e+00 : f32
    %lt3A_1280 = arith.cmpf olt, %div3A_1278, %lt3A_1279 : f32
    %mul3A_1281 = arith.constant 5.000000e-01 : f32
    %mul3A_1282 = arith.mulf %mul3A_1281, %div3A_1278 : f32
    %mul3A_1283 = arith.mulf %mul3A_1282, %div3A_1278 : f32
    %sub3A_1284 = arith.constant 5.000000e-01 : f32
    %sub3A_1285 = arith.subf %div3A_1278, %sub3A_1284 : f32
    %select_n3A_1286 = arith.select %lt3A_1280, %mul3A_1283, %sub3A_1285 : f32
    %gt3A_1287 = arith.constant 0.000000e+00 : f32
    %gt3A_1288 = arith.cmpf ogt, %mul3A_1271, %gt3A_1287 : f32
    %convert_element_type3A_1289 = arith.extui %gt3A_1288 : i1 to i32
    %convert_element_type3A_1290 = arith.sitofp %convert_element_type3A_1289 : i32 to f32
    %add3A_1291 = arith.addf %add3A_1264, %convert_element_type3A_1290 : f32
    %mul3A_1292 = arith.mulf %select_n3A_1286, %convert_element_type3A_1290 : f32
    %add3A_1293 = arith.addf %add3A_1266, %mul3A_1292 : f32
    %slice3A_1294 = vector.extract_strided_slice %broadcast_in_dim3A_1042 {offsets = [0, 3], sizes = [1, 1], strides = [1, 1]} : vector<1x5xf32> to vector<1x1xf32>
    %squeeze3A_1295 = vector.extract %slice3A_1294[0, 0] : f32 from vector<1x1xf32>
    %slice3A_1296 = vector.extract_strided_slice %broadcast_in_dim3A_1042 {offsets = [0, 4], sizes = [1, 1], strides = [1, 1]} : vector<1x5xf32> to vector<1x1xf32>
    %squeeze3A_1297 = vector.extract %slice3A_1296[0, 0] : f32 from vector<1x1xf32>
    %mul3A_1298 = arith.mulf %squeeze3A_1295, %squeeze3A_1297 : f32
    %max3A_1299 = arith.constant 1.000000e+00 : f32
    %max3A_1300 = arith.maximumf %mul3A_1298, %max3A_1299 : f32
    %mul3A_1301 = arith.constant 2.560000e+02 : f32
    %mul3A_1302 = arith.mulf %max3A_1300, %mul3A_1301 : f32
    %slice3A_1303 = vector.extract_strided_slice %scan3A_1049 {offsets = [3, 4], sizes = [1, 1], strides = [1, 1]} : vector<5x5xf32> to vector<1x1xf32>
    %squeeze3A_1304 = vector.extract %slice3A_1303[0, 0] : f32 from vector<1x1xf32>
    %div3A_1305 = arith.divf %squeeze3A_1304, %mul3A_1302 : f32
    %lt3A_1306 = arith.constant 1.000000e+00 : f32
    %lt3A_1307 = arith.cmpf olt, %div3A_1305, %lt3A_1306 : f32
    %mul3A_1308 = arith.constant 5.000000e-01 : f32
    %mul3A_1309 = arith.mulf %mul3A_1308, %div3A_1305 : f32
    %mul3A_1310 = arith.mulf %mul3A_1309, %div3A_1305 : f32
    %sub3A_1311 = arith.constant 5.000000e-01 : f32
    %sub3A_1312 = arith.subf %div3A_1305, %sub3A_1311 : f32
    %select_n3A_1313 = arith.select %lt3A_1307, %mul3A_1310, %sub3A_1312 : f32
    %gt3A_1314 = arith.constant 0.000000e+00 : f32
    %gt3A_1315 = arith.cmpf ogt, %mul3A_1298, %gt3A_1314 : f32
    %convert_element_type3A_1316 = arith.extui %gt3A_1315 : i1 to i32
    %convert_element_type3A_1317 = arith.sitofp %convert_element_type3A_1316 : i32 to f32
    %add3A_1318 = arith.addf %add3A_1291, %convert_element_type3A_1317 : f32
    %mul3A_1319 = arith.mulf %select_n3A_1313, %convert_element_type3A_1317 : f32
    %add3A_1320 = arith.addf %add3A_1293, %mul3A_1319 : f32
    %get3A_1321 = arith.constant 3 : index
    %get3A_1322 = arith.constant 0 : index
    %get3A_1323 = memref.load %arg2[%get3A_1321, %get3A_1322] : memref<4x16xi32, #tpu.memory_space<smem>>
    %jit3A_1324 = arith.constant 64 : i32
    %div3A_1325 = vector.broadcast %jit3A_1324 : i32 to vector<320x320xi32>
    %div3A_1326 = arith.divsi %iota3A_25, %div3A_1325 : vector<320x320xi32>
    %sign3A_1327 = arith.constant 0 : i32
    %sign3A_1328 = vector.broadcast %sign3A_1327 : i32 to vector<320x320xi32>
    %sign3A_1329 = arith.cmpi sgt, %iota3A_25, %sign3A_1328 : vector<320x320xi32>
    %sign3A_1330 = arith.extui %sign3A_1329 : vector<320x320xi1> to vector<320x320xi32>
    %sign3A_1331 = arith.constant 0 : i32
    %sign3A_1332 = vector.broadcast %sign3A_1331 : i32 to vector<320x320xi32>
    %sign3A_1333 = arith.cmpi slt, %iota3A_25, %sign3A_1332 : vector<320x320xi32>
    %sign3A_1334 = arith.extui %sign3A_1333 : vector<320x320xi1> to vector<320x320xi32>
    %sign3A_1335 = arith.subi %sign3A_1330, %sign3A_1334 : vector<320x320xi32>
    %sign3A_1336 = arith.constant 0 : i32
    %sign3A_1337 = arith.cmpi sgt, %jit3A_1324, %sign3A_1336 : i32
    %sign3A_1338 = arith.extui %sign3A_1337 : i1 to i32
    %sign3A_1339 = arith.constant 0 : i32
    %sign3A_1340 = arith.cmpi slt, %jit3A_1324, %sign3A_1339 : i32
    %sign3A_1341 = arith.extui %sign3A_1340 : i1 to i32
    %sign3A_1342 = arith.subi %sign3A_1338, %sign3A_1341 : i32
    %ne3A_1343 = vector.broadcast %sign3A_1342 : i32 to vector<320x320xi32>
    %ne3A_1344 = arith.cmpi ne, %sign3A_1335, %ne3A_1343 : vector<320x320xi32>
    %rem3A_1345 = vector.broadcast %jit3A_1324 : i32 to vector<320x320xi32>
    %rem3A_1346 = arith.remsi %iota3A_25, %rem3A_1345 : vector<320x320xi32>
    %ne3A_1347 = arith.constant 0 : i32
    %ne3A_1348 = vector.broadcast %ne3A_1347 : i32 to vector<320x320xi32>
    %ne3A_1349 = arith.cmpi ne, %rem3A_1346, %ne3A_1348 : vector<320x320xi32>
    %and3A_1350 = arith.andi %ne3A_1344, %ne3A_1349 : vector<320x320xi1>
    %sub3A_1351 = arith.constant 1 : i32
    %sub3A_1352 = vector.broadcast %sub3A_1351 : i32 to vector<320x320xi32>
    %sub3A_1353 = arith.subi %div3A_1326, %sub3A_1352 : vector<320x320xi32>
    %select_n3A_1354 = arith.select %and3A_1350, %sub3A_1353, %div3A_1326 : vector<320x320xi1>, vector<320x320xi32>
    %mul3A_1355 = vector.broadcast %get3A_1323 : i32 to vector<320x320xi32>
    %mul3A_1356 = arith.muli %mul3A_1355, %select_n3A_1354 : vector<320x320xi32>
    %jit3A_1357 = arith.constant 64 : i32
    %eq3A_1358 = arith.constant 0 : i32
    %eq3A_1359 = arith.cmpi eq, %jit3A_1357, %eq3A_1358 : i32
    %jit3A_1360 = arith.constant 1 : i32
    %select_n3A_1361 = arith.select %eq3A_1359, %jit3A_1360, %jit3A_1357 : i32
    %rem3A_1362 = vector.broadcast %select_n3A_1361 : i32 to vector<320x320xi32>
    %rem3A_1363 = arith.remsi %iota3A_25, %rem3A_1362 : vector<320x320xi32>
    %ne3A_1364 = arith.constant 0 : i32
    %ne3A_1365 = vector.broadcast %ne3A_1364 : i32 to vector<320x320xi32>
    %ne3A_1366 = arith.cmpi ne, %rem3A_1363, %ne3A_1365 : vector<320x320xi32>
    %lt3A_1367 = arith.constant 0 : i32
    %lt3A_1368 = vector.broadcast %lt3A_1367 : i32 to vector<320x320xi32>
    %lt3A_1369 = arith.cmpi slt, %rem3A_1363, %lt3A_1368 : vector<320x320xi32>
    %lt3A_1370 = arith.constant 0 : i32
    %lt3A_1371 = arith.cmpi slt, %select_n3A_1361, %lt3A_1370 : i32
    %ne3A_1372 = vector.broadcast %lt3A_1371 : i1 to vector<320x320xi1>
    %ne3A_1373 = vector.broadcast %ne3A_1372 : vector<320x320xi1> to vector<320x320xi1>
    %ne3A_1374 = arith.xori %lt3A_1369, %ne3A_1373 : vector<320x320xi1>
    %and3A_1375 = arith.andi %ne3A_1374, %ne3A_1366 : vector<320x320xi1>
    %add3A_1376 = vector.broadcast %select_n3A_1361 : i32 to vector<320x320xi32>
    %add3A_1377 = arith.addi %rem3A_1363, %add3A_1376 : vector<320x320xi32>
    %select_n3A_1378 = arith.select %and3A_1375, %add3A_1377, %rem3A_1363 : vector<320x320xi1>, vector<320x320xi32>
    %add3A_1379 = arith.addi %mul3A_1356, %select_n3A_1378 : vector<320x320xi32>
    %eq3A_1380 = arith.cmpi eq, %iota3A_26, %add3A_1379 : vector<320x320xi32>
    %convert_element_type3A_1381 = arith.extui %eq3A_1380 : vector<320x320xi1> to vector<320x320xi32>
    %convert_element_type3A_1382 = arith.sitofp %convert_element_type3A_1381 : vector<320x320xi32> to vector<320x320xf32>
    %get3A_1383 = arith.constant 3 : index
    %get3A_1384 = arith.constant 0 : index
    %get3A_1385 = arith.constant 0 : index
    %get3A_1386 = vector.load %arg0[%get3A_1383, %get3A_1384, %get3A_1385] : memref<4x320x256xf32, #tpu.memory_space<vmem>>, vector<1x320x256xf32>
    %get3A_1387 = vector.shape_cast %get3A_1386 : vector<1x320x256xf32> to vector<320x256xf32>
    %dot_general3A_1388 = arith.constant dense<0.000000e+00> : vector<320x256xf32>
    %dot_general3A_1389 = tpu.matmul %convert_element_type3A_1382, %get3A_1387, %dot_general3A_1388 {dimension_numbers = #tpu.dot_dimension_numbers<[0], [0], [1], [1], [0, 1, 1, 1], [], []>, transpose_lhs_hint = false} : vector<320x320xf32>, vector<320x256xf32>, vector<320x256xf32> -> vector<320x256xf32>
    %get3A_1390 = arith.constant 3 : index
    %get3A_1391 = arith.constant 0 : index
    %get3A_1392 = arith.constant 0 : index
    %get3A_1393 = vector.load %arg1[%get3A_1390, %get3A_1391, %get3A_1392] : memref<4x320x1xf32, #tpu.memory_space<vmem>>, vector<1x320x1xf32>
    %get3A_1394 = vector.shape_cast %get3A_1393 : vector<1x320x1xf32> to vector<320x1xf32>
    %dot_general3A_1395 = arith.constant dense<0.000000e+00> : vector<320x1xf32>
    %dot_general3A_1396 = tpu.matmul %convert_element_type3A_1382, %get3A_1394, %dot_general3A_1395 {dimension_numbers = #tpu.dot_dimension_numbers<[0], [0], [1], [1], [0, 1, 1, 1], [], []>, transpose_lhs_hint = false} : vector<320x320xf32>, vector<320x1xf32>, vector<320x1xf32> -> vector<320x1xf32>
    %max3A_1397 = arith.constant 1.000000e+00 : f32
    %max3A_1398 = vector.broadcast %max3A_1397 : f32 to vector<320x1xf32>
    %max3A_1399 = arith.maximumf %dot_general3A_1396, %max3A_1398 : vector<320x1xf32>
    %div3A_1400 = vector.broadcast %max3A_1399 : vector<320x1xf32> to vector<320x256xf32>
    %div3A_1401 = arith.divf %dot_general3A_1389, %div3A_1400 : vector<320x256xf32>
    %swap3A_1402 = arith.constant 0 : index
    %swap3A_1403 = arith.constant 0 : index
    %swap3A_1404 = vector.load %arg4[%swap3A_1402, %swap3A_1403] : memref<320x256xf32, #tpu.memory_space<vmem>>, vector<320x256xf32>
    tpu.vector_store %arg4[%swap3A_1402, %swap3A_1403], %div3A_1401 {strides = array<i32>} : memref<320x256xf32, #tpu.memory_space<vmem>>, vector<320x256xf32>,
    %gt3A_1405 = arith.constant 0.000000e+00 : f32
    %gt3A_1406 = vector.broadcast %gt3A_1405 : f32 to vector<320x1xf32>
    %gt3A_1407 = arith.cmpf ogt, %dot_general3A_1396, %gt3A_1406 : vector<320x1xf32>
    %convert_element_type3A_1408 = arith.extui %gt3A_1407 : vector<320x1xi1> to vector<320x1xi32>
    %convert_element_type3A_1409 = arith.sitofp %convert_element_type3A_1408 : vector<320x1xi32> to vector<320x1xf32>
    %reduce_sum3A_1410 = vector.shape_cast %convert_element_type3A_1409 : vector<320x1xf32> to vector<1x320x1xf32>
    %reduce_sum3A_1411 = arith.constant dense<0.000000e+00> : vector<1xf32>
    %reduce_sum3A_1412 = vector.multi_reduction <add>, %reduce_sum3A_1410, %reduce_sum3A_1411 [1, 2] : vector<1x320x1xf32> to vector<1xf32>
    %reduce_sum3A_1413 = vector.shape_cast %reduce_sum3A_1412 : vector<1xf32> to vector<1x1x1xf32>
    %reduce_sum3A_1414 = vector.extract %reduce_sum3A_1413[0, 0, 0] : f32 from vector<1x1x1xf32>
    %iota3A_1415 = tpu.iota {dimensions = array<i32: 0>} : vector<320x1xi32>
    %convert_element_type3A_1416 = arith.sitofp %iota3A_1415 : vector<320x1xi32> to vector<320x1xf32>
    %jit3A_1417 = arith.constant -1.000000e+00 : f32
    %broadcast_in_dim3A_1418 = vector.broadcast %jit3A_1417 : f32 to vector<320x1xf32>
    %select_n3A_1419 = arith.select %gt3A_1407, %convert_element_type3A_1416, %broadcast_in_dim3A_1418 : vector<320x1xi1>, vector<320x1xf32>
    %reduce_max3A_1420 = vector.shape_cast %select_n3A_1419 : vector<320x1xf32> to vector<1x320x1xf32>
    %reduce_max3A_1421 = arith.constant dense<0xFF800000> : vector<1xf32>
    %reduce_max3A_1422 = vector.multi_reduction <maximumf>, %reduce_max3A_1420, %reduce_max3A_1421 [1, 2] : vector<1x320x1xf32> to vector<1xf32>
    %reduce_max3A_1423 = vector.shape_cast %reduce_max3A_1422 : vector<1xf32> to vector<1x1x1xf32>
    %reduce_max3A_1424 = vector.extract %reduce_max3A_1423[0, 0, 0] : f32 from vector<1x1x1xf32>
    %ne3A_1425 = vector.broadcast %reduce_max3A_1424 : f32 to vector<320x1xf32>
    %ne3A_1426 = arith.cmpf one, %convert_element_type3A_1416, %ne3A_1425 : vector<320x1xf32>
    %and3A_1427 = arith.andi %gt3A_1407, %ne3A_1426 : vector<320x1xi1>
    %jit3A_1428 = arith.constant -1.000000e+00 : f32
    %broadcast_in_dim3A_1429 = vector.broadcast %jit3A_1428 : f32 to vector<320x1xf32>
    %select_n3A_1430 = arith.select %and3A_1427, %convert_element_type3A_1416, %broadcast_in_dim3A_1429 : vector<320x1xi1>, vector<320x1xf32>
    %reduce_max3A_1431 = vector.shape_cast %select_n3A_1430 : vector<320x1xf32> to vector<1x320x1xf32>
    %reduce_max3A_1432 = arith.constant dense<0xFF800000> : vector<1xf32>
    %reduce_max3A_1433 = vector.multi_reduction <maximumf>, %reduce_max3A_1431, %reduce_max3A_1432 [1, 2] : vector<1x320x1xf32> to vector<1xf32>
    %reduce_max3A_1434 = vector.shape_cast %reduce_max3A_1433 : vector<1xf32> to vector<1x1x1xf32>
    %reduce_max3A_1435 = vector.extract %reduce_max3A_1434[0, 0, 0] : f32 from vector<1x1x1xf32>
    %ge3A_1436 = arith.constant 2.000000e+00 : f32
    %ge3A_1437 = arith.cmpf oge, %reduce_sum3A_1414, %ge3A_1436 : f32
    %select_n3A_1438 = arith.select %ge3A_1437, %reduce_max3A_1435, %reduce_max3A_1424 : f32
    %convert_element_type3A_1439 = arith.sitofp %get3A_1323 : i32 to f32
    %div3A_1440 = vector.broadcast %convert_element_type3A_1439 : f32 to vector<320x1xf32>
    %div3A_1441 = arith.divf %convert_element_type3A_1416, %div3A_1440 : vector<320x1xf32>
    %sub3A_1442 = arith.constant 1.000000e+00 : f32
    %sub3A_1443 = vector.broadcast %sub3A_1442 : f32 to vector<320x1xf32>
    %sub3A_1444 = arith.subf %div3A_1441, %sub3A_1443 : vector<320x1xf32>
    %ceil3A_1445 = math.ceil %sub3A_1444 : vector<320x1xf32>
    %div3A_1446 = arith.divf %select_n3A_1438, %convert_element_type3A_1439 : f32
    %sub3A_1447 = arith.constant 1.000000e+00 : f32
    %sub3A_1448 = arith.subf %div3A_1446, %sub3A_1447 : f32
    %ceil3A_1449 = math.ceil %sub3A_1448 : f32
    %eq3A_1450 = vector.broadcast %reduce_max3A_1424 : f32 to vector<320x1xf32>
    %eq3A_1451 = arith.cmpf oeq, %convert_element_type3A_1416, %eq3A_1450 : vector<320x1xf32>
    %broadcast_in_dim3A_1452 = vector.broadcast %ceil3A_1449 : f32 to vector<320x1xf32>
    %select_n3A_1453 = arith.select %eq3A_1451, %broadcast_in_dim3A_1452, %ceil3A_1445 : vector<320x1xi1>, vector<320x1xf32>
    %ge3A_1454 = arith.constant 2.000000e+00 : f32
    %ge3A_1455 = vector.broadcast %ge3A_1454 : f32 to vector<320x1xf32>
    %ge3A_1456 = arith.cmpf oge, %dot_general3A_1396, %ge3A_1455 : vector<320x1xf32>
    %ne3A_1457 = arith.constant 0.000000e+00 : f32
    %ne3A_1458 = vector.broadcast %ne3A_1457 : f32 to vector<320x1xf32>
    %ne3A_1459 = arith.cmpf one, %convert_element_type3A_1416, %ne3A_1458 : vector<320x1xf32>
    %and3A_1460 = arith.andi %ge3A_1456, %ne3A_1459 : vector<320x1xi1>
    %gt3A_1461 = arith.constant 1.000000e+00 : f32
    %gt3A_1462 = arith.cmpf ogt, %reduce_sum3A_1414, %gt3A_1461 : f32
    %and3A_1463 = vector.broadcast %gt3A_1462 : i1 to vector<320x1xi1>
    %and3A_1464 = arith.andi %and3A_1460, %and3A_1463 : vector<320x1xi1>
    %iota3A_1465 = tpu.iota {dimensions = array<i32: 1>} : vector<320x5xi32>
    %convert_element_type3A_1466 = arith.sitofp %iota3A_1465 : vector<320x5xi32> to vector<320x5xf32>
    %eq3A_1467 = vector.broadcast %select_n3A_1453 : vector<320x1xf32> to vector<320x5xf32>
    %eq3A_1468 = arith.cmpf oeq, %eq3A_1467, %convert_element_type3A_1466 : vector<320x5xf32>
    %and3A_1469 = vector.broadcast %and3A_1464 : vector<320x1xi1> to vector<320x5xi1>
    %and3A_1470 = arith.andi %and3A_1469, %eq3A_1468 : vector<320x5xi1>
    %convert_element_type3A_1471 = arith.extui %and3A_1470 : vector<320x5xi1> to vector<320x5xi32>
    %convert_element_type3A_1472 = arith.sitofp %convert_element_type3A_1471 : vector<320x5xi32> to vector<320x5xf32>
    %swap3A_1473 = arith.constant 0 : index
    %swap3A_1474 = arith.constant 0 : index
    %swap3A_1475 = vector.load %arg5[%swap3A_1473, %swap3A_1474] : memref<320x5xf32, #tpu.memory_space<vmem>>, vector<320x5xf32>
    tpu.vector_store %arg5[%swap3A_1473, %swap3A_1474], %convert_element_type3A_1472 {strides = array<i32>} : memref<320x5xf32, #tpu.memory_space<vmem>>, vector<320x5xf32>,
    %reduce_sum3A_1476 = arith.constant dense<0.000000e+00> : vector<5xf32>
    %reduce_sum3A_1477 = vector.multi_reduction <add>, %convert_element_type3A_1472, %reduce_sum3A_1476 [0] : vector<320x5xf32> to vector<5xf32>
    %broadcast_in_dim3A_1478 = vector.shape_cast %reduce_sum3A_1477 : vector<5xf32> to vector<1x5xf32>
    %broadcast_in_dim3A_1479 = arith.constant 0.000000e+00 : f32
    %broadcast_in_dim3A_1480 = vector.broadcast %broadcast_in_dim3A_1479 : f32 to vector<5x5xf32>
    %scan3A_1481 = arith.constant 0 : i32
    %scan3A_1482 = arith.constant 40 : i32
    %scan3A_1483 = arith.addi %scan3A_1481, %scan3A_1482 : i32
    %scan3A_1484 = arith.constant 1 : i32
    %scan3A_1485 = scf.for %scan3A_1780 = %scan3A_1481 to %scan3A_1483 step %scan3A_1484 iter_args(%scan3A_1781 = %broadcast_in_dim3A_1480) -> (vector<5x5xf32>)  : i32 {
      %mul3A_1782 = arith.constant 8 : i32
      %mul3A_1783 = arith.muli %scan3A_1780, %mul3A_1782 : i32
      %get3A_1784 = arith.index_cast %mul3A_1783 : i32 to index
      %get3A_1785 = arith.constant 0 : index
      %get3A_1786 = vector.load %arg4[%get3A_1784, %get3A_1785] : memref<320x256xf32, #tpu.memory_space<vmem>>, vector<8x256xf32>
      %get3A_1787 = arith.constant 0 : index
      %get3A_1788 = arith.constant 0 : index
      %get3A_1789 = vector.load %arg4[%get3A_1787, %get3A_1788] : memref<320x256xf32, #tpu.memory_space<vmem>>, vector<320x256xf32>
      %slice3A_1790 = vector.extract_strided_slice %get3A_1786 {offsets = [0, 0], sizes = [1, 256], strides = [1, 1]} : vector<8x256xf32> to vector<1x256xf32>
      %sub3A_1791 = vector.broadcast %slice3A_1790 : vector<1x256xf32> to vector<320x256xf32>
      %sub3A_1792 = arith.subf %get3A_1789, %sub3A_1791 : vector<320x256xf32>
      %abs3A = math.absf %sub3A_1792 : vector<320x256xf32>
      %slice3A_1793 = vector.extract_strided_slice %get3A_1786 {offsets = [1, 0], sizes = [1, 256], strides = [1, 1]} : vector<8x256xf32> to vector<1x256xf32>
      %sub3A_1794 = vector.broadcast %slice3A_1793 : vector<1x256xf32> to vector<320x256xf32>
      %sub3A_1795 = arith.subf %get3A_1789, %sub3A_1794 : vector<320x256xf32>
      %abs3A_1796 = math.absf %sub3A_1795 : vector<320x256xf32>
      %slice3A_1797 = vector.extract_strided_slice %get3A_1786 {offsets = [2, 0], sizes = [1, 256], strides = [1, 1]} : vector<8x256xf32> to vector<1x256xf32>
      %sub3A_1798 = vector.broadcast %slice3A_1797 : vector<1x256xf32> to vector<320x256xf32>
      %sub3A_1799 = arith.subf %get3A_1789, %sub3A_1798 : vector<320x256xf32>
      %abs3A_1800 = math.absf %sub3A_1799 : vector<320x256xf32>
      %slice3A_1801 = vector.extract_strided_slice %get3A_1786 {offsets = [3, 0], sizes = [1, 256], strides = [1, 1]} : vector<8x256xf32> to vector<1x256xf32>
      %sub3A_1802 = vector.broadcast %slice3A_1801 : vector<1x256xf32> to vector<320x256xf32>
      %sub3A_1803 = arith.subf %get3A_1789, %sub3A_1802 : vector<320x256xf32>
      %abs3A_1804 = math.absf %sub3A_1803 : vector<320x256xf32>
      %slice3A_1805 = vector.extract_strided_slice %get3A_1786 {offsets = [4, 0], sizes = [1, 256], strides = [1, 1]} : vector<8x256xf32> to vector<1x256xf32>
      %sub3A_1806 = vector.broadcast %slice3A_1805 : vector<1x256xf32> to vector<320x256xf32>
      %sub3A_1807 = arith.subf %get3A_1789, %sub3A_1806 : vector<320x256xf32>
      %abs3A_1808 = math.absf %sub3A_1807 : vector<320x256xf32>
      %slice3A_1809 = vector.extract_strided_slice %get3A_1786 {offsets = [5, 0], sizes = [1, 256], strides = [1, 1]} : vector<8x256xf32> to vector<1x256xf32>
      %sub3A_1810 = vector.broadcast %slice3A_1809 : vector<1x256xf32> to vector<320x256xf32>
      %sub3A_1811 = arith.subf %get3A_1789, %sub3A_1810 : vector<320x256xf32>
      %abs3A_1812 = math.absf %sub3A_1811 : vector<320x256xf32>
      %slice3A_1813 = vector.extract_strided_slice %get3A_1786 {offsets = [6, 0], sizes = [1, 256], strides = [1, 1]} : vector<8x256xf32> to vector<1x256xf32>
      %sub3A_1814 = vector.broadcast %slice3A_1813 : vector<1x256xf32> to vector<320x256xf32>
      %sub3A_1815 = arith.subf %get3A_1789, %sub3A_1814 : vector<320x256xf32>
      %abs3A_1816 = math.absf %sub3A_1815 : vector<320x256xf32>
      %slice3A_1817 = vector.extract_strided_slice %get3A_1786 {offsets = [7, 0], sizes = [1, 256], strides = [1, 1]} : vector<8x256xf32> to vector<1x256xf32>
      %sub3A_1818 = vector.broadcast %slice3A_1817 : vector<1x256xf32> to vector<320x256xf32>
      %sub3A_1819 = arith.subf %get3A_1789, %sub3A_1818 : vector<320x256xf32>
      %abs3A_1820 = math.absf %sub3A_1819 : vector<320x256xf32>
      %concatenate3A = tpu.concatenate %abs3A, %abs3A_1796, %abs3A_1800, %abs3A_1804, %abs3A_1808, %abs3A_1812, %abs3A_1816, %abs3A_1820 in 1 : vector<320x256xf32>, vector<320x256xf32>, vector<320x256xf32>, vector<320x256xf32>, vector<320x256xf32>, vector<320x256xf32>, vector<320x256xf32>, vector<320x256xf32> -> vector<320x2048xf32>
      %dot_general3A_1821 = arith.constant dense<0.000000e+00> : vector<320x8xf32>
      %dot_general3A_1822 = tpu.matmul %concatenate3A, %convert_element_type3A_24, %dot_general3A_1821 {dimension_numbers = #tpu.dot_dimension_numbers<[1], [0], [0], [1], [0, 0, 1, 1], [], []>, transpose_lhs_hint = false} : vector<320x2048xf32>, vector<2048x8xf32>, vector<320x8xf32> -> vector<320x8xf32>
      %get3A_1823 = arith.constant 0 : index
      %get3A_1824 = arith.constant 0 : index
      %get3A_1825 = vector.load %arg5[%get3A_1823, %get3A_1824] : memref<320x5xf32, #tpu.memory_space<vmem>>, vector<320x5xf32>
      %dot_general3A_1826 = arith.constant dense<0.000000e+00> : vector<8x5xf32>
      %dot_general3A_1827 = tpu.matmul %dot_general3A_1822, %get3A_1825, %dot_general3A_1826 {dimension_numbers = #tpu.dot_dimension_numbers<[0], [0], [1], [1], [0, 1, 1, 1], [], []>, transpose_lhs_hint = false} : vector<320x8xf32>, vector<320x5xf32>, vector<8x5xf32> -> vector<8x5xf32>
      %mul3A_1828 = arith.constant 8 : i32
      %mul3A_1829 = arith.muli %scan3A_1780, %mul3A_1828 : i32
      %get3A_1830 = arith.index_cast %mul3A_1829 : i32 to index
      %get3A_1831 = arith.constant 0 : index
      %get3A_1832 = vector.load %arg5[%get3A_1830, %get3A_1831] : memref<320x5xf32, #tpu.memory_space<vmem>>, vector<8x5xf32>
      %dot_general3A_1833 = arith.constant dense<0.000000e+00> : vector<5x5xf32>
      %dot_general3A_1834 = tpu.matmul %get3A_1832, %dot_general3A_1827, %dot_general3A_1833 {dimension_numbers = #tpu.dot_dimension_numbers<[0], [0], [1], [1], [0, 1, 1, 1], [], []>, transpose_lhs_hint = false} : vector<8x5xf32>, vector<8x5xf32>, vector<5x5xf32> -> vector<5x5xf32>
      %add3A_1835 = arith.addf %scan3A_1781, %dot_general3A_1834 : vector<5x5xf32>
      scf.yield %add3A_1835 : vector<5x5xf32>
    }
    %scan3A_1486 = arith.constant 40 : i32
    %slice3A_1487 = vector.extract_strided_slice %broadcast_in_dim3A_1478 {offsets = [0, 0], sizes = [1, 1], strides = [1, 1]} : vector<1x5xf32> to vector<1x1xf32>
    %squeeze3A_1488 = vector.extract %slice3A_1487[0, 0] : f32 from vector<1x1xf32>
    %slice3A_1489 = vector.extract_strided_slice %broadcast_in_dim3A_1478 {offsets = [0, 1], sizes = [1, 1], strides = [1, 1]} : vector<1x5xf32> to vector<1x1xf32>
    %squeeze3A_1490 = vector.extract %slice3A_1489[0, 0] : f32 from vector<1x1xf32>
    %mul3A_1491 = arith.mulf %squeeze3A_1488, %squeeze3A_1490 : f32
    %max3A_1492 = arith.constant 1.000000e+00 : f32
    %max3A_1493 = arith.maximumf %mul3A_1491, %max3A_1492 : f32
    %mul3A_1494 = arith.constant 2.560000e+02 : f32
    %mul3A_1495 = arith.mulf %max3A_1493, %mul3A_1494 : f32
    %slice3A_1496 = vector.extract_strided_slice %scan3A_1485 {offsets = [0, 1], sizes = [1, 1], strides = [1, 1]} : vector<5x5xf32> to vector<1x1xf32>
    %squeeze3A_1497 = vector.extract %slice3A_1496[0, 0] : f32 from vector<1x1xf32>
    %div3A_1498 = arith.divf %squeeze3A_1497, %mul3A_1495 : f32
    %lt3A_1499 = arith.constant 1.000000e+00 : f32
    %lt3A_1500 = arith.cmpf olt, %div3A_1498, %lt3A_1499 : f32
    %mul3A_1501 = arith.constant 5.000000e-01 : f32
    %mul3A_1502 = arith.mulf %mul3A_1501, %div3A_1498 : f32
    %mul3A_1503 = arith.mulf %mul3A_1502, %div3A_1498 : f32
    %sub3A_1504 = arith.constant 5.000000e-01 : f32
    %sub3A_1505 = arith.subf %div3A_1498, %sub3A_1504 : f32
    %select_n3A_1506 = arith.select %lt3A_1500, %mul3A_1503, %sub3A_1505 : f32
    %gt3A_1507 = arith.constant 0.000000e+00 : f32
    %gt3A_1508 = arith.cmpf ogt, %mul3A_1491, %gt3A_1507 : f32
    %convert_element_type3A_1509 = arith.extui %gt3A_1508 : i1 to i32
    %convert_element_type3A_1510 = arith.sitofp %convert_element_type3A_1509 : i32 to f32
    %add3A_1511 = arith.addf %add3A_1318, %convert_element_type3A_1510 : f32
    %mul3A_1512 = arith.mulf %select_n3A_1506, %convert_element_type3A_1510 : f32
    %add3A_1513 = arith.addf %add3A_1320, %mul3A_1512 : f32
    %slice3A_1514 = vector.extract_strided_slice %broadcast_in_dim3A_1478 {offsets = [0, 0], sizes = [1, 1], strides = [1, 1]} : vector<1x5xf32> to vector<1x1xf32>
    %squeeze3A_1515 = vector.extract %slice3A_1514[0, 0] : f32 from vector<1x1xf32>
    %slice3A_1516 = vector.extract_strided_slice %broadcast_in_dim3A_1478 {offsets = [0, 2], sizes = [1, 1], strides = [1, 1]} : vector<1x5xf32> to vector<1x1xf32>
    %squeeze3A_1517 = vector.extract %slice3A_1516[0, 0] : f32 from vector<1x1xf32>
    %mul3A_1518 = arith.mulf %squeeze3A_1515, %squeeze3A_1517 : f32
    %max3A_1519 = arith.constant 1.000000e+00 : f32
    %max3A_1520 = arith.maximumf %mul3A_1518, %max3A_1519 : f32
    %mul3A_1521 = arith.constant 2.560000e+02 : f32
    %mul3A_1522 = arith.mulf %max3A_1520, %mul3A_1521 : f32
    %slice3A_1523 = vector.extract_strided_slice %scan3A_1485 {offsets = [0, 2], sizes = [1, 1], strides = [1, 1]} : vector<5x5xf32> to vector<1x1xf32>
    %squeeze3A_1524 = vector.extract %slice3A_1523[0, 0] : f32 from vector<1x1xf32>
    %div3A_1525 = arith.divf %squeeze3A_1524, %mul3A_1522 : f32
    %lt3A_1526 = arith.constant 1.000000e+00 : f32
    %lt3A_1527 = arith.cmpf olt, %div3A_1525, %lt3A_1526 : f32
    %mul3A_1528 = arith.constant 5.000000e-01 : f32
    %mul3A_1529 = arith.mulf %mul3A_1528, %div3A_1525 : f32
    %mul3A_1530 = arith.mulf %mul3A_1529, %div3A_1525 : f32
    %sub3A_1531 = arith.constant 5.000000e-01 : f32
    %sub3A_1532 = arith.subf %div3A_1525, %sub3A_1531 : f32
    %select_n3A_1533 = arith.select %lt3A_1527, %mul3A_1530, %sub3A_1532 : f32
    %gt3A_1534 = arith.constant 0.000000e+00 : f32
    %gt3A_1535 = arith.cmpf ogt, %mul3A_1518, %gt3A_1534 : f32
    %convert_element_type3A_1536 = arith.extui %gt3A_1535 : i1 to i32
    %convert_element_type3A_1537 = arith.sitofp %convert_element_type3A_1536 : i32 to f32
    %add3A_1538 = arith.addf %add3A_1511, %convert_element_type3A_1537 : f32
    %mul3A_1539 = arith.mulf %select_n3A_1533, %convert_element_type3A_1537 : f32
    %add3A_1540 = arith.addf %add3A_1513, %mul3A_1539 : f32
    %slice3A_1541 = vector.extract_strided_slice %broadcast_in_dim3A_1478 {offsets = [0, 0], sizes = [1, 1], strides = [1, 1]} : vector<1x5xf32> to vector<1x1xf32>
    %squeeze3A_1542 = vector.extract %slice3A_1541[0, 0] : f32 from vector<1x1xf32>
    %slice3A_1543 = vector.extract_strided_slice %broadcast_in_dim3A_1478 {offsets = [0, 3], sizes = [1, 1], strides = [1, 1]} : vector<1x5xf32> to vector<1x1xf32>
    %squeeze3A_1544 = vector.extract %slice3A_1543[0, 0] : f32 from vector<1x1xf32>
    %mul3A_1545 = arith.mulf %squeeze3A_1542, %squeeze3A_1544 : f32
    %max3A_1546 = arith.constant 1.000000e+00 : f32
    %max3A_1547 = arith.maximumf %mul3A_1545, %max3A_1546 : f32
    %mul3A_1548 = arith.constant 2.560000e+02 : f32
    %mul3A_1549 = arith.mulf %max3A_1547, %mul3A_1548 : f32
    %slice3A_1550 = vector.extract_strided_slice %scan3A_1485 {offsets = [0, 3], sizes = [1, 1], strides = [1, 1]} : vector<5x5xf32> to vector<1x1xf32>
    %squeeze3A_1551 = vector.extract %slice3A_1550[0, 0] : f32 from vector<1x1xf32>
    %div3A_1552 = arith.divf %squeeze3A_1551, %mul3A_1549 : f32
    %lt3A_1553 = arith.constant 1.000000e+00 : f32
    %lt3A_1554 = arith.cmpf olt, %div3A_1552, %lt3A_1553 : f32
    %mul3A_1555 = arith.constant 5.000000e-01 : f32
    %mul3A_1556 = arith.mulf %mul3A_1555, %div3A_1552 : f32
    %mul3A_1557 = arith.mulf %mul3A_1556, %div3A_1552 : f32
    %sub3A_1558 = arith.constant 5.000000e-01 : f32
    %sub3A_1559 = arith.subf %div3A_1552, %sub3A_1558 : f32
    %select_n3A_1560 = arith.select %lt3A_1554, %mul3A_1557, %sub3A_1559 : f32
    %gt3A_1561 = arith.constant 0.000000e+00 : f32
    %gt3A_1562 = arith.cmpf ogt, %mul3A_1545, %gt3A_1561 : f32
    %convert_element_type3A_1563 = arith.extui %gt3A_1562 : i1 to i32
    %convert_element_type3A_1564 = arith.sitofp %convert_element_type3A_1563 : i32 to f32
    %add3A_1565 = arith.addf %add3A_1538, %convert_element_type3A_1564 : f32
    %mul3A_1566 = arith.mulf %select_n3A_1560, %convert_element_type3A_1564 : f32
    %add3A_1567 = arith.addf %add3A_1540, %mul3A_1566 : f32
    %slice3A_1568 = vector.extract_strided_slice %broadcast_in_dim3A_1478 {offsets = [0, 0], sizes = [1, 1], strides = [1, 1]} : vector<1x5xf32> to vector<1x1xf32>
    %squeeze3A_1569 = vector.extract %slice3A_1568[0, 0] : f32 from vector<1x1xf32>
    %slice3A_1570 = vector.extract_strided_slice %broadcast_in_dim3A_1478 {offsets = [0, 4], sizes = [1, 1], strides = [1, 1]} : vector<1x5xf32> to vector<1x1xf32>
    %squeeze3A_1571 = vector.extract %slice3A_1570[0, 0] : f32 from vector<1x1xf32>
    %mul3A_1572 = arith.mulf %squeeze3A_1569, %squeeze3A_1571 : f32
    %max3A_1573 = arith.constant 1.000000e+00 : f32
    %max3A_1574 = arith.maximumf %mul3A_1572, %max3A_1573 : f32
    %mul3A_1575 = arith.constant 2.560000e+02 : f32
    %mul3A_1576 = arith.mulf %max3A_1574, %mul3A_1575 : f32
    %slice3A_1577 = vector.extract_strided_slice %scan3A_1485 {offsets = [0, 4], sizes = [1, 1], strides = [1, 1]} : vector<5x5xf32> to vector<1x1xf32>
    %squeeze3A_1578 = vector.extract %slice3A_1577[0, 0] : f32 from vector<1x1xf32>
    %div3A_1579 = arith.divf %squeeze3A_1578, %mul3A_1576 : f32
    %lt3A_1580 = arith.constant 1.000000e+00 : f32
    %lt3A_1581 = arith.cmpf olt, %div3A_1579, %lt3A_1580 : f32
    %mul3A_1582 = arith.constant 5.000000e-01 : f32
    %mul3A_1583 = arith.mulf %mul3A_1582, %div3A_1579 : f32
    %mul3A_1584 = arith.mulf %mul3A_1583, %div3A_1579 : f32
    %sub3A_1585 = arith.constant 5.000000e-01 : f32
    %sub3A_1586 = arith.subf %div3A_1579, %sub3A_1585 : f32
    %select_n3A_1587 = arith.select %lt3A_1581, %mul3A_1584, %sub3A_1586 : f32
    %gt3A_1588 = arith.constant 0.000000e+00 : f32
    %gt3A_1589 = arith.cmpf ogt, %mul3A_1572, %gt3A_1588 : f32
    %convert_element_type3A_1590 = arith.extui %gt3A_1589 : i1 to i32
    %convert_element_type3A_1591 = arith.sitofp %convert_element_type3A_1590 : i32 to f32
    %add3A_1592 = arith.addf %add3A_1565, %convert_element_type3A_1591 : f32
    %mul3A_1593 = arith.mulf %select_n3A_1587, %convert_element_type3A_1591 : f32
    %add3A_1594 = arith.addf %add3A_1567, %mul3A_1593 : f32
    %slice3A_1595 = vector.extract_strided_slice %broadcast_in_dim3A_1478 {offsets = [0, 1], sizes = [1, 1], strides = [1, 1]} : vector<1x5xf32> to vector<1x1xf32>
    %squeeze3A_1596 = vector.extract %slice3A_1595[0, 0] : f32 from vector<1x1xf32>
    %slice3A_1597 = vector.extract_strided_slice %broadcast_in_dim3A_1478 {offsets = [0, 2], sizes = [1, 1], strides = [1, 1]} : vector<1x5xf32> to vector<1x1xf32>
    %squeeze3A_1598 = vector.extract %slice3A_1597[0, 0] : f32 from vector<1x1xf32>
    %mul3A_1599 = arith.mulf %squeeze3A_1596, %squeeze3A_1598 : f32
    %max3A_1600 = arith.constant 1.000000e+00 : f32
    %max3A_1601 = arith.maximumf %mul3A_1599, %max3A_1600 : f32
    %mul3A_1602 = arith.constant 2.560000e+02 : f32
    %mul3A_1603 = arith.mulf %max3A_1601, %mul3A_1602 : f32
    %slice3A_1604 = vector.extract_strided_slice %scan3A_1485 {offsets = [1, 2], sizes = [1, 1], strides = [1, 1]} : vector<5x5xf32> to vector<1x1xf32>
    %squeeze3A_1605 = vector.extract %slice3A_1604[0, 0] : f32 from vector<1x1xf32>
    %div3A_1606 = arith.divf %squeeze3A_1605, %mul3A_1603 : f32
    %lt3A_1607 = arith.constant 1.000000e+00 : f32
    %lt3A_1608 = arith.cmpf olt, %div3A_1606, %lt3A_1607 : f32
    %mul3A_1609 = arith.constant 5.000000e-01 : f32
    %mul3A_1610 = arith.mulf %mul3A_1609, %div3A_1606 : f32
    %mul3A_1611 = arith.mulf %mul3A_1610, %div3A_1606 : f32
    %sub3A_1612 = arith.constant 5.000000e-01 : f32
    %sub3A_1613 = arith.subf %div3A_1606, %sub3A_1612 : f32
    %select_n3A_1614 = arith.select %lt3A_1608, %mul3A_1611, %sub3A_1613 : f32
    %gt3A_1615 = arith.constant 0.000000e+00 : f32
    %gt3A_1616 = arith.cmpf ogt, %mul3A_1599, %gt3A_1615 : f32
    %convert_element_type3A_1617 = arith.extui %gt3A_1616 : i1 to i32
    %convert_element_type3A_1618 = arith.sitofp %convert_element_type3A_1617 : i32 to f32
    %add3A_1619 = arith.addf %add3A_1592, %convert_element_type3A_1618 : f32
    %mul3A_1620 = arith.mulf %select_n3A_1614, %convert_element_type3A_1618 : f32
    %add3A_1621 = arith.addf %add3A_1594, %mul3A_1620 : f32
    %slice3A_1622 = vector.extract_strided_slice %broadcast_in_dim3A_1478 {offsets = [0, 1], sizes = [1, 1], strides = [1, 1]} : vector<1x5xf32> to vector<1x1xf32>
    %squeeze3A_1623 = vector.extract %slice3A_1622[0, 0] : f32 from vector<1x1xf32>
    %slice3A_1624 = vector.extract_strided_slice %broadcast_in_dim3A_1478 {offsets = [0, 3], sizes = [1, 1], strides = [1, 1]} : vector<1x5xf32> to vector<1x1xf32>
    %squeeze3A_1625 = vector.extract %slice3A_1624[0, 0] : f32 from vector<1x1xf32>
    %mul3A_1626 = arith.mulf %squeeze3A_1623, %squeeze3A_1625 : f32
    %max3A_1627 = arith.constant 1.000000e+00 : f32
    %max3A_1628 = arith.maximumf %mul3A_1626, %max3A_1627 : f32
    %mul3A_1629 = arith.constant 2.560000e+02 : f32
    %mul3A_1630 = arith.mulf %max3A_1628, %mul3A_1629 : f32
    %slice3A_1631 = vector.extract_strided_slice %scan3A_1485 {offsets = [1, 3], sizes = [1, 1], strides = [1, 1]} : vector<5x5xf32> to vector<1x1xf32>
    %squeeze3A_1632 = vector.extract %slice3A_1631[0, 0] : f32 from vector<1x1xf32>
    %div3A_1633 = arith.divf %squeeze3A_1632, %mul3A_1630 : f32
    %lt3A_1634 = arith.constant 1.000000e+00 : f32
    %lt3A_1635 = arith.cmpf olt, %div3A_1633, %lt3A_1634 : f32
    %mul3A_1636 = arith.constant 5.000000e-01 : f32
    %mul3A_1637 = arith.mulf %mul3A_1636, %div3A_1633 : f32
    %mul3A_1638 = arith.mulf %mul3A_1637, %div3A_1633 : f32
    %sub3A_1639 = arith.constant 5.000000e-01 : f32
    %sub3A_1640 = arith.subf %div3A_1633, %sub3A_1639 : f32
    %select_n3A_1641 = arith.select %lt3A_1635, %mul3A_1638, %sub3A_1640 : f32
    %gt3A_1642 = arith.constant 0.000000e+00 : f32
    %gt3A_1643 = arith.cmpf ogt, %mul3A_1626, %gt3A_1642 : f32
    %convert_element_type3A_1644 = arith.extui %gt3A_1643 : i1 to i32
    %convert_element_type3A_1645 = arith.sitofp %convert_element_type3A_1644 : i32 to f32
    %add3A_1646 = arith.addf %add3A_1619, %convert_element_type3A_1645 : f32
    %mul3A_1647 = arith.mulf %select_n3A_1641, %convert_element_type3A_1645 : f32
    %add3A_1648 = arith.addf %add3A_1621, %mul3A_1647 : f32
    %slice3A_1649 = vector.extract_strided_slice %broadcast_in_dim3A_1478 {offsets = [0, 1], sizes = [1, 1], strides = [1, 1]} : vector<1x5xf32> to vector<1x1xf32>
    %squeeze3A_1650 = vector.extract %slice3A_1649[0, 0] : f32 from vector<1x1xf32>
    %slice3A_1651 = vector.extract_strided_slice %broadcast_in_dim3A_1478 {offsets = [0, 4], sizes = [1, 1], strides = [1, 1]} : vector<1x5xf32> to vector<1x1xf32>
    %squeeze3A_1652 = vector.extract %slice3A_1651[0, 0] : f32 from vector<1x1xf32>
    %mul3A_1653 = arith.mulf %squeeze3A_1650, %squeeze3A_1652 : f32
    %max3A_1654 = arith.constant 1.000000e+00 : f32
    %max3A_1655 = arith.maximumf %mul3A_1653, %max3A_1654 : f32
    %mul3A_1656 = arith.constant 2.560000e+02 : f32
    %mul3A_1657 = arith.mulf %max3A_1655, %mul3A_1656 : f32
    %slice3A_1658 = vector.extract_strided_slice %scan3A_1485 {offsets = [1, 4], sizes = [1, 1], strides = [1, 1]} : vector<5x5xf32> to vector<1x1xf32>
    %squeeze3A_1659 = vector.extract %slice3A_1658[0, 0] : f32 from vector<1x1xf32>
    %div3A_1660 = arith.divf %squeeze3A_1659, %mul3A_1657 : f32
    %lt3A_1661 = arith.constant 1.000000e+00 : f32
    %lt3A_1662 = arith.cmpf olt, %div3A_1660, %lt3A_1661 : f32
    %mul3A_1663 = arith.constant 5.000000e-01 : f32
    %mul3A_1664 = arith.mulf %mul3A_1663, %div3A_1660 : f32
    %mul3A_1665 = arith.mulf %mul3A_1664, %div3A_1660 : f32
    %sub3A_1666 = arith.constant 5.000000e-01 : f32
    %sub3A_1667 = arith.subf %div3A_1660, %sub3A_1666 : f32
    %select_n3A_1668 = arith.select %lt3A_1662, %mul3A_1665, %sub3A_1667 : f32
    %gt3A_1669 = arith.constant 0.000000e+00 : f32
    %gt3A_1670 = arith.cmpf ogt, %mul3A_1653, %gt3A_1669 : f32
    %convert_element_type3A_1671 = arith.extui %gt3A_1670 : i1 to i32
    %convert_element_type3A_1672 = arith.sitofp %convert_element_type3A_1671 : i32 to f32
    %add3A_1673 = arith.addf %add3A_1646, %convert_element_type3A_1672 : f32
    %mul3A_1674 = arith.mulf %select_n3A_1668, %convert_element_type3A_1672 : f32
    %add3A_1675 = arith.addf %add3A_1648, %mul3A_1674 : f32
    %slice3A_1676 = vector.extract_strided_slice %broadcast_in_dim3A_1478 {offsets = [0, 2], sizes = [1, 1], strides = [1, 1]} : vector<1x5xf32> to vector<1x1xf32>
    %squeeze3A_1677 = vector.extract %slice3A_1676[0, 0] : f32 from vector<1x1xf32>
    %slice3A_1678 = vector.extract_strided_slice %broadcast_in_dim3A_1478 {offsets = [0, 3], sizes = [1, 1], strides = [1, 1]} : vector<1x5xf32> to vector<1x1xf32>
    %squeeze3A_1679 = vector.extract %slice3A_1678[0, 0] : f32 from vector<1x1xf32>
    %mul3A_1680 = arith.mulf %squeeze3A_1677, %squeeze3A_1679 : f32
    %max3A_1681 = arith.constant 1.000000e+00 : f32
    %max3A_1682 = arith.maximumf %mul3A_1680, %max3A_1681 : f32
    %mul3A_1683 = arith.constant 2.560000e+02 : f32
    %mul3A_1684 = arith.mulf %max3A_1682, %mul3A_1683 : f32
    %slice3A_1685 = vector.extract_strided_slice %scan3A_1485 {offsets = [2, 3], sizes = [1, 1], strides = [1, 1]} : vector<5x5xf32> to vector<1x1xf32>
    %squeeze3A_1686 = vector.extract %slice3A_1685[0, 0] : f32 from vector<1x1xf32>
    %div3A_1687 = arith.divf %squeeze3A_1686, %mul3A_1684 : f32
    %lt3A_1688 = arith.constant 1.000000e+00 : f32
    %lt3A_1689 = arith.cmpf olt, %div3A_1687, %lt3A_1688 : f32
    %mul3A_1690 = arith.constant 5.000000e-01 : f32
    %mul3A_1691 = arith.mulf %mul3A_1690, %div3A_1687 : f32
    %mul3A_1692 = arith.mulf %mul3A_1691, %div3A_1687 : f32
    %sub3A_1693 = arith.constant 5.000000e-01 : f32
    %sub3A_1694 = arith.subf %div3A_1687, %sub3A_1693 : f32
    %select_n3A_1695 = arith.select %lt3A_1689, %mul3A_1692, %sub3A_1694 : f32
    %gt3A_1696 = arith.constant 0.000000e+00 : f32
    %gt3A_1697 = arith.cmpf ogt, %mul3A_1680, %gt3A_1696 : f32
    %convert_element_type3A_1698 = arith.extui %gt3A_1697 : i1 to i32
    %convert_element_type3A_1699 = arith.sitofp %convert_element_type3A_1698 : i32 to f32
    %add3A_1700 = arith.addf %add3A_1673, %convert_element_type3A_1699 : f32
    %mul3A_1701 = arith.mulf %select_n3A_1695, %convert_element_type3A_1699 : f32
    %add3A_1702 = arith.addf %add3A_1675, %mul3A_1701 : f32
    %slice3A_1703 = vector.extract_strided_slice %broadcast_in_dim3A_1478 {offsets = [0, 2], sizes = [1, 1], strides = [1, 1]} : vector<1x5xf32> to vector<1x1xf32>
    %squeeze3A_1704 = vector.extract %slice3A_1703[0, 0] : f32 from vector<1x1xf32>
    %slice3A_1705 = vector.extract_strided_slice %broadcast_in_dim3A_1478 {offsets = [0, 4], sizes = [1, 1], strides = [1, 1]} : vector<1x5xf32> to vector<1x1xf32>
    %squeeze3A_1706 = vector.extract %slice3A_1705[0, 0] : f32 from vector<1x1xf32>
    %mul3A_1707 = arith.mulf %squeeze3A_1704, %squeeze3A_1706 : f32
    %max3A_1708 = arith.constant 1.000000e+00 : f32
    %max3A_1709 = arith.maximumf %mul3A_1707, %max3A_1708 : f32
    %mul3A_1710 = arith.constant 2.560000e+02 : f32
    %mul3A_1711 = arith.mulf %max3A_1709, %mul3A_1710 : f32
    %slice3A_1712 = vector.extract_strided_slice %scan3A_1485 {offsets = [2, 4], sizes = [1, 1], strides = [1, 1]} : vector<5x5xf32> to vector<1x1xf32>
    %squeeze3A_1713 = vector.extract %slice3A_1712[0, 0] : f32 from vector<1x1xf32>
    %div3A_1714 = arith.divf %squeeze3A_1713, %mul3A_1711 : f32
    %lt3A_1715 = arith.constant 1.000000e+00 : f32
    %lt3A_1716 = arith.cmpf olt, %div3A_1714, %lt3A_1715 : f32
    %mul3A_1717 = arith.constant 5.000000e-01 : f32
    %mul3A_1718 = arith.mulf %mul3A_1717, %div3A_1714 : f32
    %mul3A_1719 = arith.mulf %mul3A_1718, %div3A_1714 : f32
    %sub3A_1720 = arith.constant 5.000000e-01 : f32
    %sub3A_1721 = arith.subf %div3A_1714, %sub3A_1720 : f32
    %select_n3A_1722 = arith.select %lt3A_1716, %mul3A_1719, %sub3A_1721 : f32
    %gt3A_1723 = arith.constant 0.000000e+00 : f32
    %gt3A_1724 = arith.cmpf ogt, %mul3A_1707, %gt3A_1723 : f32
    %convert_element_type3A_1725 = arith.extui %gt3A_1724 : i1 to i32
    %convert_element_type3A_1726 = arith.sitofp %convert_element_type3A_1725 : i32 to f32
    %add3A_1727 = arith.addf %add3A_1700, %convert_element_type3A_1726 : f32
    %mul3A_1728 = arith.mulf %select_n3A_1722, %convert_element_type3A_1726 : f32
    %add3A_1729 = arith.addf %add3A_1702, %mul3A_1728 : f32
    %slice3A_1730 = vector.extract_strided_slice %broadcast_in_dim3A_1478 {offsets = [0, 3], sizes = [1, 1], strides = [1, 1]} : vector<1x5xf32> to vector<1x1xf32>
    %squeeze3A_1731 = vector.extract %slice3A_1730[0, 0] : f32 from vector<1x1xf32>
    %slice3A_1732 = vector.extract_strided_slice %broadcast_in_dim3A_1478 {offsets = [0, 4], sizes = [1, 1], strides = [1, 1]} : vector<1x5xf32> to vector<1x1xf32>
    %squeeze3A_1733 = vector.extract %slice3A_1732[0, 0] : f32 from vector<1x1xf32>
    %mul3A_1734 = arith.mulf %squeeze3A_1731, %squeeze3A_1733 : f32
    %max3A_1735 = arith.constant 1.000000e+00 : f32
    %max3A_1736 = arith.maximumf %mul3A_1734, %max3A_1735 : f32
    %mul3A_1737 = arith.constant 2.560000e+02 : f32
    %mul3A_1738 = arith.mulf %max3A_1736, %mul3A_1737 : f32
    %slice3A_1739 = vector.extract_strided_slice %scan3A_1485 {offsets = [3, 4], sizes = [1, 1], strides = [1, 1]} : vector<5x5xf32> to vector<1x1xf32>
    %squeeze3A_1740 = vector.extract %slice3A_1739[0, 0] : f32 from vector<1x1xf32>
    %div3A_1741 = arith.divf %squeeze3A_1740, %mul3A_1738 : f32
    %lt3A_1742 = arith.constant 1.000000e+00 : f32
    %lt3A_1743 = arith.cmpf olt, %div3A_1741, %lt3A_1742 : f32
    %mul3A_1744 = arith.constant 5.000000e-01 : f32
    %mul3A_1745 = arith.mulf %mul3A_1744, %div3A_1741 : f32
    %mul3A_1746 = arith.mulf %mul3A_1745, %div3A_1741 : f32
    %sub3A_1747 = arith.constant 5.000000e-01 : f32
    %sub3A_1748 = arith.subf %div3A_1741, %sub3A_1747 : f32
    %select_n3A_1749 = arith.select %lt3A_1743, %mul3A_1746, %sub3A_1748 : f32
    %gt3A_1750 = arith.constant 0.000000e+00 : f32
    %gt3A_1751 = arith.cmpf ogt, %mul3A_1734, %gt3A_1750 : f32
    %convert_element_type3A_1752 = arith.extui %gt3A_1751 : i1 to i32
    %convert_element_type3A_1753 = arith.sitofp %convert_element_type3A_1752 : i32 to f32
    %add3A_1754 = arith.addf %add3A_1727, %convert_element_type3A_1753 : f32
    %mul3A_1755 = arith.mulf %select_n3A_1749, %convert_element_type3A_1753 : f32
    %add3A_1756 = arith.addf %add3A_1729, %mul3A_1755 : f32
    %max3A_1757 = arith.constant 1.000000e+00 : f32
    %max3A_1758 = arith.maximumf %add3A_1754, %max3A_1757 : f32
    %div3A_1759 = arith.divf %add3A_1756, %max3A_1758 : f32
    %gt3A_1760 = arith.constant 0.000000e+00 : f32
    %gt3A_1761 = arith.cmpf ogt, %add3A_1754, %gt3A_1760 : f32
    %neg3A = arith.constant 0.000000e+00 : f32
    %neg3A_1762 = arith.subf %neg3A, %div3A_1759 : f32
    %jit3A_1763 = arith.constant 0.000000e+00 : f32
    %select_n3A_1764 = arith.select %gt3A_1761, %neg3A_1762, %jit3A_1763 : f32
    %eq3A_1765 = arith.constant 0.000000e+00 : f32
    %eq3A_1766 = arith.cmpf oeq, %select_n3A_1764, %eq3A_1765 : f32
    %neg3A_1767 = arith.constant 0.000000e+00 : f32
    %neg3A_1768 = arith.constant 4.000000e+00 : f32
    %neg3A_1769 = arith.subf %neg3A_1767, %neg3A_1768 : f32
    %select_n3A_1770 = arith.select %eq3A_1766, %neg3A_1769, %select_n3A_1764 : f32
    %neg3A_1771 = arith.constant 0.000000e+00 : f32
    %neg3A_1772 = arith.subf %neg3A_1771, %select_n3A_1770 : f32
    %div3A_1773 = arith.constant 4.000000e+00 : f32
    %div3A_1774 = arith.divf %neg3A_1772, %div3A_1773 : f32
    %log3A = math.log %div3A_1774 : f32
    %neg3A_1775 = arith.constant 0.000000e+00 : f32
    %neg3A_1776 = arith.subf %neg3A_1775, %log3A : f32
    %swap3A_1777 = arith.constant 0 : index
    %swap3A_1778 = arith.constant 0 : index
    %swap3A_1779 = memref.load %arg3[%swap3A_1777, %swap3A_1778] : memref<1x1xf32, #tpu.memory_space<smem>>
    memref.store %neg3A_1776, %arg3[%swap3A_1777, %swap3A_1778] : memref<1x1xf32, #tpu.memory_space<smem>>
    return
  }
}

</mosaic_0001>

<sc_bundles>
// kernel: kernel.5.cloned.1.call-start
scs
__scs_entry_jumppad:
0x0: {  	(pc) =	sbr.rel $0x88, $3  }
0x1: {  	(tag) =	ssettag $0x0;
	lr =	simm.s32 $0x1  }
0x2: {  	[smem:$0x3F9E] =	sst lr;
	_ =	strace $0xD0000000  }
0x3: {  	_ = 	snop  }
0x4: {  	_ = 	snop  }
0x5: {  	_ = 	snop  }
0x6: {  	_ = 	snop  }
0x7: {  	_ = 	snop  }
__scs_overlays_trampoline_lowered:
0x8: {  	[smem:$0x3FAD] =	sst s0  }
0x9: {  	[smem:$0x3FAE] =	sst s1  }
0xa: {  	[smem:$0x3FAF] =	sst s2  }
0xb: {  	[smem:$0x3FB0] =	sst s3  }
0xc: {  	[smem:$0x3FB1] =	sst s4  }
0xd: {  	[smem:$0x3FB2] =	sst s5  }
0xe: {  	[smem:$0x3FB3] =	sst s6  }
0xf: {  	[smem:$0x3FB4] =	sst s7  }
0x10: {  	[smem:$0x3FB5] =	sst s8  }
0x11: {  	[smem:$0x3FB6] =	sst s9;
	s0 =	simm.s32 @!p0 $0x0  }
0x12: {  	s1 =	sld [smem:$0x3F9C];
	s0 =	simm.s32 @p0 $0x1  }
0x13: {  	[smem:$0x3FB7] =	sst s0;
	s0 =	simm.s32 @!p1 $0x0  }
0x14: {  	s2 =	sld [smem:$0x3F9B];
	s0 =	simm.s32 @p1 $0x1  }
0x15: {  	[smem:$0x3FB8] =	sst s0;
	s0 =	simm.s32 @!p2 $0x0  }
0x16: {  	s3 =	sld [smem:$0x3FDB];
	s0 =	simm.s32 @p2 $0x1  }
0x17: {  	s4 =	simm.s32 $0x1BF5;
	[smem:$0x3FBA] =	sst s0  }
0x18: {  	s0 =	sld [smem:$0x3F9D];
	_ =	swait.ge [sflag:s4], $0x0  }
0x19: {  	s7 =	sld [smem:$0x3F9E]  }
0x1a: {  	s8 =	sadd.s32 $0xFFFFE003, lr  }
0x1b: {  	s9 =	sadd.s32 $0xFFFFFEF7, lr;
	s5 =	simm.s32 $0xFFFFFFFF;
	p2 =	slt.u32 s8, $0xFFFFF086  }
0x1c: {  	p1 =	slt.u32 s9, $0xF7A;
	s5 =	simm.s32 @!p2 $0x0  }
0x1d: {  	s5 =	simm.s32 @p1 $0x1;
	p0 =	seq.s32 s7, s2  }
0x1e: {  	s7 =	smul.u32 @!p0 $0xF7A, s2;
	p2 =	seq.s32 @!p0 s5, $0x0  }
0x1f: {  	s9 =	smul.u32 $0xF7A, s1;
	s8 =	simm.s32 @!p0 $0x1BF5;
	p2 =	por !p2, p0  }
0x20: {  	[sflag:s8] =	ssyncset.s32 @!p0 $0xFFFFF086;
	s6 =	sadd.s32 @!p0 s3, s7;
	s7 =	simm.s32 @!p0 $0x108  }
0x21: {  	s3 =	sadd.s32 s3, s9;
	s6 =	sadd.s32 @!p0 $0x88, s6;
	s7 =	simm.s32 @p2 $0x1082  }
0x22: {  	[simem:s7], [sflag:s8] =	dma.local @!p0 [hbm:s6], $0xF7A  }
0x23: {  	s9 =	sor.u32 $0xD0000000, s2;
	s6 =	simm.s32 $0x108;
	_ =	swait.ge @!p0 [sflag:s8], $0x0  }
0x24: {  	s3 =	sadd.s32 $0x88, s3;
	s6 =	simm.s32 @!p1 $0x1082;
	[sflag:s4] =	ssyncset.s32 $0xFFFFF086  }
0x25: {  	[simem:s6], [sflag:s4] =	dma.local [hbm:s3], $0xF7A  }
0x26: {  	[smem:$0x3F9E] =	sst s1;
	(tag) =	ssettag s2;
	_ =	strace s9  }
0x27: {  	s1 =	sld [smem:$0x3FAE]  }
0x28: {  	s2 =	sld [smem:$0x3FAF]  }
0x29: {  	s4 =	sld [smem:$0x3FB1]  }
0x2a: {  	p0 =	seq.s32 s5, $0x0;
	s5 =	sld [smem:$0x3FB2]  }
0x2b: {  	s6 =	sld [smem:$0x3FB3]  }
0x2c: {  	s7 =	sld [smem:$0x3FB4]  }
0x2d: {  	s3 =	simm.s32 $0x108;
	s8 =	sld [smem:$0x3FB5]  }
0x2e: {  	s3 =	simm.s32 @!p0 $0x1082;
	s9 =	sld [smem:$0x3FB6]  }
0x2f: {  	lr =	sadd.s32 s0, s3;
	s0 =	sld [smem:$0x3FAD]  }
0x30: {  	s3 =	sld [smem:$0x3FB0]  }
0x31: {  	[smem:$0x3FB9] =	sst s10  }
0x32: {  	s10 =	sld [smem:$0x3FB7];
	_ =	sdelay $0x3  }
0x33: {  	p0 =	seq.s32 s10, $0x1;
	s10 =	sld [smem:$0x3FB9];
	_ =	sdelay $0x3  }
0x34: {  	[smem:$0x3FB9] =	sst s10  }
0x35: {  	s10 =	sld [smem:$0x3FB8];
	_ =	sdelay $0x3  }
0x36: {  	p1 =	seq.s32 s10, $0x1;
	s10 =	sld [smem:$0x3FB9];
	_ =	sdelay $0x3  }
0x37: {  	[smem:$0x3FB9] =	sst s10  }
0x38: {  	s10 =	sld [smem:$0x3FBA]  }
0x39: {  	_ = 	snop;
	(pc) =	sbr.ind lr, $3  }
0x3a: {  	_ = 	snop  }
0x3b: {  	_ = 	snop  }
0x3c: {  	p2 =	seq.s32 s10, $0x1;
	s10 =	sld [smem:$0x3FB9]  }
0x3d: {  	_ =	shalt  }
0x3e: {  	_ =	shalt  }
0x3f: {  	_ =	shalt  }
0x40: {  	_ =	shalt  }
0x41: {  	_ =	shalt  }
0x42: {  	_ =	shalt  }
0x43: {  	_ =	shalt  }
0x44: {  	_ =	shalt  }
0x45: {  	_ =	shalt  }
0x46: {  	_ =	shalt  }
0x47: {  	_ =	shalt  }
0x48: {  	_ =	shalt  }
0x49: {  	_ =	shalt  }
0x4a: {  	_ =	shalt  }
0x4b: {  	_ =	shalt  }
0x4c: {  	_ =	shalt  }
0x4d: {  	_ =	shalt  }
0x4e: {  	_ =	shalt  }
0x4f: {  	_ =	shalt  }
0x50: {  	_ =	shalt  }
0x51: {  	_ =	shalt  }
0x52: {  	_ =	shalt  }
0x53: {  	_ =	shalt  }
0x54: {  	_ =	shalt  }
0x55: {  	_ =	shalt  }
0x56: {  	_ =	shalt  }
0x57: {  	_ =	shalt  }
0x58: {  	_ =	shalt  }
0x59: {  	_ =	shalt  }
0x5a: {  	_ =	shalt  }
0x5b: {  	_ =	shalt  }
0x5c: {  	_ =	shalt  }
0x5d: {  	_ =	shalt  }
0x5e: {  	_ =	shalt  }
0x5f: {  	_ =	shalt  }
0x60: {  	_ =	shalt  }
0x61: {  	_ =	shalt  }
0x62: {  	_ =	shalt  }
0x63: {  	_ =	shalt  }
0x64: {  	_ =	shalt  }
0x65: {  	_ =	shalt  }
0x66: {  	_ =	shalt  }
0x67: {  	_ =	shalt  }
0x68: {  	_ =	shalt  }
0x69: {  	_ =	shalt  }
0x6a: {  	_ =	shalt  }
0x6b: {  	_ =	shalt  }
0x6c: {  	_ =	shalt  }
0x6d: {  	_ =	shalt  }
0x6e: {  	_ =	shalt  }
0x6f: {  	_ =	shalt  }
0x70: {  	_ =	shalt  }
0x71: {  	_ =	shalt  }
0x72: {  	_ =	shalt  }
0x73: {  	_ =	shalt  }
0x74: {  	_ =	shalt  }
0x75: {  	_ =	shalt  }
0x76: {  	_ =	shalt  }
0x77: {  	_ =	shalt  }
0x78: {  	_ =	shalt  }
0x79: {  	_ =	shalt  }
0x7a: {  	_ =	shalt  }
0x7b: {  	_ =	shalt  }
0x7c: {  	_ =	shalt  }
0x7d: {  	_ =	shalt  }
0x7e: {  	_ =	shalt  }
0x7f: {  	_ =	shalt  }
0x80: {  	_ =	shalt  }
0x81: {  	_ =	shalt  }
0x82: {  	_ =	shalt  }
0x83: {  	_ =	shalt  }
0x84: {  	_ =	shalt  }
0x85: {  	_ =	shalt  }
0x86: {  	_ =	shalt  }
0x87: {  	_ =	shalt  }
.Lfunc_end0:
.L_simem_size_0:
called_computation_lowered:
.L_overlay_start_0:
0x88: {  	s2 =	sld [smem:$0x3FD9]  }
0x89: {  	s3 =	sld [smem:$0x3FFE];
	_ =	sdelay $0x1  }
0x8a: {  	s1 =	srdreg.scid  }
0x8b: {  	s0 =	sand.u32 $0x1, s1  }
0x8c: {  	s17 =	sshll.u32 s0, $0xA;
	s2 =	sadd.s32 s3, s2  }
0x8d: {  	s2 =	sadd.s32 s2, s17  }
0x8e: {  	[smem:$0x3FC5] =	sst s2  }
0x8f: {  	_ = 	snop  }
0x90: {  	s2 =	sld [smem:$0x3FC7];
	(tm) =	ssettm $0x1  }
0x91: {  	s18 =	sld [smem:$0x3FFB];
	_ =	sdelay $0x3  }
0x92: {  	_ =	strace s18  }
0x93: {  	s3 =	sld [smem:$0x3FFC];
	_ =	sdelay $0x3  }
0x94: {  	_ =	strace s3  }
0x95: {  	s3 =	sld [smem:$0x3FFD];
	_ =	sdelay $0x3  }
0x96: {  	_ =	strace s3  }
0x97: {  	_ =	strace $0x8FFFFFFF  }
0x98: {  	s19 =	sld [smem:$0x3FDB];
	_ =	sdelay $0x1  }
0x99: {  	s4 =	simm.s32 $_scs_section_size  }
0x9a: {  	s5 =	simm.s32 $_size__tile_overlayer_lowered;
	s6 =	simm.s32 $_tile_overlayer_lowered  }
0x9b: {  	s22 =	simm.s32 $0x1BFF;
	s21 =	sshll.u32 s6, $0x1;
	s3 =	sadd.s32 s4, s19  }
0x9c: {  	s7 =	simm.s32 $0x0;
	s20 =	sshll.u32 s5, $0x1;
	s5 =	sadd.s32 s21, s3  }
0x9d: {  	[timem:s7], [sflag:s22] =	dma.local [hbm:s5], s20  }
0x9e: {  	_ =	swait.ge [sflag:s22], s20  }
0x9f: {  	s4 =	ssub.s32 $0x0, s20;
	[sflag:s22] =	ssyncset.done $0x0  }
0xa0: {  	[sflag:s22] =	ssyncadd.s32 s4;
	_ =	sdelay $0x1  }
0xa1: {  	s23 =	simm.s32 $0x1B8B  }
0xa2: {  	_ =	swait.ge [sflag:s23], $0x1  }
0xa3: {  	[sflag:s23] =	ssyncset.done $0x0  }
0xa4: {  	s25 =	simm.s32 $0x1B8E;
	s24 =	sld [smem:$0x3FFE];
	[sflag:s23] =	ssyncadd.s32 $0xFFFFFFFF  }
0xa5: {  	s26 =	simm.s32 $execute0_lowered;
	[smem:$0x3FD2] =	sst s25  }
0xa6: {  	s5 =	sshll.u32 s26, $0x1;
	_ =	strace $0x80000046;
	[dreg:$0x1] =	wrdreg $0xFFFFFFFF  }
0xa7: {  	s28 =	simm.s32 $_size_execute0_lowered;
	s3 =	sadd.s32 s3, s5;
	[dreg:$0x0] =	wrdreg $0x0  }
0xa8: {  	s5 =	sshll.u32 s28, $0x1;
	[dreg:$0x2] =	wrdreg s3  }
0xa9: {  	[dreg:$0x3] =	wrdreg s5  }
0xaa: {  	[dreg:$0x4] =	wrdreg $0xC0  }
0xab: {  	_ =	task [dreg:s7], $0x5FFFF  }
0xac: {  	[dreg:$0x1] =	wrdreg $0xFFFFFFFF  }
0xad: {  	[dreg:$0x0] =	wrdreg $0x60  }
0xae: {  	[dreg:$0x2] =	wrdreg s2  }
0xaf: {  	[dreg:$0x3] =	wrdreg s24  }
0xb0: {  	[dreg:$0x4] =	wrdreg $0xC800  }
0xb1: {  	[dreg:$0x5] =	wrdreg $0x9  }
0xb2: {  	_ =	task.clear_ibuf [dreg:s7], $0x6FFFF;
	_ =	strace $0x90000046  }
0xb3: {  	s29 =	simm.s32 $0x9;
	_ =	strace $0x80000048  }
0xb4: {  	_ =	swait.ge [sflag:s29], $0x1  }
0xb5: {  	[sflag:s29] =	ssyncadd.s32 $0xFFFFFFFF  }
0xb6: {  	_ =	strace $0x90000048  }
0xb7: {  	_ =	sfence  }
0xb8: {  	s30 =	sld [smem:$0x0];
	_ =	sdelay $0x2  }
0xb9: {  	s31 =	sshll.u32 s1, $0xD;
	s1 =	sshrl.u32 s1, $0x2  }
0xba: {  	s3 =	sand.u32 $0x4000, s31;
	s1 =	sadd.s32 s1, s30  }
0xbb: {  	s0 =	sor.u32 s3, s0;
	s1 =	sshll.u32 s1, $0x11  }
0xbc: {  	s0 =	sor.u32 s1, s0  }
0xbd: {  	s0 =	sadd.s32 $0x8F2B, s0  }
0xbe: {  	[sflag:s0] =	ssyncadd.remote.s32 $0x1  }
0xbf: {  	_ =	sfence.sel $0xFFFF  }
0xc0: {  	[dreg:$0x0] =	wrdreg $0xFFFFFFFF;
	(pc) =	sbr.abs _section_cstart, $3  }
0xc1: {  	[dreg:$0x1] =	wrdreg $0xFFFFFFFF  }
0xc2: {  	_ =	task.clear_ibuf [dreg:s7], $0x2FFFF;
	_ =	strace $0x9FFFFFFF  }
0xc3: {  	(tm) =	ssettm $0x7FFFFFFF  }
tec
execute0_lowered:
.L_overlay_start_1:
0x0: {  	(tag) =	ssettag $0x1  }
0x1: {  	s3 =	rddreg [dreg:$0x0]  }
0x2: {  	s2 =	rddreg [dreg:$0x1]  }
0x3: {  	s5 =	rddreg [dreg:$0x2]  }
0x4: {  	v0 =	vimm.s32 $0xFEDCBA98;
	v1 =	vimm.s32 $0x76543210;
	s0 =	rddreg [dreg:$0x3];
	s1 =	simm.s32 $0x0;
	v2 =	vimm.s32 $0xBA98FEDC  }
0x5: {  	s4 =	srdreg.scid;
	v3 =	vimm.s32 $0x32107654;
	v4 =	vimm.s32 $0xDCFE98BA;
	[smem:$0x7FF] =	sst s1  }
0x6: {  	v5 =	vimm.s32 $0x54761032;
	v6 =	vimm.s32 $0xEFCDAB89;
	s11 =	simm.s32 $0x0;
	s4 =	sand.u32 $0x1, s4;
	_ =	strace $0x80000047  }
0x7: {  	v7 =	vimm.s32 $0x67452301;
	v0 =	vunpack.c.l.s4.s8 v0;
	v1 =	vunpack.c.l.s4.s8 v1;
	s6 =	sshll.u32 s4, $0x5;
	s7 =	ssub.s32 $0x2, s4;
	s4 =	sshll.u32 s4, $0xC  }
0x8: {  	v2 =	vunpack.c.l.s4.s8 v2;
	v3 =	vunpack.c.l.s4.s8 v3;
	v4 =	vunpack.c.l.s4.s8 v4;
	s6 =	sadd.s32 s6, s2;
	s2 =	stileid.u32;
	s8 =	sshrl.u32 s7, $0x1  }
0x9: {  	v5 =	vunpack.c.l.s4.s8 v5;
	v6 =	vunpack.c.l.s4.s8 v6;
	v7 =	vunpack.c.l.s4.s8 v7;
	s9 =	sshll.u32 s2, $0x8;
	s7 =	ssub.s32 s7, s8;
	s29 =	sshrl.u32 s2, $0x3  }
0xa: {  	v0 =	vunpack.c.0.s8.s32 v0;
	v1 =	vunpack.c.0.s8.s32 v1;
	v2 =	vunpack.c.0.s8.s32 v2;
	s30 =	sand.u32 $0x7, s2;
	s10 =	sshll.u32 s2, $0x7;
	s3 =	sadd.s32 s3, s9  }
0xb: {  	v3 =	vunpack.c.0.s8.s32 v3;
	v4 =	vunpack.c.0.s8.s32 v4;
	v5 =	vunpack.c.0.s8.s32 v5;
	s31 =	sshll.u32 s29, $0x4;
	s8 =	sshll.u32 s29, $0xA;
	s7 =	smax.u32 s7, $0x1  }
0xc: {  	v6 =	vunpack.c.0.s8.s32 v6;
	v7 =	vunpack.c.0.s8.s32 v7;
	v0 =	vand.u32 $0xF, v0;
	p0 =	sne.s32 s30, $0x0;
	s9 =	simm.s32 $0xC00;
	s3 =	sadd.s32 s4, s3  }
0xd: {  	s6 =	sadd.s32 s31, s6;
	s4 =	sadd.s32 s10, s5;
	s5 =	sadd.s32 s8, s5;
	v0 =	vcombine.low v0, v1;
	v1 =	vcombine.low v3, v2  }
0xe: {  	s8 =	simm.s32 $0x1;
	v2 =	vcombine.low v5, v4;
	s10 =	simm.s32 $0x800;
	v3 =	vcombine.low v7, v6;
	s6 =	sadd.s32 $0xC00, s6  }
.LBB2_1:
0xf: {  	[tilespmem:s1], [sflag:$0x1] =	stream.linear.gather [hbm4b:s3+s1], $0x800, $0x38;
	[tilespmem:$0xC90] =	vst v63  }
0x10: {  	_ =	swait.ge [sflag:s8], $0x800  }
0x11: {  	[sflag:s8] =	ssyncset.done $0x0  }
0x12: {  	s13 =	simm.s32 $0x0;
	[sflag:s8] =	ssyncadd.s32 $0xFFFFF800  }
0x13: {  	v4 =	vimm.s32 $0x0;
	s12 =	simm.s32 $0x40;
	v5 =	vld [tilespmem:s13+$0x0]  }
.LBB2_2:
0x14: {  	p1 =	sne.s32 s12, $0x1FC0  }
.Ltmp0:
0x15: {  	_ = 	snop;
	(pc) =	sbr.rel @p1 .LBB2_2-.Ltmp0, $3  }
0x16: {  	_ =	sdelay $0x1  }
0x17: {  	s13 =	sshra.s32 s12, $0x2;
	s12 =	sadd.s32 $0x40, s12;
	vm0 =	vgt.s32 v4, v5  }
0x18: {  	v4 =	vsel vm0, v4, v5;
	v5 =	vld [tilespmem:s13+$0x0]  }
0x19: {  	_ =	sdelay $0x3  }
0x1a: {  	vm0 =	vgt.s32 v4, v5  }
0x1b: {  	v4 =	vsel vm0, v4, v5  }
0x1c: {  	[tilespmem:$0xC00] =	vst v4  }
0x1d: {  	[spmem:s4] =	stream.linear.scatter [tilespmem:s9], [sflag:$0x1], $0x80, $0x38;
	[tilespmem:$0xC90] =	vst v63  }
0x1e: {  	_ =	swait.ge [sflag:s8], $0x80  }
0x1f: {  	[sflag:s8] =	ssyncset.done $0x0  }
0x20: {  	[sflag:s8] =	ssyncadd.s32 $0xFFFFFF80  }
0x21: {  	[bflag:$0x0] =	sbarrier.arrive $0xFFFF  }
0x22: {  	[tilespmem:s10], [sflag:$0x1] =	stream.linear.gather [spmem:s5], $0x400, $0x38;
	[tilespmem:$0xC90] =	vst v63  }
0x23: {  	_ =	swait.ge [sflag:s8], $0x400  }
0x24: {  	[sflag:s8] =	ssyncset.done $0x0  }
0x25: {  	[sflag:s8] =	ssyncadd.s32 $0xFFFFFC00  }
0x26: {  	v4 =	vld [tilespmem:$0x800]  }
0x27: {  	v5 =	vld [tilespmem:$0x880];
	_ =	sdelay $0x1  }
0x28: {  	v6 =	vld [tilespmem:$0x900];
	_ =	sdelay $0x1  }
0x29: {  	v7 =	vld [tilespmem:$0x980]  }
0x2a: {  	vm15 =	vgt.s32 v4, v5  }
0x2b: {  	v4 =	vsel vm15, v4, v5;
	v5 =	vld [tilespmem:$0xA00]  }
0x2c: {  	vm0 =	vgt.s32 v4, v6  }
0x2d: {  	v62 =	vld [tilespmem:$0xA80];
	v4 =	vsel vm0, v4, v6  }
0x2e: {  	vm0 =	vgt.s32 v4, v7  }
0x2f: {  	v63 =	vld [tilespmem:$0xB00];
	v4 =	vsel vm0, v4, v7  }
0x30: {  	vm0 =	vgt.s32 v4, v5  }
0x31: {  	v4 =	vsel vm0, v4, v5;
	v5 =	vld [tilespmem:$0xB80]  }
0x32: {  	vm0 =	vgt.s32 v4, v62  }
0x33: {  	v4 =	vsel vm0, v4, v62  }
0x34: {  	vm0 =	vgt.s32 v4, v63  }
0x35: {  	v4 =	vsel vm0, v4, v63  }
0x36: {  	vm0 =	vgt.s32 v4, v5  }
0x37: {  	v4 =	vsel vm0, v4, v5  }
0x38: {  	v5 =	vperm.xlane v4, v0;
	_ =	sdelay $0x1  }
0x39: {  	vm0 =	vgt.s32 v4, v5  }
0x3a: {  	v4 =	vsel vm0, v4, v5  }
0x3b: {  	v5 =	vperm.xlane v4, v1;
	_ =	sdelay $0x1  }
0x3c: {  	vm0 =	vgt.s32 v4, v5  }
0x3d: {  	v4 =	vsel vm0, v4, v5  }
0x3e: {  	v5 =	vperm.xlane v4, v2;
	_ =	sdelay $0x1  }
0x3f: {  	vm0 =	vgt.s32 v4, v5  }
0x40: {  	v4 =	vsel vm0, v4, v5  }
0x41: {  	v5 =	vperm.xlane v4, v3;
	_ =	sdelay $0x1  }
0x42: {  	vm0 =	vgt.s32 @!p0 v4, v5  }
0x43: {  	s11 =	sadd.s32 $0x1, s11;
	v4 =	vsel @!p0 vm0, v4, v5  }
0x44: {  	s12 =	simm.s32 @!p0 $0x0;
	s13 =	simm.s32 @!p0 $0xC00;
	p1 =	sne.s32 s11, s7;
	[tilespmem:$0xC00] =	vst @!p0 v4  }
0x45: {  	[hbm4b:s6+s12] =	stream.linear.scatter @!p0 [tilespmem:s13], [sflag:$0x1], $0x80, $0x38;
	[tilespmem:$0xC90] =	vst v63  }
.Ltmp1:
0x46: {  	_ = 	snop;
	(pc) =	sbr.rel @p1 .LBB2_1-.Ltmp1, $4  }
0x47: {  	s12 =	simm.s32 @!p0 $0x1  }
0x48: {  	_ =	swait.ge @!p0 [sflag:s12], $0x80  }
0x49: {  	[sflag:s12] =	ssyncset.done @!p0 $0x0  }
0x4a: {  	[sflag:s12] =	ssyncadd.s32 @!p0 $0xFFFFFF80  }
0x4b: {  	_ =	sfence.sel $0x180000  }
0x4c: {  	[bflag:$0x0] =	sbarrier.arrive $0xFFFF  }
0x4d: {  	p0 =	sne.s32 s2, $0x0;
	_ =	strace $0x90000047  }
0x4e: {  	s0 =	sadd.s32 @!p0 $0x100000, s0;
	[bflag:$0x2] =	sbarrier.arrive $0xFFFF  }
0x4f: {  	[sflag:s0] =	ssyncadd.tile.s32 @!p0 $0x1;
	_ =	shalt  }
.Lfunc_end2:
_tile_overlayer_lowered:
.L_overlay_start_2:
0x50: {  	(tag) =	ssettag $0x2  }
0x51: {  	s0 =	rddreg [dreg:$0x0];
	s2 =	stileid.u32  }
0x52: {  	s1 =	rddreg [dreg:$0x1];
	p0 =	sne.s32 s2, $0x0  }
0x53: {  	s3 =	rddreg [dreg:$0x2];
	[bflag:$0x3] =	sbarrier.arrive $0xFFFF;
	s2 =	simm.s32 @!p0 $0x1C01  }
0x54: {  	[timem:s3], [sflag:s2] =	dma.local @!p0 [hbm:s0], s1  }
0x55: {  	s0 =	simm.s32 @!p0 $0x1  }
0x56: {  	_ =	swait.ge @!p0 [sflag:s0], s1  }
0x57: {  	s1 =	ssub.s32 @!p0 $0x0, s1;
	[sflag:s0] =	ssyncset.done @!p0 $0x0  }
0x58: {  	[sflag:s0] =	ssyncadd.s32 @!p0 s1  }
0x59: {  	[bflag:$0x3] =	sbarrier.arrive $0xFFFF  }
0x5a: {  	_ =	shalt  }

</sc_bundles>
